<compile_context>
chip_gen: v7x
topology: tpu7x:2x2x1
jax: 0.10.2.dev20260603
libtpu: 0.0.44.dev20260713+nightly
codegen_flags: <defaults>
</compile_context>

<pallas_src>
import functools

import jax
import jax.numpy as jnp
from jax.experimental import pallas as pl
from jax.experimental.pallas import tpu as pltpu

B, S, DIM = 1, 2048, 768
HEADS, HDIM = 12, 64
INTER = 1024
E, TOPK = 64, 2
EPS = 1e-6

SBLK = 256
NSB = S // SBLK
T = 128
NA = S * TOPK
NB = NA // T + (E - 1)


def _rms(x, w):
    return w * (x * jax.lax.rsqrt(jnp.mean(x * x, axis=-1, keepdims=True) + EPS))


def _bdot(a, b):
    return jnp.dot(a.astype(jnp.bfloat16), b.astype(jnp.bfloat16),
                   preferred_element_type=jnp.float32)


def _qkv_kernel(x_ref, w1_ref, wq_ref, wk_ref, wv_ref, q_ref, k_ref, v_ref):
    xn = _rms(x_ref[...], w1_ref[...])
    q_ref[...] = _bdot(xn, wq_ref[...])
    k_ref[...] = _bdot(xn, wk_ref[...])
    v_ref[...] = _bdot(xn, wv_ref[...])


def _attn_kernel(q_ref, k_ref, v_ref, o_ref):
    for hp in range(2):
        sl = slice(hp * HDIM, (hp + 1) * HDIM)
        q = (q_ref[:, sl] * (HDIM ** -0.5)).astype(jnp.bfloat16)
        k = k_ref[:, sl].astype(jnp.bfloat16)
        s = jax.lax.dot_general(q, k, (((1,), (1,)), ((), ())),
                                preferred_element_type=jnp.float32)
        m = jnp.max(s, axis=-1, keepdims=True)
        p = jnp.exp(s - m)
        p = p / jnp.sum(p, axis=-1, keepdims=True)
        o_ref[:, sl] = _bdot(p, v_ref[:, sl])


def _route_kernel(x_ref, a_ref, wo_ref, w2_ref, wr_ref,
                  x1_ref, h_ref, i1_ref, i2_ref, wa_ref, wb_ref):
    x1 = x_ref[...] + _bdot(a_ref[...], wo_ref[...])
    x1_ref[...] = x1
    h = _rms(x1, w2_ref[...])
    h_ref[...] = h
    logits = jnp.dot(h, wr_ref[...], preferred_element_type=jnp.float32)
    m = jnp.max(logits, axis=-1, keepdims=True)
    p = jnp.exp(logits - m)
    p = p / jnp.sum(p, axis=-1, keepdims=True)
    v1 = jnp.max(p, axis=-1)
    i1 = jnp.argmax(p, axis=-1).astype(jnp.int32)
    cols = jax.lax.broadcasted_iota(jnp.int32, (SBLK, E), 1)
    p2 = jnp.where(cols == i1[:, None], -1.0, p)
    v2 = jnp.max(p2, axis=-1)
    i2 = jnp.argmax(p2, axis=-1).astype(jnp.int32)
    tot = v1 + v2
    i1_ref[0, 0] = i1
    i2_ref[0, 0] = i2
    wa_ref[0, 0] = v1 / tot
    wb_ref[0, 0] = v2 / tot


def _moe_kernel(bexp_ref, brow_ref, bn_ref, st_ref,
                h_ref, x1_ref, sw_ref, wg_ref, wu_ref, wd_ref,
                out_ref, hs, acc):
    b = pl.program_id(0)

    @pl.when(b == 0)
    def _init():
        out_ref[...] = x1_ref[...]

    n = bn_ref[b]

    @pl.when(n > 0)
    def _work():
        base = brow_ref[b]

        def gbody(t, _):
            hs[t, :] = h_ref[st_ref[base + t], :]
            return 0
        jax.lax.fori_loop(0, T, gbody, 0, unroll=True)

        hv = hs[...]
        g = _bdot(hv, wg_ref[0])
        u = _bdot(hv, wu_ref[0])
        a = (g * jax.nn.sigmoid(g)) * u
        eo = _bdot(a, wd_ref[0])

        w = sw_ref[pl.ds(base, T), :]
        rows = jax.lax.broadcasted_iota(jnp.int32, (T, 1), 0)
        w = jnp.where(rows < n, w, 0.0)
        acc[...] = eo * w

        def sbody(t, _):
            out_ref[st_ref[base + t], :] += acc[t, :]
            return 0
        jax.lax.fori_loop(0, n, sbody, 0)


def kernel(x, Wq, Wk, Wv, Wo, Wr, Wg, Wu, Wd, w1, w2):
    xf = x.reshape(S, DIM)
    w1r = w1.reshape(1, DIM)
    w2r = w2.reshape(1, DIM)

    q, k, v = pl.pallas_call(
        _qkv_kernel,
        grid=(NSB,),
        in_specs=[
            pl.BlockSpec((SBLK, DIM), lambda i: (i, 0)),
            pl.BlockSpec((1, DIM), lambda i: (0, 0)),
            pl.BlockSpec((DIM, DIM), lambda i: (0, 0)),
            pl.BlockSpec((DIM, DIM), lambda i: (0, 0)),
            pl.BlockSpec((DIM, DIM), lambda i: (0, 0)),
        ],
        out_specs=[pl.BlockSpec((SBLK, DIM), lambda i: (i, 0))] * 3,
        out_shape=[jax.ShapeDtypeStruct((S, DIM), jnp.float32)] * 3,
    )(xf, w1r, Wq, Wk, Wv)

    attn = pl.pallas_call(
        _attn_kernel,
        grid=(HEADS // 2, NSB),
        in_specs=[
            pl.BlockSpec((SBLK, 2 * HDIM), lambda h, i: (i, h)),
            pl.BlockSpec((S, 2 * HDIM), lambda h, i: (0, h)),
            pl.BlockSpec((S, 2 * HDIM), lambda h, i: (0, h)),
        ],
        out_specs=pl.BlockSpec((SBLK, 2 * HDIM), lambda h, i: (i, h)),
        out_shape=jax.ShapeDtypeStruct((S, DIM), jnp.float32),
    )(q, k, v)

    x1, h, i1, i2, wa, wb = pl.pallas_call(
        _route_kernel,
        grid=(NSB,),
        in_specs=[
            pl.BlockSpec((SBLK, DIM), lambda i: (i, 0)),
            pl.BlockSpec((SBLK, DIM), lambda i: (i, 0)),
            pl.BlockSpec((DIM, DIM), lambda i: (0, 0)),
            pl.BlockSpec((1, DIM), lambda i: (0, 0)),
            pl.BlockSpec((DIM, E), lambda i: (0, 0)),
        ],
        out_specs=[
            pl.BlockSpec((SBLK, DIM), lambda i: (i, 0)),
            pl.BlockSpec((SBLK, DIM), lambda i: (i, 0)),
            pl.BlockSpec((1, 1, SBLK), lambda i: (i, 0, 0)),
            pl.BlockSpec((1, 1, SBLK), lambda i: (i, 0, 0)),
            pl.BlockSpec((1, 1, SBLK), lambda i: (i, 0, 0)),
            pl.BlockSpec((1, 1, SBLK), lambda i: (i, 0, 0)),
        ],
        out_shape=[
            jax.ShapeDtypeStruct((S, DIM), jnp.float32),
            jax.ShapeDtypeStruct((S, DIM), jnp.float32),
            jax.ShapeDtypeStruct((NSB, 1, SBLK), jnp.int32),
            jax.ShapeDtypeStruct((NSB, 1, SBLK), jnp.int32),
            jax.ShapeDtypeStruct((NSB, 1, SBLK), jnp.float32),
            jax.ShapeDtypeStruct((NSB, 1, SBLK), jnp.float32),
        ],
    )(xf, attn, Wo, w2r, Wr)

    eid = jnp.concatenate([i1.reshape(S), i2.reshape(S)])
    tok = jnp.concatenate([jnp.arange(S, dtype=jnp.int32)] * 2)
    wts = jnp.concatenate([wa.reshape(S), wb.reshape(S)])
    order = jnp.argsort(eid)
    st = jnp.concatenate([tok[order], jnp.zeros((T,), jnp.int32)])
    sw = jnp.concatenate([wts[order], jnp.zeros((T,), jnp.float32)]).reshape(NA + T, 1)

    counts = jnp.bincount(eid, length=E)
    offs = jnp.concatenate([jnp.zeros((1,), counts.dtype),
                            jnp.cumsum(counts)[:-1]])
    ntiles = (counts + T - 1) // T
    ctiles = jnp.cumsum(ntiles)
    bar = jnp.arange(NB)
    bexp = jnp.minimum(jnp.searchsorted(ctiles, bar, side="right"), E - 1)
    j = bar - (ctiles[bexp] - ntiles[bexp])
    brow = jnp.clip(offs[bexp] + j * T, 0, NA).astype(jnp.int32)
    bn = jnp.clip(counts[bexp] - j * T, 0, T).astype(jnp.int32)
    bexp = bexp.astype(jnp.int32)

    out = pl.pallas_call(
        _moe_kernel,
        grid_spec=pltpu.PrefetchScalarGridSpec(
            num_scalar_prefetch=4,
            grid=(NB,),
            in_specs=[
                pl.BlockSpec((S, DIM), lambda b, *_: (0, 0)),
                pl.BlockSpec((S, DIM), lambda b, *_: (0, 0)),
                pl.BlockSpec((NA + T, 1), lambda b, *_: (0, 0)),
                pl.BlockSpec((1, DIM, INTER), lambda b, be, br, bnn, stt: (be[b], 0, 0)),
                pl.BlockSpec((1, DIM, INTER), lambda b, be, br, bnn, stt: (be[b], 0, 0)),
                pl.BlockSpec((1, INTER, DIM), lambda b, be, br, bnn, stt: (be[b], 0, 0)),
            ],
            out_specs=pl.BlockSpec((S, DIM), lambda b, *_: (0, 0)),
            scratch_shapes=[
                pltpu.VMEM((T, DIM), jnp.float32),
                pltpu.VMEM((T, DIM), jnp.float32),
            ],
        ),
        out_shape=jax.ShapeDtypeStruct((S, DIM), jnp.float32),
        compiler_params=pltpu.CompilerParams(
            dimension_semantics=("arbitrary",),
        ),
    )(bexp, brow, bn, st, h, x1, sw, Wg, Wu, Wd)

    return out.reshape(B, S, DIM)

# --- scband reference (transcript-rebuilt; emitter-appended) ---
"""Pipeline reference for scband-transformer-block-88424786690745 (READ-ONLY COPY).

The authoritative reference and input builder live on the scoring server;
editing this copy changes nothing except your own understanding.
"""

import jax, jax.numpy as jnp
import numpy as np

B, S, DIM = 1, 2048, 768
HEADS, HDIM = 12, 64
INTER = 1024
E, TOPK = 64, 2
EPS = 1e-6


def rmsnorm(x, w):
    return w * (x * jax.lax.rsqrt(jnp.mean(x * x, axis=-1, keepdims=True) + EPS))


def attention(x, Wq, Wk, Wv, Wo):
    q = (x @ Wq).reshape(B, S, HEADS, HDIM).transpose(0, 2, 1, 3)
    k = (x @ Wk).reshape(B, S, HEADS, HDIM).transpose(0, 2, 1, 3)
    v = (x @ Wv).reshape(B, S, HEADS, HDIM).transpose(0, 2, 1, 3)
    attn = (q @ k.transpose(0, 1, 3, 2)) * (HDIM ** -0.5)
    attn = jax.nn.softmax(attn, axis=-1)
    out = (attn @ v).transpose(0, 2, 1, 3).reshape(B, S, DIM)
    return out @ Wo


def setup_inputs(seed: int = 0):
    key = jax.random.key(seed)
    ks = jax.random.split(key, 12)
    s = 0.02
    x = jax.random.normal(ks[0], (B, S, DIM), dtype=jnp.float32)
    Wq = jax.random.normal(ks[1], (DIM, DIM), dtype=jnp.float32) * s
    Wk = jax.random.normal(ks[2], (DIM, DIM), dtype=jnp.float32) * s
    Wv = jax.random.normal(ks[3], (DIM, DIM), dtype=jnp.float32) * s
    Wo = jax.random.normal(ks[4], (DIM, DIM), dtype=jnp.float32) * s
    Wr = jax.random.normal(ks[5], (DIM, E), dtype=jnp.float32) * s
    Wg = jax.random.normal(ks[6], (E, DIM, INTER), dtype=jnp.float32) * s
    Wu = jax.random.normal(ks[7], (E, DIM, INTER), dtype=jnp.float32) * s
    Wd = jax.random.normal(ks[8], (E, INTER, DIM), dtype=jnp.float32) * s
    w1 = jnp.ones((DIM,), dtype=jnp.float32)
    w2 = jnp.ones((DIM,), dtype=jnp.float32)
    return {"x": x, "Wq": Wq, "Wk": Wk, "Wv": Wv, "Wo": Wo, "Wr": Wr, "Wg": Wg, "Wu": Wu, "Wd": Wd, "w1": w1, "w2": w2}


def reference(x, Wq, Wk, Wv, Wo, Wr, Wg, Wu, Wd, w1, w2):
    # attention + residual
    x1 = x + attention(rmsnorm(x, w1), Wq, Wk, Wv, Wo)
    # MoE branch
    h = rmsnorm(x1, w2).reshape(-1, DIM)
    router_logits = h @ Wr
    probs = jax.nn.softmax(router_logits, axis=-1)
    topv, topi = jax.lax.top_k(probs, TOPK)
    topv = topv / jnp.sum(topv, axis=-1, keepdims=True)
    final = jnp.zeros_like(h)
    for i in range(TOPK):
        for e in range(E):
            w = jnp.where(topi[:, i] == e, topv[:, i], 0.0)
            eo = (jax.nn.silu(h @ Wg[e]) * (h @ Wu[e])) @ Wd[e]
            final = final + eo * w[:, None]
    return x1 + final.reshape(B, S, DIM)

if __name__ == "__main__":
    import jax
    _d = setup_inputs()
    print(jax.jit(kernel)(*tuple(_d.values())))

</pallas_src>

<mosaic_0001>
module attributes {stable_mosaic.version = 14 : i64} {
  func.func @_attn_kernel(%arg0: i32, %arg1: i32, %arg2: memref<256x128xf32, #tpu.memory_space<vmem>>, %arg3: memref<2048x128xf32, #tpu.memory_space<vmem>>, %arg4: memref<2048x128xf32, #tpu.memory_space<vmem>>, %arg5: memref<256x128xf32, #tpu.memory_space<vmem>>) attributes {dimension_semantics = [#tpu.dimension_semantics<arbitrary>, #tpu.dimension_semantics<arbitrary>], iteration_bounds = array<i64: 6, 8>, scalar_prefetch = 0 : i64, scratch_operands = 0 : i64, tpu.core_type = #tpu.core_type<tc>, window_params = [{transform_indices = @transform_0, window_bounds = array<i64: 256, 128>}, {transform_indices = @transform_1, window_bounds = array<i64: 2048, 128>}, {transform_indices = @transform_2, window_bounds = array<i64: 2048, 128>}, {transform_indices = @transform_3, window_bounds = array<i64: 256, 128>}]} {
    %get3A = arith.constant 0 : index
    %get3A_0 = arith.constant 0 : index
    %get3A_1 = vector.load %arg2[%get3A, %get3A_0] : memref<256x128xf32, #tpu.memory_space<vmem>>, vector<256x64xf32>
    %mul3A = arith.constant 1.250000e-01 : f32
    %mul3A_2 = vector.broadcast %mul3A : f32 to vector<256x64xf32>
    %mul3A_3 = arith.mulf %get3A_1, %mul3A_2 : vector<256x64xf32>
    %convert_element_type3A = arith.truncf %mul3A_3 : vector<256x64xf32> to vector<256x64xbf16>
    %get3A_4 = arith.constant 0 : index
    %get3A_5 = arith.constant 0 : index
    %get3A_6 = vector.load %arg3[%get3A_4, %get3A_5] : memref<2048x128xf32, #tpu.memory_space<vmem>>, vector<2048x64xf32>
    %convert_element_type3A_7 = arith.truncf %get3A_6 : vector<2048x64xf32> to vector<2048x64xbf16>
    %dot_general3A = arith.constant dense<0.000000e+00> : vector<256x2048xf32>
    %dot_general3A_8 = tpu.matmul %convert_element_type3A, %convert_element_type3A_7, %dot_general3A {dimension_numbers = #tpu.dot_dimension_numbers<[1], [1], [0], [0], [0, 0, 1, 0], [], []>, transpose_lhs_hint = false} : vector<256x64xbf16>, vector<2048x64xbf16>, vector<256x2048xf32> -> vector<256x2048xf32>
    %reduce_max3A = arith.constant dense<0xFF800000> : vector<256xf32>
    %reduce_max3A_9 = vector.multi_reduction <maximumf>, %dot_general3A_8, %reduce_max3A [1] : vector<256x2048xf32> to vector<256xf32>
    %broadcast_in_dim3A = vector.shape_cast %reduce_max3A_9 : vector<256xf32> to vector<256x1xf32>
    %sub3A = vector.broadcast %broadcast_in_dim3A : vector<256x1xf32> to vector<256x2048xf32>
    %sub3A_10 = arith.subf %dot_general3A_8, %sub3A : vector<256x2048xf32>
    %exp3A = math.exp %sub3A_10 : vector<256x2048xf32>
    %reduce_sum3A = arith.constant dense<0.000000e+00> : vector<256xf32>
    %reduce_sum3A_11 = vector.multi_reduction <add>, %exp3A, %reduce_sum3A [1] : vector<256x2048xf32> to vector<256xf32>
    %broadcast_in_dim3A_12 = vector.shape_cast %reduce_sum3A_11 : vector<256xf32> to vector<256x1xf32>
    %div3A = vector.broadcast %broadcast_in_dim3A_12 : vector<256x1xf32> to vector<256x2048xf32>
    %div3A_13 = arith.divf %exp3A, %div3A : vector<256x2048xf32>
    %get3A_14 = arith.constant 0 : index
    %get3A_15 = arith.constant 0 : index
    %get3A_16 = vector.load %arg4[%get3A_14, %get3A_15] : memref<2048x128xf32, #tpu.memory_space<vmem>>, vector<2048x64xf32>
    %convert_element_type3A_17 = arith.truncf %div3A_13 : vector<256x2048xf32> to vector<256x2048xbf16>
    %convert_element_type3A_18 = arith.truncf %get3A_16 : vector<2048x64xf32> to vector<2048x64xbf16>
    %dot_general3A_19 = arith.constant dense<0.000000e+00> : vector<256x64xf32>
    %dot_general3A_20 = tpu.matmul %convert_element_type3A_17, %convert_element_type3A_18, %dot_general3A_19 {dimension_numbers = #tpu.dot_dimension_numbers<[1], [0], [0], [1], [0, 0, 1, 1], [], []>, transpose_lhs_hint = false} : vector<256x2048xbf16>, vector<2048x64xbf16>, vector<256x64xf32> -> vector<256x64xf32>
    %swap3A = arith.constant 0 : index
    %swap3A_21 = arith.constant 0 : index
    %swap3A_22 = vector.load %arg5[%swap3A, %swap3A_21] : memref<256x128xf32, #tpu.memory_space<vmem>>, vector<256x64xf32>
    tpu.vector_store %arg5[%swap3A, %swap3A_21], %dot_general3A_20 {strides = array<i32>} : memref<256x128xf32, #tpu.memory_space<vmem>>, vector<256x64xf32>,
    %get3A_23 = arith.constant 0 : index
    %get3A_24 = arith.constant 64 : index
    %get3A_25 = vector.load %arg2[%get3A_23, %get3A_24] : memref<256x128xf32, #tpu.memory_space<vmem>>, vector<256x64xf32>
    %mul3A_26 = arith.constant 1.250000e-01 : f32
    %mul3A_27 = vector.broadcast %mul3A_26 : f32 to vector<256x64xf32>
    %mul3A_28 = arith.mulf %get3A_25, %mul3A_27 : vector<256x64xf32>
    %convert_element_type3A_29 = arith.truncf %mul3A_28 : vector<256x64xf32> to vector<256x64xbf16>
    %get3A_30 = arith.constant 0 : index
    %get3A_31 = arith.constant 64 : index
    %get3A_32 = vector.load %arg3[%get3A_30, %get3A_31] : memref<2048x128xf32, #tpu.memory_space<vmem>>, vector<2048x64xf32>
    %convert_element_type3A_33 = arith.truncf %get3A_32 : vector<2048x64xf32> to vector<2048x64xbf16>
    %dot_general3A_34 = arith.constant dense<0.000000e+00> : vector<256x2048xf32>
    %dot_general3A_35 = tpu.matmul %convert_element_type3A_29, %convert_element_type3A_33, %dot_general3A_34 {dimension_numbers = #tpu.dot_dimension_numbers<[1], [1], [0], [0], [0, 0, 1, 0], [], []>, transpose_lhs_hint = false} : vector<256x64xbf16>, vector<2048x64xbf16>, vector<256x2048xf32> -> vector<256x2048xf32>
    %reduce_max3A_36 = arith.constant dense<0xFF800000> : vector<256xf32>
    %reduce_max3A_37 = vector.multi_reduction <maximumf>, %dot_general3A_35, %reduce_max3A_36 [1] : vector<256x2048xf32> to vector<256xf32>
    %broadcast_in_dim3A_38 = vector.shape_cast %reduce_max3A_37 : vector<256xf32> to vector<256x1xf32>
    %sub3A_39 = vector.broadcast %broadcast_in_dim3A_38 : vector<256x1xf32> to vector<256x2048xf32>
    %sub3A_40 = arith.subf %dot_general3A_35, %sub3A_39 : vector<256x2048xf32>
    %exp3A_41 = math.exp %sub3A_40 : vector<256x2048xf32>
    %reduce_sum3A_42 = arith.constant dense<0.000000e+00> : vector<256xf32>
    %reduce_sum3A_43 = vector.multi_reduction <add>, %exp3A_41, %reduce_sum3A_42 [1] : vector<256x2048xf32> to vector<256xf32>
    %broadcast_in_dim3A_44 = vector.shape_cast %reduce_sum3A_43 : vector<256xf32> to vector<256x1xf32>
    %div3A_45 = vector.broadcast %broadcast_in_dim3A_44 : vector<256x1xf32> to vector<256x2048xf32>
    %div3A_46 = arith.divf %exp3A_41, %div3A_45 : vector<256x2048xf32>
    %get3A_47 = arith.constant 0 : index
    %get3A_48 = arith.constant 64 : index
    %get3A_49 = vector.load %arg4[%get3A_47, %get3A_48] : memref<2048x128xf32, #tpu.memory_space<vmem>>, vector<2048x64xf32>
    %convert_element_type3A_50 = arith.truncf %div3A_46 : vector<256x2048xf32> to vector<256x2048xbf16>
    %convert_element_type3A_51 = arith.truncf %get3A_49 : vector<2048x64xf32> to vector<2048x64xbf16>
    %dot_general3A_52 = arith.constant dense<0.000000e+00> : vector<256x64xf32>
    %dot_general3A_53 = tpu.matmul %convert_element_type3A_50, %convert_element_type3A_51, %dot_general3A_52 {dimension_numbers = #tpu.dot_dimension_numbers<[1], [0], [0], [1], [0, 0, 1, 1], [], []>, transpose_lhs_hint = false} : vector<256x2048xbf16>, vector<2048x64xbf16>, vector<256x64xf32> -> vector<256x64xf32>
    %swap3A_54 = arith.constant 0 : index
    %swap3A_55 = arith.constant 64 : index
    %swap3A_56 = vector.load %arg5[%swap3A_54, %swap3A_55] : memref<256x128xf32, #tpu.memory_space<vmem>>, vector<256x64xf32>
    tpu.vector_store %arg5[%swap3A_54, %swap3A_55], %dot_general3A_53 {strides = array<i32>} : memref<256x128xf32, #tpu.memory_space<vmem>>, vector<256x64xf32>,
    return
  }
  func.func @transform_0(%arg0: i32, %arg1: i32) -> (i32, i32) {
    %c0_i32 = arith.constant 0 : i32
    return %arg1, %arg0 : i32, i32
  }
  func.func @transform_1(%arg0: i32, %arg1: i32) -> (i32, i32) {
    %c0_i32 = arith.constant 0 : i32
    %c0_i32_0 = arith.constant 0 : i32
    return %c0_i32, %arg0 : i32, i32
  }
  func.func @transform_2(%arg0: i32, %arg1: i32) -> (i32, i32) {
    %c0_i32 = arith.constant 0 : i32
    %c0_i32_0 = arith.constant 0 : i32
    return %c0_i32, %arg0 : i32, i32
  }
  func.func @transform_3(%arg0: i32, %arg1: i32) -> (i32, i32) {
    %c0_i32 = arith.constant 0 : i32
    return %arg1, %arg0 : i32, i32
  }
}

module attributes {stable_mosaic.version = 14 : i64} {
  func.func @_qkv_kernel(%arg0: i32, %arg1: memref<256x768xf32, #tpu.memory_space<vmem>>, %arg2: memref<1x768xf32, #tpu.memory_space<vmem>>, %arg3: memref<768x768xf32, #tpu.memory_space<vmem>>, %arg4: memref<768x768xf32, #tpu.memory_space<vmem>>, %arg5: memref<768x768xf32, #tpu.memory_space<vmem>>, %arg6: memref<256x768xf32, #tpu.memory_space<vmem>>, %arg7: memref<256x768xf32, #tpu.memory_space<vmem>>, %arg8: memref<256x768xf32, #tpu.memory_space<vmem>>) attributes {dimension_semantics = [#tpu.dimension_semantics<arbitrary>], iteration_bounds = array<i64: 8>, scalar_prefetch = 0 : i64, scratch_operands = 0 : i64, tpu.core_type = #tpu.core_type<tc>, window_params = [{transform_indices = @transform_0, window_bounds = array<i64: 256, 768>}, {pipeline_mode = #tpu.pipeline_mode<synchronous>, transform_indices = @transform_1, window_bounds = array<i64: 1, 768>}, {pipeline_mode = #tpu.pipeline_mode<synchronous>, transform_indices = @transform_2, window_bounds = array<i64: 768, 768>}, {pipeline_mode = #tpu.pipeline_mode<synchronous>, transform_indices = @transform_3, window_bounds = array<i64: 768, 768>}, {pipeline_mode = #tpu.pipeline_mode<synchronous>, transform_indices = @transform_4, window_bounds = array<i64: 768, 768>}, {transform_indices = @transform_5, window_bounds = array<i64: 256, 768>}, {transform_indices = @transform_6, window_bounds = array<i64: 256, 768>}, {transform_indices = @transform_7, window_bounds = array<i64: 256, 768>}]} {
    %get3A = arith.constant 0 : index
    %get3A_0 = arith.constant 0 : index
    %get3A_1 = vector.load %arg1[%get3A, %get3A_0] : memref<256x768xf32, #tpu.memory_space<vmem>>, vector<256x768xf32>
    %get3A_2 = arith.constant 0 : index
    %get3A_3 = arith.constant 0 : index
    %get3A_4 = vector.load %arg2[%get3A_2, %get3A_3] : memref<1x768xf32, #tpu.memory_space<vmem>>, vector<1x768xf32>
    %mul3A = arith.mulf %get3A_1, %get3A_1 : vector<256x768xf32>
    %reduce_sum3A = arith.constant dense<0.000000e+00> : vector<256xf32>
    %reduce_sum3A_5 = vector.multi_reduction <add>, %mul3A, %reduce_sum3A [1] : vector<256x768xf32> to vector<256xf32>
    %broadcast_in_dim3A = vector.shape_cast %reduce_sum3A_5 : vector<256xf32> to vector<256x1xf32>
    %div3A = arith.constant 7.680000e+02 : f32
    %div3A_6 = vector.broadcast %div3A : f32 to vector<256x1xf32>
    %div3A_7 = arith.divf %broadcast_in_dim3A, %div3A_6 : vector<256x1xf32>
    %add3A = arith.constant 9.99999997E-7 : f32
    %add3A_8 = vector.broadcast %add3A : f32 to vector<256x1xf32>
    %add3A_9 = arith.addf %div3A_7, %add3A_8 : vector<256x1xf32>
    %rsqrt3A = math.rsqrt %add3A_9 : vector<256x1xf32>
    %mul3A_10 = vector.broadcast %rsqrt3A : vector<256x1xf32> to vector<256x768xf32>
    %mul3A_11 = arith.mulf %get3A_1, %mul3A_10 : vector<256x768xf32>
    %mul3A_12 = vector.broadcast %get3A_4 : vector<1x768xf32> to vector<256x768xf32>
    %mul3A_13 = arith.mulf %mul3A_12, %mul3A_11 : vector<256x768xf32>
    %get3A_14 = arith.constant 0 : index
    %get3A_15 = arith.constant 0 : index
    %get3A_16 = vector.load %arg3[%get3A_14, %get3A_15] : memref<768x768xf32, #tpu.memory_space<vmem>>, vector<768x768xf32>
    %convert_element_type3A = arith.truncf %mul3A_13 : vector<256x768xf32> to vector<256x768xbf16>
    %convert_element_type3A_17 = arith.truncf %get3A_16 : vector<768x768xf32> to vector<768x768xbf16>
    %dot_general3A = arith.constant dense<0.000000e+00> : vector<256x768xf32>
    %dot_general3A_18 = tpu.matmul %convert_element_type3A, %convert_element_type3A_17, %dot_general3A {dimension_numbers = #tpu.dot_dimension_numbers<[1], [0], [0], [1], [0, 0, 1, 1], [], []>, transpose_lhs_hint = false} : vector<256x768xbf16>, vector<768x768xbf16>, vector<256x768xf32> -> vector<256x768xf32>
    %swap3A = arith.constant 0 : index
    %swap3A_19 = arith.constant 0 : index
    %swap3A_20 = vector.load %arg6[%swap3A, %swap3A_19] : memref<256x768xf32, #tpu.memory_space<vmem>>, vector<256x768xf32>
    tpu.vector_store %arg6[%swap3A, %swap3A_19], %dot_general3A_18 {strides = array<i32>} : memref<256x768xf32, #tpu.memory_space<vmem>>, vector<256x768xf32>,
    %get3A_21 = arith.constant 0 : index
    %get3A_22 = arith.constant 0 : index
    %get3A_23 = vector.load %arg4[%get3A_21, %get3A_22] : memref<768x768xf32, #tpu.memory_space<vmem>>, vector<768x768xf32>
    %convert_element_type3A_24 = arith.truncf %mul3A_13 : vector<256x768xf32> to vector<256x768xbf16>
    %convert_element_type3A_25 = arith.truncf %get3A_23 : vector<768x768xf32> to vector<768x768xbf16>
    %dot_general3A_26 = arith.constant dense<0.000000e+00> : vector<256x768xf32>
    %dot_general3A_27 = tpu.matmul %convert_element_type3A_24, %convert_element_type3A_25, %dot_general3A_26 {dimension_numbers = #tpu.dot_dimension_numbers<[1], [0], [0], [1], [0, 0, 1, 1], [], []>, transpose_lhs_hint = false} : vector<256x768xbf16>, vector<768x768xbf16>, vector<256x768xf32> -> vector<256x768xf32>
    %swap3A_28 = arith.constant 0 : index
    %swap3A_29 = arith.constant 0 : index
    %swap3A_30 = vector.load %arg7[%swap3A_28, %swap3A_29] : memref<256x768xf32, #tpu.memory_space<vmem>>, vector<256x768xf32>
    tpu.vector_store %arg7[%swap3A_28, %swap3A_29], %dot_general3A_27 {strides = array<i32>} : memref<256x768xf32, #tpu.memory_space<vmem>>, vector<256x768xf32>,
    %get3A_31 = arith.constant 0 : index
    %get3A_32 = arith.constant 0 : index
    %get3A_33 = vector.load %arg5[%get3A_31, %get3A_32] : memref<768x768xf32, #tpu.memory_space<vmem>>, vector<768x768xf32>
    %convert_element_type3A_34 = arith.truncf %mul3A_13 : vector<256x768xf32> to vector<256x768xbf16>
    %convert_element_type3A_35 = arith.truncf %get3A_33 : vector<768x768xf32> to vector<768x768xbf16>
    %dot_general3A_36 = arith.constant dense<0.000000e+00> : vector<256x768xf32>
    %dot_general3A_37 = tpu.matmul %convert_element_type3A_34, %convert_element_type3A_35, %dot_general3A_36 {dimension_numbers = #tpu.dot_dimension_numbers<[1], [0], [0], [1], [0, 0, 1, 1], [], []>, transpose_lhs_hint = false} : vector<256x768xbf16>, vector<768x768xbf16>, vector<256x768xf32> -> vector<256x768xf32>
    %swap3A_38 = arith.constant 0 : index
    %swap3A_39 = arith.constant 0 : index
    %swap3A_40 = vector.load %arg8[%swap3A_38, %swap3A_39] : memref<256x768xf32, #tpu.memory_space<vmem>>, vector<256x768xf32>
    tpu.vector_store %arg8[%swap3A_38, %swap3A_39], %dot_general3A_37 {strides = array<i32>} : memref<256x768xf32, #tpu.memory_space<vmem>>, vector<256x768xf32>,
    return
  }
  func.func @transform_0(%arg0: i32) -> (i32, i32) {
    %c0_i32 = arith.constant 0 : i32
    %c0_i32_0 = arith.constant 0 : i32
    return %arg0, %c0_i32 : i32, i32
  }
  func.func @transform_1(%arg0: i32) -> (i32, i32) {
    %c0_i32 = arith.constant 0 : i32
    %c0_i32_0 = arith.constant 0 : i32
    %c0_i32_1 = arith.constant 0 : i32
    return %c0_i32, %c0_i32_0 : i32, i32
  }
  func.func @transform_2(%arg0: i32) -> (i32, i32) {
    %c0_i32 = arith.constant 0 : i32
    %c0_i32_0 = arith.constant 0 : i32
    %c0_i32_1 = arith.constant 0 : i32
    return %c0_i32, %c0_i32_0 : i32, i32
  }
  func.func @transform_3(%arg0: i32) -> (i32, i32) {
    %c0_i32 = arith.constant 0 : i32
    %c0_i32_0 = arith.constant 0 : i32
    %c0_i32_1 = arith.constant 0 : i32
    return %c0_i32, %c0_i32_0 : i32, i32
  }
  func.func @transform_4(%arg0: i32) -> (i32, i32) {
    %c0_i32 = arith.constant 0 : i32
    %c0_i32_0 = arith.constant 0 : i32
    %c0_i32_1 = arith.constant 0 : i32
    return %c0_i32, %c0_i32_0 : i32, i32
  }
  func.func @transform_5(%arg0: i32) -> (i32, i32) {
    %c0_i32 = arith.constant 0 : i32
    %c0_i32_0 = arith.constant 0 : i32
    return %arg0, %c0_i32 : i32, i32
  }
  func.func @transform_6(%arg0: i32) -> (i32, i32) {
    %c0_i32 = arith.constant 0 : i32
    %c0_i32_0 = arith.constant 0 : i32
    return %arg0, %c0_i32 : i32, i32
  }
  func.func @transform_7(%arg0: i32) -> (i32, i32) {
    %c0_i32 = arith.constant 0 : i32
    %c0_i32_0 = arith.constant 0 : i32
    return %arg0, %c0_i32 : i32, i32
  }
}

module attributes {stable_mosaic.version = 14 : i64} {
  func.func @_route_kernel(%arg0: i32, %arg1: memref<256x768xf32, #tpu.memory_space<vmem>>, %arg2: memref<256x768xf32, #tpu.memory_space<vmem>>, %arg3: memref<768x768xf32, #tpu.memory_space<vmem>>, %arg4: memref<1x768xf32, #tpu.memory_space<vmem>>, %arg5: memref<768x64xf32, #tpu.memory_space<vmem>>, %arg6: memref<256x768xf32, #tpu.memory_space<vmem>>, %arg7: memref<256x768xf32, #tpu.memory_space<vmem>>, %arg8: memref<1x1x256xi32, #tpu.memory_space<vmem>>, %arg9: memref<1x1x256xi32, #tpu.memory_space<vmem>>, %arg10: memref<1x1x256xf32, #tpu.memory_space<vmem>>, %arg11: memref<1x1x256xf32, #tpu.memory_space<vmem>>) attributes {dimension_semantics = [#tpu.dimension_semantics<arbitrary>], iteration_bounds = array<i64: 8>, scalar_prefetch = 0 : i64, scratch_operands = 0 : i64, tpu.core_type = #tpu.core_type<tc>, window_params = [{transform_indices = @transform_0, window_bounds = array<i64: 256, 768>}, {transform_indices = @transform_1, window_bounds = array<i64: 256, 768>}, {pipeline_mode = #tpu.pipeline_mode<synchronous>, transform_indices = @transform_2, window_bounds = array<i64: 768, 768>}, {pipeline_mode = #tpu.pipeline_mode<synchronous>, transform_indices = @transform_3, window_bounds = array<i64: 1, 768>}, {pipeline_mode = #tpu.pipeline_mode<synchronous>, transform_indices = @transform_4, window_bounds = array<i64: 768, 64>}, {transform_indices = @transform_5, window_bounds = array<i64: 256, 768>}, {transform_indices = @transform_6, window_bounds = array<i64: 256, 768>}, {transform_indices = @transform_7, window_bounds = array<i64: 1, 1, 256>}, {transform_indices = @transform_8, window_bounds = array<i64: 1, 1, 256>}, {transform_indices = @transform_9, window_bounds = array<i64: 1, 1, 256>}, {transform_indices = @transform_10, window_bounds = array<i64: 1, 1, 256>}]} {
    %get3A = arith.constant 0 : index
    %get3A_0 = arith.constant 0 : index
    %get3A_1 = vector.load %arg1[%get3A, %get3A_0] : memref<256x768xf32, #tpu.memory_space<vmem>>, vector<256x768xf32>
    %get3A_2 = arith.constant 0 : index
    %get3A_3 = arith.constant 0 : index
    %get3A_4 = vector.load %arg2[%get3A_2, %get3A_3] : memref<256x768xf32, #tpu.memory_space<vmem>>, vector<256x768xf32>
    %get3A_5 = arith.constant 0 : index
    %get3A_6 = arith.constant 0 : index
    %get3A_7 = vector.load %arg3[%get3A_5, %get3A_6] : memref<768x768xf32, #tpu.memory_space<vmem>>, vector<768x768xf32>
    %convert_element_type3A = arith.truncf %get3A_4 : vector<256x768xf32> to vector<256x768xbf16>
    %convert_element_type3A_8 = arith.truncf %get3A_7 : vector<768x768xf32> to vector<768x768xbf16>
    %dot_general3A = arith.constant dense<0.000000e+00> : vector<256x768xf32>
    %dot_general3A_9 = tpu.matmul %convert_element_type3A, %convert_element_type3A_8, %dot_general3A {dimension_numbers = #tpu.dot_dimension_numbers<[1], [0], [0], [1], [0, 0, 1, 1], [], []>, transpose_lhs_hint = false} : vector<256x768xbf16>, vector<768x768xbf16>, vector<256x768xf32> -> vector<256x768xf32>
    %add3A = arith.addf %get3A_1, %dot_general3A_9 : vector<256x768xf32>
    %swap3A = arith.constant 0 : index
    %swap3A_10 = arith.constant 0 : index
    %swap3A_11 = vector.load %arg6[%swap3A, %swap3A_10] : memref<256x768xf32, #tpu.memory_space<vmem>>, vector<256x768xf32>
    tpu.vector_store %arg6[%swap3A, %swap3A_10], %add3A {strides = array<i32>} : memref<256x768xf32, #tpu.memory_space<vmem>>, vector<256x768xf32>,
    %get3A_12 = arith.constant 0 : index
    %get3A_13 = arith.constant 0 : index
    %get3A_14 = vector.load %arg4[%get3A_12, %get3A_13] : memref<1x768xf32, #tpu.memory_space<vmem>>, vector<1x768xf32>
    %mul3A = arith.mulf %add3A, %add3A : vector<256x768xf32>
    %reduce_sum3A = arith.constant dense<0.000000e+00> : vector<256xf32>
    %reduce_sum3A_15 = vector.multi_reduction <add>, %mul3A, %reduce_sum3A [1] : vector<256x768xf32> to vector<256xf32>
    %broadcast_in_dim3A = vector.shape_cast %reduce_sum3A_15 : vector<256xf32> to vector<256x1xf32>
    %div3A = arith.constant 7.680000e+02 : f32
    %div3A_16 = vector.broadcast %div3A : f32 to vector<256x1xf32>
    %div3A_17 = arith.divf %broadcast_in_dim3A, %div3A_16 : vector<256x1xf32>
    %add3A_18 = arith.constant 9.99999997E-7 : f32
    %add3A_19 = vector.broadcast %add3A_18 : f32 to vector<256x1xf32>
    %add3A_20 = arith.addf %div3A_17, %add3A_19 : vector<256x1xf32>
    %rsqrt3A = math.rsqrt %add3A_20 : vector<256x1xf32>
    %mul3A_21 = vector.broadcast %rsqrt3A : vector<256x1xf32> to vector<256x768xf32>
    %mul3A_22 = arith.mulf %add3A, %mul3A_21 : vector<256x768xf32>
    %mul3A_23 = vector.broadcast %get3A_14 : vector<1x768xf32> to vector<256x768xf32>
    %mul3A_24 = arith.mulf %mul3A_23, %mul3A_22 : vector<256x768xf32>
    %swap3A_25 = arith.constant 0 : index
    %swap3A_26 = arith.constant 0 : index
    %swap3A_27 = vector.load %arg7[%swap3A_25, %swap3A_26] : memref<256x768xf32, #tpu.memory_space<vmem>>, vector<256x768xf32>
    tpu.vector_store %arg7[%swap3A_25, %swap3A_26], %mul3A_24 {strides = array<i32>} : memref<256x768xf32, #tpu.memory_space<vmem>>, vector<256x768xf32>,
    %get3A_28 = arith.constant 0 : index
    %get3A_29 = arith.constant 0 : index
    %get3A_30 = vector.load %arg5[%get3A_28, %get3A_29] : memref<768x64xf32, #tpu.memory_space<vmem>>, vector<768x64xf32>
    %dot_general3A_31 = arith.constant dense<0.000000e+00> : vector<256x64xf32>
    %dot_general3A_32 = tpu.matmul %mul3A_24, %get3A_30, %dot_general3A_31 {dimension_numbers = #tpu.dot_dimension_numbers<[1], [0], [0], [1], [0, 0, 1, 1], [], []>, transpose_lhs_hint = false} : vector<256x768xf32>, vector<768x64xf32>, vector<256x64xf32> -> vector<256x64xf32>
    %reduce_max3A = arith.constant dense<0xFF800000> : vector<256xf32>
    %reduce_max3A_33 = vector.multi_reduction <maximumf>, %dot_general3A_32, %reduce_max3A [1] : vector<256x64xf32> to vector<256xf32>
    %broadcast_in_dim3A_34 = vector.shape_cast %reduce_max3A_33 : vector<256xf32> to vector<256x1xf32>
    %sub3A = vector.broadcast %broadcast_in_dim3A_34 : vector<256x1xf32> to vector<256x64xf32>
    %sub3A_35 = arith.subf %dot_general3A_32, %sub3A : vector<256x64xf32>
    %exp3A = math.exp %sub3A_35 : vector<256x64xf32>
    %reduce_sum3A_36 = arith.constant dense<0.000000e+00> : vector<256xf32>
    %reduce_sum3A_37 = vector.multi_reduction <add>, %exp3A, %reduce_sum3A_36 [1] : vector<256x64xf32> to vector<256xf32>
    %broadcast_in_dim3A_38 = vector.shape_cast %reduce_sum3A_37 : vector<256xf32> to vector<256x1xf32>
    %div3A_39 = vector.broadcast %broadcast_in_dim3A_38 : vector<256x1xf32> to vector<256x64xf32>
    %div3A_40 = arith.divf %exp3A, %div3A_39 : vector<256x64xf32>
    %reduce_max3A_41 = arith.constant dense<0xFF800000> : vector<256xf32>
    %reduce_max3A_42 = vector.multi_reduction <maximumf>, %div3A_40, %reduce_max3A_41 [1] : vector<256x64xf32> to vector<256xf32>
    %argmax3A = tpu.reduce_index %div3A_40 {axis = 1 : i32, kind = #tpu.reduction_kind<arg_max>} : vector<256x64xf32> -> vector<256xi32>
    %iota3A = tpu.iota {dimensions = array<i32: 1>} : vector<256x64xi32>
    %broadcast_in_dim3A_43 = vector.shape_cast %argmax3A : vector<256xi32> to vector<256x1xi32>
    %eq3A = vector.broadcast %broadcast_in_dim3A_43 : vector<256x1xi32> to vector<256x64xi32>
    %eq3A_44 = arith.cmpi eq, %iota3A, %eq3A : vector<256x64xi32>
    %jit3A = arith.constant -1.000000e+00 : f32
    %broadcast_in_dim3A_45 = vector.broadcast %jit3A : f32 to vector<256x64xf32>
    %select_n3A = arith.select %eq3A_44, %broadcast_in_dim3A_45, %div3A_40 : vector<256x64xi1>, vector<256x64xf32>
    %reduce_max3A_46 = arith.constant dense<0xFF800000> : vector<256xf32>
    %reduce_max3A_47 = vector.multi_reduction <maximumf>, %select_n3A, %reduce_max3A_46 [1] : vector<256x64xf32> to vector<256xf32>
    %argmax3A_48 = tpu.reduce_index %select_n3A {axis = 1 : i32, kind = #tpu.reduction_kind<arg_max>} : vector<256x64xf32> -> vector<256xi32>
    %add3A_49 = arith.addf %reduce_max3A_42, %reduce_max3A_47 : vector<256xf32>
    %swap3A_50 = arith.constant 0 : index
    %swap3A_51 = arith.constant 0 : index
    %swap3A_52 = arith.constant 0 : index
    %swap3A_53 = vector.load %arg8[%swap3A_50, %swap3A_51, %swap3A_52] : memref<1x1x256xi32, #tpu.memory_space<vmem>>, vector<1x1x256xi32>
    %swap3A_54 = vector.shape_cast %swap3A_53 : vector<1x1x256xi32> to vector<256xi32>
    %swap3A_55 = vector.shape_cast %argmax3A : vector<256xi32> to vector<1x1x256xi32>
    tpu.vector_store %arg8[%swap3A_50, %swap3A_51, %swap3A_52], %swap3A_55 {strides = array<i32>} : memref<1x1x256xi32, #tpu.memory_space<vmem>>, vector<1x1x256xi32>,
    %swap3A_56 = arith.constant 0 : index
    %swap3A_57 = arith.constant 0 : index
    %swap3A_58 = arith.constant 0 : index
    %swap3A_59 = vector.load %arg9[%swap3A_56, %swap3A_57, %swap3A_58] : memref<1x1x256xi32, #tpu.memory_space<vmem>>, vector<1x1x256xi32>
    %swap3A_60 = vector.shape_cast %swap3A_59 : vector<1x1x256xi32> to vector<256xi32>
    %swap3A_61 = vector.shape_cast %argmax3A_48 : vector<256xi32> to vector<1x1x256xi32>
    tpu.vector_store %arg9[%swap3A_56, %swap3A_57, %swap3A_58], %swap3A_61 {strides = array<i32>} : memref<1x1x256xi32, #tpu.memory_space<vmem>>, vector<1x1x256xi32>,
    %div3A_62 = arith.divf %reduce_max3A_42, %add3A_49 : vector<256xf32>
    %swap3A_63 = arith.constant 0 : index
    %swap3A_64 = arith.constant 0 : index
    %swap3A_65 = arith.constant 0 : index
    %swap3A_66 = vector.load %arg10[%swap3A_63, %swap3A_64, %swap3A_65] : memref<1x1x256xf32, #tpu.memory_space<vmem>>, vector<1x1x256xf32>
    %swap3A_67 = vector.shape_cast %swap3A_66 : vector<1x1x256xf32> to vector<256xf32>
    %swap3A_68 = vector.shape_cast %div3A_62 : vector<256xf32> to vector<1x1x256xf32>
    tpu.vector_store %arg10[%swap3A_63, %swap3A_64, %swap3A_65], %swap3A_68 {strides = array<i32>} : memref<1x1x256xf32, #tpu.memory_space<vmem>>, vector<1x1x256xf32>,
    %div3A_69 = arith.divf %reduce_max3A_47, %add3A_49 : vector<256xf32>
    %swap3A_70 = arith.constant 0 : index
    %swap3A_71 = arith.constant 0 : index
    %swap3A_72 = arith.constant 0 : index
    %swap3A_73 = vector.load %arg11[%swap3A_70, %swap3A_71, %swap3A_72] : memref<1x1x256xf32, #tpu.memory_space<vmem>>, vector<1x1x256xf32>
    %swap3A_74 = vector.shape_cast %swap3A_73 : vector<1x1x256xf32> to vector<256xf32>
    %swap3A_75 = vector.shape_cast %div3A_69 : vector<256xf32> to vector<1x1x256xf32>
    tpu.vector_store %arg11[%swap3A_70, %swap3A_71, %swap3A_72], %swap3A_75 {strides = array<i32>} : memref<1x1x256xf32, #tpu.memory_space<vmem>>, vector<1x1x256xf32>,
    return
  }
  func.func @transform_0(%arg0: i32) -> (i32, i32) {
    %c0_i32 = arith.constant 0 : i32
    %c0_i32_0 = arith.constant 0 : i32
    return %arg0, %c0_i32 : i32, i32
  }
  func.func @transform_1(%arg0: i32) -> (i32, i32) {
    %c0_i32 = arith.constant 0 : i32
    %c0_i32_0 = arith.constant 0 : i32
    return %arg0, %c0_i32 : i32, i32
  }
  func.func @transform_2(%arg0: i32) -> (i32, i32) {
    %c0_i32 = arith.constant 0 : i32
    %c0_i32_0 = arith.constant 0 : i32
    %c0_i32_1 = arith.constant 0 : i32
    return %c0_i32, %c0_i32_0 : i32, i32
  }
  func.func @transform_3(%arg0: i32) -> (i32, i32) {
    %c0_i32 = arith.constant 0 : i32
    %c0_i32_0 = arith.constant 0 : i32
    %c0_i32_1 = arith.constant 0 : i32
    return %c0_i32, %c0_i32_0 : i32, i32
  }
  func.func @transform_4(%arg0: i32) -> (i32, i32) {
    %c0_i32 = arith.constant 0 : i32
    %c0_i32_0 = arith.constant 0 : i32
    %c0_i32_1 = arith.constant 0 : i32
    return %c0_i32, %c0_i32_0 : i32, i32
  }
  func.func @transform_5(%arg0: i32) -> (i32, i32) {
    %c0_i32 = arith.constant 0 : i32
    %c0_i32_0 = arith.constant 0 : i32
    return %arg0, %c0_i32 : i32, i32
  }
  func.func @transform_6(%arg0: i32) -> (i32, i32) {
    %c0_i32 = arith.constant 0 : i32
    %c0_i32_0 = arith.constant 0 : i32
    return %arg0, %c0_i32 : i32, i32
  }
  func.func @transform_7(%arg0: i32) -> (i32, i32, i32) {
    %c0_i32 = arith.constant 0 : i32
    %c0_i32_0 = arith.constant 0 : i32
    %c0_i32_1 = arith.constant 0 : i32
    return %arg0, %c0_i32, %c0_i32_0 : i32, i32, i32
  }
  func.func @transform_8(%arg0: i32) -> (i32, i32, i32) {
    %c0_i32 = arith.constant 0 : i32
    %c0_i32_0 = arith.constant 0 : i32
    %c0_i32_1 = arith.constant 0 : i32
    return %arg0, %c0_i32, %c0_i32_0 : i32, i32, i32
  }
  func.func @transform_9(%arg0: i32) -> (i32, i32, i32) {
    %c0_i32 = arith.constant 0 : i32
    %c0_i32_0 = arith.constant 0 : i32
    %c0_i32_1 = arith.constant 0 : i32
    return %arg0, %c0_i32, %c0_i32_0 : i32, i32, i32
  }
  func.func @transform_10(%arg0: i32) -> (i32, i32, i32) {
    %c0_i32 = arith.constant 0 : i32
    %c0_i32_0 = arith.constant 0 : i32
    %c0_i32_1 = arith.constant 0 : i32
    return %arg0, %c0_i32, %c0_i32_0 : i32, i32, i32
  }
}

module attributes {stable_mosaic.version = 14 : i64} {
  func.func @_moe_kernel(%arg0: i32, %arg1: memref<95xi32, #tpu.memory_space<smem>>, %arg2: memref<95xi32, #tpu.memory_space<smem>>, %arg3: memref<95xi32, #tpu.memory_space<smem>>, %arg4: memref<4224xi32, #tpu.memory_space<smem>>, %arg5: memref<2048x768xf32, #tpu.memory_space<vmem>>, %arg6: memref<2048x768xf32, #tpu.memory_space<vmem>>, %arg7: memref<4224x1xf32, #tpu.memory_space<vmem>>, %arg8: memref<1x768x1024xf32, #tpu.memory_space<vmem>>, %arg9: memref<1x768x1024xf32, #tpu.memory_space<vmem>>, %arg10: memref<1x1024x768xf32, #tpu.memory_space<vmem>>, %arg11: memref<2048x768xf32, #tpu.memory_space<vmem>>, %arg12: memref<128x768xf32, #tpu.memory_space<vmem>>, %arg13: memref<128x768xf32, #tpu.memory_space<vmem>>) attributes {dimension_semantics = [#tpu.dimension_semantics<arbitrary>], iteration_bounds = array<i64: 95>, scalar_prefetch = 4 : i64, scratch_operands = 2 : i64, tpu.core_type = #tpu.core_type<tc>, window_params = [{pipeline_mode = #tpu.pipeline_mode<synchronous>, transform_indices = @transform_0, window_bounds = array<i64: 2048, 768>}, {pipeline_mode = #tpu.pipeline_mode<synchronous>, transform_indices = @transform_1, window_bounds = array<i64: 2048, 768>}, {pipeline_mode = #tpu.pipeline_mode<synchronous>, transform_indices = @transform_2, window_bounds = array<i64: 4224, 1>}, {transform_indices = @transform_3, window_bounds = array<i64: 1, 768, 1024>}, {transform_indices = @transform_4, window_bounds = array<i64: 1, 768, 1024>}, {transform_indices = @transform_5, window_bounds = array<i64: 1, 1024, 768>}, {pipeline_mode = #tpu.pipeline_mode<synchronous>, transform_indices = @transform_6, window_bounds = array<i64: 2048, 768>}]} {
    %eq3A = arith.constant 0 : i32
    %eq3A_0 = arith.cmpi eq, %arg0, %eq3A : i32
    %convert_element_type3A = arith.extui %eq3A_0 : i1 to i32
    %cond3A = arith.constant 0 : i32
    %cond3A_1 = arith.cmpi ne, %convert_element_type3A, %cond3A : i32
    scf.if %cond3A_1 {
      %get3A_7 = arith.constant 0 : index
      %get3A_8 = arith.constant 0 : index
      %get3A_9 = vector.load %arg6[%get3A_7, %get3A_8] : memref<2048x768xf32, #tpu.memory_space<vmem>>, vector<2048x768xf32>
      %swap3A = arith.constant 0 : index
      %swap3A_10 = arith.constant 0 : index
      %swap3A_11 = vector.load %arg11[%swap3A, %swap3A_10] : memref<2048x768xf32, #tpu.memory_space<vmem>>, vector<2048x768xf32>
      tpu.vector_store %arg11[%swap3A, %swap3A_10], %get3A_9 {strides = array<i32>} : memref<2048x768xf32, #tpu.memory_space<vmem>>, vector<2048x768xf32>,
    } else {
    }
    %get3A = arith.index_cast %arg0 : i32 to index
    %get3A_2 = memref.load %arg3[%get3A] : memref<95xi32, #tpu.memory_space<smem>>
    %gt3A = arith.constant 0 : i32
    %gt3A_3 = arith.cmpi sgt, %get3A_2, %gt3A : i32
    %convert_element_type3A_4 = arith.extui %gt3A_3 : i1 to i32
    %cond3A_5 = arith.constant 0 : i32
    %cond3A_6 = arith.cmpi ne, %convert_element_type3A_4, %cond3A_5 : i32
    scf.if %cond3A_6 {
      %get3A_7 = arith.index_cast %arg0 : i32 to index
      %get3A_8 = memref.load %arg2[%get3A_7] : memref<95xi32, #tpu.memory_space<smem>>
      %scan3A = arith.constant 0 : i32
      %add3A = arith.addi %get3A_8, %scan3A : i32
      %get3A_9 = arith.index_cast %add3A : i32 to index
      %get3A_10 = memref.load %arg4[%get3A_9] : memref<4224xi32, #tpu.memory_space<smem>>
      %get3A_11 = arith.index_cast %get3A_10 : i32 to index
      %get3A_12 = arith.constant 0 : index
      %get3A_13 = vector.load %arg5[%get3A_11, %get3A_12] : memref<2048x768xf32, #tpu.memory_space<vmem>>, vector<1x768xf32>
      %get3A_14 = vector.shape_cast %get3A_13 : vector<1x768xf32> to vector<768xf32>
      %swap3A = arith.index_cast %scan3A : i32 to index
      %swap3A_15 = arith.constant 0 : index
      %swap3A_16 = vector.load %arg12[%swap3A, %swap3A_15] : memref<128x768xf32, #tpu.memory_space<vmem>>, vector<1x768xf32>
      %swap3A_17 = vector.shape_cast %swap3A_16 : vector<1x768xf32> to vector<768xf32>
      %swap3A_18 = vector.shape_cast %get3A_14 : vector<768xf32> to vector<1x768xf32>
      tpu.vector_store %arg12[%swap3A, %swap3A_15], %swap3A_18 {strides = array<i32>} : memref<128x768xf32, #tpu.memory_space<vmem>>, vector<1x768xf32>,
      %scan3A_19 = arith.constant 1 : i32
      %add3A_20 = arith.addi %get3A_8, %scan3A_19 : i32
      %get3A_21 = arith.index_cast %add3A_20 : i32 to index
      %get3A_22 = memref.load %arg4[%get3A_21] : memref<4224xi32, #tpu.memory_space<smem>>
      %get3A_23 = arith.index_cast %get3A_22 : i32 to index
      %get3A_24 = arith.constant 0 : index
      %get3A_25 = vector.load %arg5[%get3A_23, %get3A_24] : memref<2048x768xf32, #tpu.memory_space<vmem>>, vector<1x768xf32>
      %get3A_26 = vector.shape_cast %get3A_25 : vector<1x768xf32> to vector<768xf32>
      %swap3A_27 = arith.index_cast %scan3A_19 : i32 to index
      %swap3A_28 = arith.constant 0 : index
      %swap3A_29 = vector.load %arg12[%swap3A_27, %swap3A_28] : memref<128x768xf32, #tpu.memory_space<vmem>>, vector<1x768xf32>
      %swap3A_30 = vector.shape_cast %swap3A_29 : vector<1x768xf32> to vector<768xf32>
      %swap3A_31 = vector.shape_cast %get3A_26 : vector<768xf32> to vector<1x768xf32>
      tpu.vector_store %arg12[%swap3A_27, %swap3A_28], %swap3A_31 {strides = array<i32>} : memref<128x768xf32, #tpu.memory_space<vmem>>, vector<1x768xf32>,
      %scan3A_32 = arith.constant 2 : i32
      %add3A_33 = arith.addi %get3A_8, %scan3A_32 : i32
      %get3A_34 = arith.index_cast %add3A_33 : i32 to index
      %get3A_35 = memref.load %arg4[%get3A_34] : memref<4224xi32, #tpu.memory_space<smem>>
      %get3A_36 = arith.index_cast %get3A_35 : i32 to index
      %get3A_37 = arith.constant 0 : index
      %get3A_38 = vector.load %arg5[%get3A_36, %get3A_37] : memref<2048x768xf32, #tpu.memory_space<vmem>>, vector<1x768xf32>
      %get3A_39 = vector.shape_cast %get3A_38 : vector<1x768xf32> to vector<768xf32>
      %swap3A_40 = arith.index_cast %scan3A_32 : i32 to index
      %swap3A_41 = arith.constant 0 : index
      %swap3A_42 = vector.load %arg12[%swap3A_40, %swap3A_41] : memref<128x768xf32, #tpu.memory_space<vmem>>, vector<1x768xf32>
      %swap3A_43 = vector.shape_cast %swap3A_42 : vector<1x768xf32> to vector<768xf32>
      %swap3A_44 = vector.shape_cast %get3A_39 : vector<768xf32> to vector<1x768xf32>
      tpu.vector_store %arg12[%swap3A_40, %swap3A_41], %swap3A_44 {strides = array<i32>} : memref<128x768xf32, #tpu.memory_space<vmem>>, vector<1x768xf32>,
      %scan3A_45 = arith.constant 3 : i32
      %add3A_46 = arith.addi %get3A_8, %scan3A_45 : i32
      %get3A_47 = arith.index_cast %add3A_46 : i32 to index
      %get3A_48 = memref.load %arg4[%get3A_47] : memref<4224xi32, #tpu.memory_space<smem>>
      %get3A_49 = arith.index_cast %get3A_48 : i32 to index
      %get3A_50 = arith.constant 0 : index
      %get3A_51 = vector.load %arg5[%get3A_49, %get3A_50] : memref<2048x768xf32, #tpu.memory_space<vmem>>, vector<1x768xf32>
      %get3A_52 = vector.shape_cast %get3A_51 : vector<1x768xf32> to vector<768xf32>
      %swap3A_53 = arith.index_cast %scan3A_45 : i32 to index
      %swap3A_54 = arith.constant 0 : index
      %swap3A_55 = vector.load %arg12[%swap3A_53, %swap3A_54] : memref<128x768xf32, #tpu.memory_space<vmem>>, vector<1x768xf32>
      %swap3A_56 = vector.shape_cast %swap3A_55 : vector<1x768xf32> to vector<768xf32>
      %swap3A_57 = vector.shape_cast %get3A_52 : vector<768xf32> to vector<1x768xf32>
      tpu.vector_store %arg12[%swap3A_53, %swap3A_54], %swap3A_57 {strides = array<i32>} : memref<128x768xf32, #tpu.memory_space<vmem>>, vector<1x768xf32>,
      %scan3A_58 = arith.constant 4 : i32
      %add3A_59 = arith.addi %get3A_8, %scan3A_58 : i32
      %get3A_60 = arith.index_cast %add3A_59 : i32 to index
      %get3A_61 = memref.load %arg4[%get3A_60] : memref<4224xi32, #tpu.memory_space<smem>>
      %get3A_62 = arith.index_cast %get3A_61 : i32 to index
      %get3A_63 = arith.constant 0 : index
      %get3A_64 = vector.load %arg5[%get3A_62, %get3A_63] : memref<2048x768xf32, #tpu.memory_space<vmem>>, vector<1x768xf32>
      %get3A_65 = vector.shape_cast %get3A_64 : vector<1x768xf32> to vector<768xf32>
      %swap3A_66 = arith.index_cast %scan3A_58 : i32 to index
      %swap3A_67 = arith.constant 0 : index
      %swap3A_68 = vector.load %arg12[%swap3A_66, %swap3A_67] : memref<128x768xf32, #tpu.memory_space<vmem>>, vector<1x768xf32>
      %swap3A_69 = vector.shape_cast %swap3A_68 : vector<1x768xf32> to vector<768xf32>
      %swap3A_70 = vector.shape_cast %get3A_65 : vector<768xf32> to vector<1x768xf32>
      tpu.vector_store %arg12[%swap3A_66, %swap3A_67], %swap3A_70 {strides = array<i32>} : memref<128x768xf32, #tpu.memory_space<vmem>>, vector<1x768xf32>,
      %scan3A_71 = arith.constant 5 : i32
      %add3A_72 = arith.addi %get3A_8, %scan3A_71 : i32
      %get3A_73 = arith.index_cast %add3A_72 : i32 to index
      %get3A_74 = memref.load %arg4[%get3A_73] : memref<4224xi32, #tpu.memory_space<smem>>
      %get3A_75 = arith.index_cast %get3A_74 : i32 to index
      %get3A_76 = arith.constant 0 : index
      %get3A_77 = vector.load %arg5[%get3A_75, %get3A_76] : memref<2048x768xf32, #tpu.memory_space<vmem>>, vector<1x768xf32>
      %get3A_78 = vector.shape_cast %get3A_77 : vector<1x768xf32> to vector<768xf32>
      %swap3A_79 = arith.index_cast %scan3A_71 : i32 to index
      %swap3A_80 = arith.constant 0 : index
      %swap3A_81 = vector.load %arg12[%swap3A_79, %swap3A_80] : memref<128x768xf32, #tpu.memory_space<vmem>>, vector<1x768xf32>
      %swap3A_82 = vector.shape_cast %swap3A_81 : vector<1x768xf32> to vector<768xf32>
      %swap3A_83 = vector.shape_cast %get3A_78 : vector<768xf32> to vector<1x768xf32>
      tpu.vector_store %arg12[%swap3A_79, %swap3A_80], %swap3A_83 {strides = array<i32>} : memref<128x768xf32, #tpu.memory_space<vmem>>, vector<1x768xf32>,
      %scan3A_84 = arith.constant 6 : i32
      %add3A_85 = arith.addi %get3A_8, %scan3A_84 : i32
      %get3A_86 = arith.index_cast %add3A_85 : i32 to index
      %get3A_87 = memref.load %arg4[%get3A_86] : memref<4224xi32, #tpu.memory_space<smem>>
      %get3A_88 = arith.index_cast %get3A_87 : i32 to index
      %get3A_89 = arith.constant 0 : index
      %get3A_90 = vector.load %arg5[%get3A_88, %get3A_89] : memref<2048x768xf32, #tpu.memory_space<vmem>>, vector<1x768xf32>
      %get3A_91 = vector.shape_cast %get3A_90 : vector<1x768xf32> to vector<768xf32>
      %swap3A_92 = arith.index_cast %scan3A_84 : i32 to index
      %swap3A_93 = arith.constant 0 : index
      %swap3A_94 = vector.load %arg12[%swap3A_92, %swap3A_93] : memref<128x768xf32, #tpu.memory_space<vmem>>, vector<1x768xf32>
      %swap3A_95 = vector.shape_cast %swap3A_94 : vector<1x768xf32> to vector<768xf32>
      %swap3A_96 = vector.shape_cast %get3A_91 : vector<768xf32> to vector<1x768xf32>
      tpu.vector_store %arg12[%swap3A_92, %swap3A_93], %swap3A_96 {strides = array<i32>} : memref<128x768xf32, #tpu.memory_space<vmem>>, vector<1x768xf32>,
      %scan3A_97 = arith.constant 7 : i32
      %add3A_98 = arith.addi %get3A_8, %scan3A_97 : i32
      %get3A_99 = arith.index_cast %add3A_98 : i32 to index
      %get3A_100 = memref.load %arg4[%get3A_99] : memref<4224xi32, #tpu.memory_space<smem>>
      %get3A_101 = arith.index_cast %get3A_100 : i32 to index
      %get3A_102 = arith.constant 0 : index
      %get3A_103 = vector.load %arg5[%get3A_101, %get3A_102] : memref<2048x768xf32, #tpu.memory_space<vmem>>, vector<1x768xf32>
      %get3A_104 = vector.shape_cast %get3A_103 : vector<1x768xf32> to vector<768xf32>
      %swap3A_105 = arith.index_cast %scan3A_97 : i32 to index
      %swap3A_106 = arith.constant 0 : index
      %swap3A_107 = vector.load %arg12[%swap3A_105, %swap3A_106] : memref<128x768xf32, #tpu.memory_space<vmem>>, vector<1x768xf32>
      %swap3A_108 = vector.shape_cast %swap3A_107 : vector<1x768xf32> to vector<768xf32>
      %swap3A_109 = vector.shape_cast %get3A_104 : vector<768xf32> to vector<1x768xf32>
      tpu.vector_store %arg12[%swap3A_105, %swap3A_106], %swap3A_109 {strides = array<i32>} : memref<128x768xf32, #tpu.memory_space<vmem>>, vector<1x768xf32>,
      %scan3A_110 = arith.constant 8 : i32
      %add3A_111 = arith.addi %get3A_8, %scan3A_110 : i32
      %get3A_112 = arith.index_cast %add3A_111 : i32 to index
      %get3A_113 = memref.load %arg4[%get3A_112] : memref<4224xi32, #tpu.memory_space<smem>>
      %get3A_114 = arith.index_cast %get3A_113 : i32 to index
      %get3A_115 = arith.constant 0 : index
      %get3A_116 = vector.load %arg5[%get3A_114, %get3A_115] : memref<2048x768xf32, #tpu.memory_space<vmem>>, vector<1x768xf32>
      %get3A_117 = vector.shape_cast %get3A_116 : vector<1x768xf32> to vector<768xf32>
      %swap3A_118 = arith.index_cast %scan3A_110 : i32 to index
      %swap3A_119 = arith.constant 0 : index
      %swap3A_120 = vector.load %arg12[%swap3A_118, %swap3A_119] : memref<128x768xf32, #tpu.memory_space<vmem>>, vector<1x768xf32>
      %swap3A_121 = vector.shape_cast %swap3A_120 : vector<1x768xf32> to vector<768xf32>
      %swap3A_122 = vector.shape_cast %get3A_117 : vector<768xf32> to vector<1x768xf32>
      tpu.vector_store %arg12[%swap3A_118, %swap3A_119], %swap3A_122 {strides = array<i32>} : memref<128x768xf32, #tpu.memory_space<vmem>>, vector<1x768xf32>,
      %scan3A_123 = arith.constant 9 : i32
      %add3A_124 = arith.addi %get3A_8, %scan3A_123 : i32
      %get3A_125 = arith.index_cast %add3A_124 : i32 to index
      %get3A_126 = memref.load %arg4[%get3A_125] : memref<4224xi32, #tpu.memory_space<smem>>
      %get3A_127 = arith.index_cast %get3A_126 : i32 to index
      %get3A_128 = arith.constant 0 : index
      %get3A_129 = vector.load %arg5[%get3A_127, %get3A_128] : memref<2048x768xf32, #tpu.memory_space<vmem>>, vector<1x768xf32>
      %get3A_130 = vector.shape_cast %get3A_129 : vector<1x768xf32> to vector<768xf32>
      %swap3A_131 = arith.index_cast %scan3A_123 : i32 to index
      %swap3A_132 = arith.constant 0 : index
      %swap3A_133 = vector.load %arg12[%swap3A_131, %swap3A_132] : memref<128x768xf32, #tpu.memory_space<vmem>>, vector<1x768xf32>
      %swap3A_134 = vector.shape_cast %swap3A_133 : vector<1x768xf32> to vector<768xf32>
      %swap3A_135 = vector.shape_cast %get3A_130 : vector<768xf32> to vector<1x768xf32>
      tpu.vector_store %arg12[%swap3A_131, %swap3A_132], %swap3A_135 {strides = array<i32>} : memref<128x768xf32, #tpu.memory_space<vmem>>, vector<1x768xf32>,
      %scan3A_136 = arith.constant 10 : i32
      %add3A_137 = arith.addi %get3A_8, %scan3A_136 : i32
      %get3A_138 = arith.index_cast %add3A_137 : i32 to index
      %get3A_139 = memref.load %arg4[%get3A_138] : memref<4224xi32, #tpu.memory_space<smem>>
      %get3A_140 = arith.index_cast %get3A_139 : i32 to index
      %get3A_141 = arith.constant 0 : index
      %get3A_142 = vector.load %arg5[%get3A_140, %get3A_141] : memref<2048x768xf32, #tpu.memory_space<vmem>>, vector<1x768xf32>
      %get3A_143 = vector.shape_cast %get3A_142 : vector<1x768xf32> to vector<768xf32>
      %swap3A_144 = arith.index_cast %scan3A_136 : i32 to index
      %swap3A_145 = arith.constant 0 : index
      %swap3A_146 = vector.load %arg12[%swap3A_144, %swap3A_145] : memref<128x768xf32, #tpu.memory_space<vmem>>, vector<1x768xf32>
      %swap3A_147 = vector.shape_cast %swap3A_146 : vector<1x768xf32> to vector<768xf32>
      %swap3A_148 = vector.shape_cast %get3A_143 : vector<768xf32> to vector<1x768xf32>
      tpu.vector_store %arg12[%swap3A_144, %swap3A_145], %swap3A_148 {strides = array<i32>} : memref<128x768xf32, #tpu.memory_space<vmem>>, vector<1x768xf32>,
      %scan3A_149 = arith.constant 11 : i32
      %add3A_150 = arith.addi %get3A_8, %scan3A_149 : i32
      %get3A_151 = arith.index_cast %add3A_150 : i32 to index
      %get3A_152 = memref.load %arg4[%get3A_151] : memref<4224xi32, #tpu.memory_space<smem>>
      %get3A_153 = arith.index_cast %get3A_152 : i32 to index
      %get3A_154 = arith.constant 0 : index
      %get3A_155 = vector.load %arg5[%get3A_153, %get3A_154] : memref<2048x768xf32, #tpu.memory_space<vmem>>, vector<1x768xf32>
      %get3A_156 = vector.shape_cast %get3A_155 : vector<1x768xf32> to vector<768xf32>
      %swap3A_157 = arith.index_cast %scan3A_149 : i32 to index
      %swap3A_158 = arith.constant 0 : index
      %swap3A_159 = vector.load %arg12[%swap3A_157, %swap3A_158] : memref<128x768xf32, #tpu.memory_space<vmem>>, vector<1x768xf32>
      %swap3A_160 = vector.shape_cast %swap3A_159 : vector<1x768xf32> to vector<768xf32>
      %swap3A_161 = vector.shape_cast %get3A_156 : vector<768xf32> to vector<1x768xf32>
      tpu.vector_store %arg12[%swap3A_157, %swap3A_158], %swap3A_161 {strides = array<i32>} : memref<128x768xf32, #tpu.memory_space<vmem>>, vector<1x768xf32>,
      %scan3A_162 = arith.constant 12 : i32
      %add3A_163 = arith.addi %get3A_8, %scan3A_162 : i32
      %get3A_164 = arith.index_cast %add3A_163 : i32 to index
      %get3A_165 = memref.load %arg4[%get3A_164] : memref<4224xi32, #tpu.memory_space<smem>>
      %get3A_166 = arith.index_cast %get3A_165 : i32 to index
      %get3A_167 = arith.constant 0 : index
      %get3A_168 = vector.load %arg5[%get3A_166, %get3A_167] : memref<2048x768xf32, #tpu.memory_space<vmem>>, vector<1x768xf32>
      %get3A_169 = vector.shape_cast %get3A_168 : vector<1x768xf32> to vector<768xf32>
      %swap3A_170 = arith.index_cast %scan3A_162 : i32 to index
      %swap3A_171 = arith.constant 0 : index
      %swap3A_172 = vector.load %arg12[%swap3A_170, %swap3A_171] : memref<128x768xf32, #tpu.memory_space<vmem>>, vector<1x768xf32>
      %swap3A_173 = vector.shape_cast %swap3A_172 : vector<1x768xf32> to vector<768xf32>
      %swap3A_174 = vector.shape_cast %get3A_169 : vector<768xf32> to vector<1x768xf32>
      tpu.vector_store %arg12[%swap3A_170, %swap3A_171], %swap3A_174 {strides = array<i32>} : memref<128x768xf32, #tpu.memory_space<vmem>>, vector<1x768xf32>,
      %scan3A_175 = arith.constant 13 : i32
      %add3A_176 = arith.addi %get3A_8, %scan3A_175 : i32
      %get3A_177 = arith.index_cast %add3A_176 : i32 to index
      %get3A_178 = memref.load %arg4[%get3A_177] : memref<4224xi32, #tpu.memory_space<smem>>
      %get3A_179 = arith.index_cast %get3A_178 : i32 to index
      %get3A_180 = arith.constant 0 : index
      %get3A_181 = vector.load %arg5[%get3A_179, %get3A_180] : memref<2048x768xf32, #tpu.memory_space<vmem>>, vector<1x768xf32>
      %get3A_182 = vector.shape_cast %get3A_181 : vector<1x768xf32> to vector<768xf32>
      %swap3A_183 = arith.index_cast %scan3A_175 : i32 to index
      %swap3A_184 = arith.constant 0 : index
      %swap3A_185 = vector.load %arg12[%swap3A_183, %swap3A_184] : memref<128x768xf32, #tpu.memory_space<vmem>>, vector<1x768xf32>
      %swap3A_186 = vector.shape_cast %swap3A_185 : vector<1x768xf32> to vector<768xf32>
      %swap3A_187 = vector.shape_cast %get3A_182 : vector<768xf32> to vector<1x768xf32>
      tpu.vector_store %arg12[%swap3A_183, %swap3A_184], %swap3A_187 {strides = array<i32>} : memref<128x768xf32, #tpu.memory_space<vmem>>, vector<1x768xf32>,
      %scan3A_188 = arith.constant 14 : i32
      %add3A_189 = arith.addi %get3A_8, %scan3A_188 : i32
      %get3A_190 = arith.index_cast %add3A_189 : i32 to index
      %get3A_191 = memref.load %arg4[%get3A_190] : memref<4224xi32, #tpu.memory_space<smem>>
      %get3A_192 = arith.index_cast %get3A_191 : i32 to index
      %get3A_193 = arith.constant 0 : index
      %get3A_194 = vector.load %arg5[%get3A_192, %get3A_193] : memref<2048x768xf32, #tpu.memory_space<vmem>>, vector<1x768xf32>
      %get3A_195 = vector.shape_cast %get3A_194 : vector<1x768xf32> to vector<768xf32>
      %swap3A_196 = arith.index_cast %scan3A_188 : i32 to index
      %swap3A_197 = arith.constant 0 : index
      %swap3A_198 = vector.load %arg12[%swap3A_196, %swap3A_197] : memref<128x768xf32, #tpu.memory_space<vmem>>, vector<1x768xf32>
      %swap3A_199 = vector.shape_cast %swap3A_198 : vector<1x768xf32> to vector<768xf32>
      %swap3A_200 = vector.shape_cast %get3A_195 : vector<768xf32> to vector<1x768xf32>
      tpu.vector_store %arg12[%swap3A_196, %swap3A_197], %swap3A_200 {strides = array<i32>} : memref<128x768xf32, #tpu.memory_space<vmem>>, vector<1x768xf32>,
      %scan3A_201 = arith.constant 15 : i32
      %add3A_202 = arith.addi %get3A_8, %scan3A_201 : i32
      %get3A_203 = arith.index_cast %add3A_202 : i32 to index
      %get3A_204 = memref.load %arg4[%get3A_203] : memref<4224xi32, #tpu.memory_space<smem>>
      %get3A_205 = arith.index_cast %get3A_204 : i32 to index
      %get3A_206 = arith.constant 0 : index
      %get3A_207 = vector.load %arg5[%get3A_205, %get3A_206] : memref<2048x768xf32, #tpu.memory_space<vmem>>, vector<1x768xf32>
      %get3A_208 = vector.shape_cast %get3A_207 : vector<1x768xf32> to vector<768xf32>
      %swap3A_209 = arith.index_cast %scan3A_201 : i32 to index
      %swap3A_210 = arith.constant 0 : index
      %swap3A_211 = vector.load %arg12[%swap3A_209, %swap3A_210] : memref<128x768xf32, #tpu.memory_space<vmem>>, vector<1x768xf32>
      %swap3A_212 = vector.shape_cast %swap3A_211 : vector<1x768xf32> to vector<768xf32>
      %swap3A_213 = vector.shape_cast %get3A_208 : vector<768xf32> to vector<1x768xf32>
      tpu.vector_store %arg12[%swap3A_209, %swap3A_210], %swap3A_213 {strides = array<i32>} : memref<128x768xf32, #tpu.memory_space<vmem>>, vector<1x768xf32>,
      %scan3A_214 = arith.constant 16 : i32
      %add3A_215 = arith.addi %get3A_8, %scan3A_214 : i32
      %get3A_216 = arith.index_cast %add3A_215 : i32 to index
      %get3A_217 = memref.load %arg4[%get3A_216] : memref<4224xi32, #tpu.memory_space<smem>>
      %get3A_218 = arith.index_cast %get3A_217 : i32 to index
      %get3A_219 = arith.constant 0 : index
      %get3A_220 = vector.load %arg5[%get3A_218, %get3A_219] : memref<2048x768xf32, #tpu.memory_space<vmem>>, vector<1x768xf32>
      %get3A_221 = vector.shape_cast %get3A_220 : vector<1x768xf32> to vector<768xf32>
      %swap3A_222 = arith.index_cast %scan3A_214 : i32 to index
      %swap3A_223 = arith.constant 0 : index
      %swap3A_224 = vector.load %arg12[%swap3A_222, %swap3A_223] : memref<128x768xf32, #tpu.memory_space<vmem>>, vector<1x768xf32>
      %swap3A_225 = vector.shape_cast %swap3A_224 : vector<1x768xf32> to vector<768xf32>
      %swap3A_226 = vector.shape_cast %get3A_221 : vector<768xf32> to vector<1x768xf32>
      tpu.vector_store %arg12[%swap3A_222, %swap3A_223], %swap3A_226 {strides = array<i32>} : memref<128x768xf32, #tpu.memory_space<vmem>>, vector<1x768xf32>,
      %scan3A_227 = arith.constant 17 : i32
      %add3A_228 = arith.addi %get3A_8, %scan3A_227 : i32
      %get3A_229 = arith.index_cast %add3A_228 : i32 to index
      %get3A_230 = memref.load %arg4[%get3A_229] : memref<4224xi32, #tpu.memory_space<smem>>
      %get3A_231 = arith.index_cast %get3A_230 : i32 to index
      %get3A_232 = arith.constant 0 : index
      %get3A_233 = vector.load %arg5[%get3A_231, %get3A_232] : memref<2048x768xf32, #tpu.memory_space<vmem>>, vector<1x768xf32>
      %get3A_234 = vector.shape_cast %get3A_233 : vector<1x768xf32> to vector<768xf32>
      %swap3A_235 = arith.index_cast %scan3A_227 : i32 to index
      %swap3A_236 = arith.constant 0 : index
      %swap3A_237 = vector.load %arg12[%swap3A_235, %swap3A_236] : memref<128x768xf32, #tpu.memory_space<vmem>>, vector<1x768xf32>
      %swap3A_238 = vector.shape_cast %swap3A_237 : vector<1x768xf32> to vector<768xf32>
      %swap3A_239 = vector.shape_cast %get3A_234 : vector<768xf32> to vector<1x768xf32>
      tpu.vector_store %arg12[%swap3A_235, %swap3A_236], %swap3A_239 {strides = array<i32>} : memref<128x768xf32, #tpu.memory_space<vmem>>, vector<1x768xf32>,
      %scan3A_240 = arith.constant 18 : i32
      %add3A_241 = arith.addi %get3A_8, %scan3A_240 : i32
      %get3A_242 = arith.index_cast %add3A_241 : i32 to index
      %get3A_243 = memref.load %arg4[%get3A_242] : memref<4224xi32, #tpu.memory_space<smem>>
      %get3A_244 = arith.index_cast %get3A_243 : i32 to index
      %get3A_245 = arith.constant 0 : index
      %get3A_246 = vector.load %arg5[%get3A_244, %get3A_245] : memref<2048x768xf32, #tpu.memory_space<vmem>>, vector<1x768xf32>
      %get3A_247 = vector.shape_cast %get3A_246 : vector<1x768xf32> to vector<768xf32>
      %swap3A_248 = arith.index_cast %scan3A_240 : i32 to index
      %swap3A_249 = arith.constant 0 : index
      %swap3A_250 = vector.load %arg12[%swap3A_248, %swap3A_249] : memref<128x768xf32, #tpu.memory_space<vmem>>, vector<1x768xf32>
      %swap3A_251 = vector.shape_cast %swap3A_250 : vector<1x768xf32> to vector<768xf32>
      %swap3A_252 = vector.shape_cast %get3A_247 : vector<768xf32> to vector<1x768xf32>
      tpu.vector_store %arg12[%swap3A_248, %swap3A_249], %swap3A_252 {strides = array<i32>} : memref<128x768xf32, #tpu.memory_space<vmem>>, vector<1x768xf32>,
      %scan3A_253 = arith.constant 19 : i32
      %add3A_254 = arith.addi %get3A_8, %scan3A_253 : i32
      %get3A_255 = arith.index_cast %add3A_254 : i32 to index
      %get3A_256 = memref.load %arg4[%get3A_255] : memref<4224xi32, #tpu.memory_space<smem>>
      %get3A_257 = arith.index_cast %get3A_256 : i32 to index
      %get3A_258 = arith.constant 0 : index
      %get3A_259 = vector.load %arg5[%get3A_257, %get3A_258] : memref<2048x768xf32, #tpu.memory_space<vmem>>, vector<1x768xf32>
      %get3A_260 = vector.shape_cast %get3A_259 : vector<1x768xf32> to vector<768xf32>
      %swap3A_261 = arith.index_cast %scan3A_253 : i32 to index
      %swap3A_262 = arith.constant 0 : index
      %swap3A_263 = vector.load %arg12[%swap3A_261, %swap3A_262] : memref<128x768xf32, #tpu.memory_space<vmem>>, vector<1x768xf32>
      %swap3A_264 = vector.shape_cast %swap3A_263 : vector<1x768xf32> to vector<768xf32>
      %swap3A_265 = vector.shape_cast %get3A_260 : vector<768xf32> to vector<1x768xf32>
      tpu.vector_store %arg12[%swap3A_261, %swap3A_262], %swap3A_265 {strides = array<i32>} : memref<128x768xf32, #tpu.memory_space<vmem>>, vector<1x768xf32>,
      %scan3A_266 = arith.constant 20 : i32
      %add3A_267 = arith.addi %get3A_8, %scan3A_266 : i32
      %get3A_268 = arith.index_cast %add3A_267 : i32 to index
      %get3A_269 = memref.load %arg4[%get3A_268] : memref<4224xi32, #tpu.memory_space<smem>>
      %get3A_270 = arith.index_cast %get3A_269 : i32 to index
      %get3A_271 = arith.constant 0 : index
      %get3A_272 = vector.load %arg5[%get3A_270, %get3A_271] : memref<2048x768xf32, #tpu.memory_space<vmem>>, vector<1x768xf32>
      %get3A_273 = vector.shape_cast %get3A_272 : vector<1x768xf32> to vector<768xf32>
      %swap3A_274 = arith.index_cast %scan3A_266 : i32 to index
      %swap3A_275 = arith.constant 0 : index
      %swap3A_276 = vector.load %arg12[%swap3A_274, %swap3A_275] : memref<128x768xf32, #tpu.memory_space<vmem>>, vector<1x768xf32>
      %swap3A_277 = vector.shape_cast %swap3A_276 : vector<1x768xf32> to vector<768xf32>
      %swap3A_278 = vector.shape_cast %get3A_273 : vector<768xf32> to vector<1x768xf32>
      tpu.vector_store %arg12[%swap3A_274, %swap3A_275], %swap3A_278 {strides = array<i32>} : memref<128x768xf32, #tpu.memory_space<vmem>>, vector<1x768xf32>,
      %scan3A_279 = arith.constant 21 : i32
      %add3A_280 = arith.addi %get3A_8, %scan3A_279 : i32
      %get3A_281 = arith.index_cast %add3A_280 : i32 to index
      %get3A_282 = memref.load %arg4[%get3A_281] : memref<4224xi32, #tpu.memory_space<smem>>
      %get3A_283 = arith.index_cast %get3A_282 : i32 to index
      %get3A_284 = arith.constant 0 : index
      %get3A_285 = vector.load %arg5[%get3A_283, %get3A_284] : memref<2048x768xf32, #tpu.memory_space<vmem>>, vector<1x768xf32>
      %get3A_286 = vector.shape_cast %get3A_285 : vector<1x768xf32> to vector<768xf32>
      %swap3A_287 = arith.index_cast %scan3A_279 : i32 to index
      %swap3A_288 = arith.constant 0 : index
      %swap3A_289 = vector.load %arg12[%swap3A_287, %swap3A_288] : memref<128x768xf32, #tpu.memory_space<vmem>>, vector<1x768xf32>
      %swap3A_290 = vector.shape_cast %swap3A_289 : vector<1x768xf32> to vector<768xf32>
      %swap3A_291 = vector.shape_cast %get3A_286 : vector<768xf32> to vector<1x768xf32>
      tpu.vector_store %arg12[%swap3A_287, %swap3A_288], %swap3A_291 {strides = array<i32>} : memref<128x768xf32, #tpu.memory_space<vmem>>, vector<1x768xf32>,
      %scan3A_292 = arith.constant 22 : i32
      %add3A_293 = arith.addi %get3A_8, %scan3A_292 : i32
      %get3A_294 = arith.index_cast %add3A_293 : i32 to index
      %get3A_295 = memref.load %arg4[%get3A_294] : memref<4224xi32, #tpu.memory_space<smem>>
      %get3A_296 = arith.index_cast %get3A_295 : i32 to index
      %get3A_297 = arith.constant 0 : index
      %get3A_298 = vector.load %arg5[%get3A_296, %get3A_297] : memref<2048x768xf32, #tpu.memory_space<vmem>>, vector<1x768xf32>
      %get3A_299 = vector.shape_cast %get3A_298 : vector<1x768xf32> to vector<768xf32>
      %swap3A_300 = arith.index_cast %scan3A_292 : i32 to index
      %swap3A_301 = arith.constant 0 : index
      %swap3A_302 = vector.load %arg12[%swap3A_300, %swap3A_301] : memref<128x768xf32, #tpu.memory_space<vmem>>, vector<1x768xf32>
      %swap3A_303 = vector.shape_cast %swap3A_302 : vector<1x768xf32> to vector<768xf32>
      %swap3A_304 = vector.shape_cast %get3A_299 : vector<768xf32> to vector<1x768xf32>
      tpu.vector_store %arg12[%swap3A_300, %swap3A_301], %swap3A_304 {strides = array<i32>} : memref<128x768xf32, #tpu.memory_space<vmem>>, vector<1x768xf32>,
      %scan3A_305 = arith.constant 23 : i32
      %add3A_306 = arith.addi %get3A_8, %scan3A_305 : i32
      %get3A_307 = arith.index_cast %add3A_306 : i32 to index
      %get3A_308 = memref.load %arg4[%get3A_307] : memref<4224xi32, #tpu.memory_space<smem>>
      %get3A_309 = arith.index_cast %get3A_308 : i32 to index
      %get3A_310 = arith.constant 0 : index
      %get3A_311 = vector.load %arg5[%get3A_309, %get3A_310] : memref<2048x768xf32, #tpu.memory_space<vmem>>, vector<1x768xf32>
      %get3A_312 = vector.shape_cast %get3A_311 : vector<1x768xf32> to vector<768xf32>
      %swap3A_313 = arith.index_cast %scan3A_305 : i32 to index
      %swap3A_314 = arith.constant 0 : index
      %swap3A_315 = vector.load %arg12[%swap3A_313, %swap3A_314] : memref<128x768xf32, #tpu.memory_space<vmem>>, vector<1x768xf32>
      %swap3A_316 = vector.shape_cast %swap3A_315 : vector<1x768xf32> to vector<768xf32>
      %swap3A_317 = vector.shape_cast %get3A_312 : vector<768xf32> to vector<1x768xf32>
      tpu.vector_store %arg12[%swap3A_313, %swap3A_314], %swap3A_317 {strides = array<i32>} : memref<128x768xf32, #tpu.memory_space<vmem>>, vector<1x768xf32>,
      %scan3A_318 = arith.constant 24 : i32
      %add3A_319 = arith.addi %get3A_8, %scan3A_318 : i32
      %get3A_320 = arith.index_cast %add3A_319 : i32 to index
      %get3A_321 = memref.load %arg4[%get3A_320] : memref<4224xi32, #tpu.memory_space<smem>>
      %get3A_322 = arith.index_cast %get3A_321 : i32 to index
      %get3A_323 = arith.constant 0 : index
      %get3A_324 = vector.load %arg5[%get3A_322, %get3A_323] : memref<2048x768xf32, #tpu.memory_space<vmem>>, vector<1x768xf32>
      %get3A_325 = vector.shape_cast %get3A_324 : vector<1x768xf32> to vector<768xf32>
      %swap3A_326 = arith.index_cast %scan3A_318 : i32 to index
      %swap3A_327 = arith.constant 0 : index
      %swap3A_328 = vector.load %arg12[%swap3A_326, %swap3A_327] : memref<128x768xf32, #tpu.memory_space<vmem>>, vector<1x768xf32>
      %swap3A_329 = vector.shape_cast %swap3A_328 : vector<1x768xf32> to vector<768xf32>
      %swap3A_330 = vector.shape_cast %get3A_325 : vector<768xf32> to vector<1x768xf32>
      tpu.vector_store %arg12[%swap3A_326, %swap3A_327], %swap3A_330 {strides = array<i32>} : memref<128x768xf32, #tpu.memory_space<vmem>>, vector<1x768xf32>,
      %scan3A_331 = arith.constant 25 : i32
      %add3A_332 = arith.addi %get3A_8, %scan3A_331 : i32
      %get3A_333 = arith.index_cast %add3A_332 : i32 to index
      %get3A_334 = memref.load %arg4[%get3A_333] : memref<4224xi32, #tpu.memory_space<smem>>
      %get3A_335 = arith.index_cast %get3A_334 : i32 to index
      %get3A_336 = arith.constant 0 : index
      %get3A_337 = vector.load %arg5[%get3A_335, %get3A_336] : memref<2048x768xf32, #tpu.memory_space<vmem>>, vector<1x768xf32>
      %get3A_338 = vector.shape_cast %get3A_337 : vector<1x768xf32> to vector<768xf32>
      %swap3A_339 = arith.index_cast %scan3A_331 : i32 to index
      %swap3A_340 = arith.constant 0 : index
      %swap3A_341 = vector.load %arg12[%swap3A_339, %swap3A_340] : memref<128x768xf32, #tpu.memory_space<vmem>>, vector<1x768xf32>
      %swap3A_342 = vector.shape_cast %swap3A_341 : vector<1x768xf32> to vector<768xf32>
      %swap3A_343 = vector.shape_cast %get3A_338 : vector<768xf32> to vector<1x768xf32>
      tpu.vector_store %arg12[%swap3A_339, %swap3A_340], %swap3A_343 {strides = array<i32>} : memref<128x768xf32, #tpu.memory_space<vmem>>, vector<1x768xf32>,
      %scan3A_344 = arith.constant 26 : i32
      %add3A_345 = arith.addi %get3A_8, %scan3A_344 : i32
      %get3A_346 = arith.index_cast %add3A_345 : i32 to index
      %get3A_347 = memref.load %arg4[%get3A_346] : memref<4224xi32, #tpu.memory_space<smem>>
      %get3A_348 = arith.index_cast %get3A_347 : i32 to index
      %get3A_349 = arith.constant 0 : index
      %get3A_350 = vector.load %arg5[%get3A_348, %get3A_349] : memref<2048x768xf32, #tpu.memory_space<vmem>>, vector<1x768xf32>
      %get3A_351 = vector.shape_cast %get3A_350 : vector<1x768xf32> to vector<768xf32>
      %swap3A_352 = arith.index_cast %scan3A_344 : i32 to index
      %swap3A_353 = arith.constant 0 : index
      %swap3A_354 = vector.load %arg12[%swap3A_352, %swap3A_353] : memref<128x768xf32, #tpu.memory_space<vmem>>, vector<1x768xf32>
      %swap3A_355 = vector.shape_cast %swap3A_354 : vector<1x768xf32> to vector<768xf32>
      %swap3A_356 = vector.shape_cast %get3A_351 : vector<768xf32> to vector<1x768xf32>
      tpu.vector_store %arg12[%swap3A_352, %swap3A_353], %swap3A_356 {strides = array<i32>} : memref<128x768xf32, #tpu.memory_space<vmem>>, vector<1x768xf32>,
      %scan3A_357 = arith.constant 27 : i32
      %add3A_358 = arith.addi %get3A_8, %scan3A_357 : i32
      %get3A_359 = arith.index_cast %add3A_358 : i32 to index
      %get3A_360 = memref.load %arg4[%get3A_359] : memref<4224xi32, #tpu.memory_space<smem>>
      %get3A_361 = arith.index_cast %get3A_360 : i32 to index
      %get3A_362 = arith.constant 0 : index
      %get3A_363 = vector.load %arg5[%get3A_361, %get3A_362] : memref<2048x768xf32, #tpu.memory_space<vmem>>, vector<1x768xf32>
      %get3A_364 = vector.shape_cast %get3A_363 : vector<1x768xf32> to vector<768xf32>
      %swap3A_365 = arith.index_cast %scan3A_357 : i32 to index
      %swap3A_366 = arith.constant 0 : index
      %swap3A_367 = vector.load %arg12[%swap3A_365, %swap3A_366] : memref<128x768xf32, #tpu.memory_space<vmem>>, vector<1x768xf32>
      %swap3A_368 = vector.shape_cast %swap3A_367 : vector<1x768xf32> to vector<768xf32>
      %swap3A_369 = vector.shape_cast %get3A_364 : vector<768xf32> to vector<1x768xf32>
      tpu.vector_store %arg12[%swap3A_365, %swap3A_366], %swap3A_369 {strides = array<i32>} : memref<128x768xf32, #tpu.memory_space<vmem>>, vector<1x768xf32>,
      %scan3A_370 = arith.constant 28 : i32
      %add3A_371 = arith.addi %get3A_8, %scan3A_370 : i32
      %get3A_372 = arith.index_cast %add3A_371 : i32 to index
      %get3A_373 = memref.load %arg4[%get3A_372] : memref<4224xi32, #tpu.memory_space<smem>>
      %get3A_374 = arith.index_cast %get3A_373 : i32 to index
      %get3A_375 = arith.constant 0 : index
      %get3A_376 = vector.load %arg5[%get3A_374, %get3A_375] : memref<2048x768xf32, #tpu.memory_space<vmem>>, vector<1x768xf32>
      %get3A_377 = vector.shape_cast %get3A_376 : vector<1x768xf32> to vector<768xf32>
      %swap3A_378 = arith.index_cast %scan3A_370 : i32 to index
      %swap3A_379 = arith.constant 0 : index
      %swap3A_380 = vector.load %arg12[%swap3A_378, %swap3A_379] : memref<128x768xf32, #tpu.memory_space<vmem>>, vector<1x768xf32>
      %swap3A_381 = vector.shape_cast %swap3A_380 : vector<1x768xf32> to vector<768xf32>
      %swap3A_382 = vector.shape_cast %get3A_377 : vector<768xf32> to vector<1x768xf32>
      tpu.vector_store %arg12[%swap3A_378, %swap3A_379], %swap3A_382 {strides = array<i32>} : memref<128x768xf32, #tpu.memory_space<vmem>>, vector<1x768xf32>,
      %scan3A_383 = arith.constant 29 : i32
      %add3A_384 = arith.addi %get3A_8, %scan3A_383 : i32
      %get3A_385 = arith.index_cast %add3A_384 : i32 to index
      %get3A_386 = memref.load %arg4[%get3A_385] : memref<4224xi32, #tpu.memory_space<smem>>
      %get3A_387 = arith.index_cast %get3A_386 : i32 to index
      %get3A_388 = arith.constant 0 : index
      %get3A_389 = vector.load %arg5[%get3A_387, %get3A_388] : memref<2048x768xf32, #tpu.memory_space<vmem>>, vector<1x768xf32>
      %get3A_390 = vector.shape_cast %get3A_389 : vector<1x768xf32> to vector<768xf32>
      %swap3A_391 = arith.index_cast %scan3A_383 : i32 to index
      %swap3A_392 = arith.constant 0 : index
      %swap3A_393 = vector.load %arg12[%swap3A_391, %swap3A_392] : memref<128x768xf32, #tpu.memory_space<vmem>>, vector<1x768xf32>
      %swap3A_394 = vector.shape_cast %swap3A_393 : vector<1x768xf32> to vector<768xf32>
      %swap3A_395 = vector.shape_cast %get3A_390 : vector<768xf32> to vector<1x768xf32>
      tpu.vector_store %arg12[%swap3A_391, %swap3A_392], %swap3A_395 {strides = array<i32>} : memref<128x768xf32, #tpu.memory_space<vmem>>, vector<1x768xf32>,
      %scan3A_396 = arith.constant 30 : i32
      %add3A_397 = arith.addi %get3A_8, %scan3A_396 : i32
      %get3A_398 = arith.index_cast %add3A_397 : i32 to index
      %get3A_399 = memref.load %arg4[%get3A_398] : memref<4224xi32, #tpu.memory_space<smem>>
      %get3A_400 = arith.index_cast %get3A_399 : i32 to index
      %get3A_401 = arith.constant 0 : index
      %get3A_402 = vector.load %arg5[%get3A_400, %get3A_401] : memref<2048x768xf32, #tpu.memory_space<vmem>>, vector<1x768xf32>
      %get3A_403 = vector.shape_cast %get3A_402 : vector<1x768xf32> to vector<768xf32>
      %swap3A_404 = arith.index_cast %scan3A_396 : i32 to index
      %swap3A_405 = arith.constant 0 : index
      %swap3A_406 = vector.load %arg12[%swap3A_404, %swap3A_405] : memref<128x768xf32, #tpu.memory_space<vmem>>, vector<1x768xf32>
      %swap3A_407 = vector.shape_cast %swap3A_406 : vector<1x768xf32> to vector<768xf32>
      %swap3A_408 = vector.shape_cast %get3A_403 : vector<768xf32> to vector<1x768xf32>
      tpu.vector_store %arg12[%swap3A_404, %swap3A_405], %swap3A_408 {strides = array<i32>} : memref<128x768xf32, #tpu.memory_space<vmem>>, vector<1x768xf32>,
      %scan3A_409 = arith.constant 31 : i32
      %add3A_410 = arith.addi %get3A_8, %scan3A_409 : i32
      %get3A_411 = arith.index_cast %add3A_410 : i32 to index
      %get3A_412 = memref.load %arg4[%get3A_411] : memref<4224xi32, #tpu.memory_space<smem>>
      %get3A_413 = arith.index_cast %get3A_412 : i32 to index
      %get3A_414 = arith.constant 0 : index
      %get3A_415 = vector.load %arg5[%get3A_413, %get3A_414] : memref<2048x768xf32, #tpu.memory_space<vmem>>, vector<1x768xf32>
      %get3A_416 = vector.shape_cast %get3A_415 : vector<1x768xf32> to vector<768xf32>
      %swap3A_417 = arith.index_cast %scan3A_409 : i32 to index
      %swap3A_418 = arith.constant 0 : index
      %swap3A_419 = vector.load %arg12[%swap3A_417, %swap3A_418] : memref<128x768xf32, #tpu.memory_space<vmem>>, vector<1x768xf32>
      %swap3A_420 = vector.shape_cast %swap3A_419 : vector<1x768xf32> to vector<768xf32>
      %swap3A_421 = vector.shape_cast %get3A_416 : vector<768xf32> to vector<1x768xf32>
      tpu.vector_store %arg12[%swap3A_417, %swap3A_418], %swap3A_421 {strides = array<i32>} : memref<128x768xf32, #tpu.memory_space<vmem>>, vector<1x768xf32>,
      %scan3A_422 = arith.constant 32 : i32
      %add3A_423 = arith.addi %get3A_8, %scan3A_422 : i32
      %get3A_424 = arith.index_cast %add3A_423 : i32 to index
      %get3A_425 = memref.load %arg4[%get3A_424] : memref<4224xi32, #tpu.memory_space<smem>>
      %get3A_426 = arith.index_cast %get3A_425 : i32 to index
      %get3A_427 = arith.constant 0 : index
      %get3A_428 = vector.load %arg5[%get3A_426, %get3A_427] : memref<2048x768xf32, #tpu.memory_space<vmem>>, vector<1x768xf32>
      %get3A_429 = vector.shape_cast %get3A_428 : vector<1x768xf32> to vector<768xf32>
      %swap3A_430 = arith.index_cast %scan3A_422 : i32 to index
      %swap3A_431 = arith.constant 0 : index
      %swap3A_432 = vector.load %arg12[%swap3A_430, %swap3A_431] : memref<128x768xf32, #tpu.memory_space<vmem>>, vector<1x768xf32>
      %swap3A_433 = vector.shape_cast %swap3A_432 : vector<1x768xf32> to vector<768xf32>
      %swap3A_434 = vector.shape_cast %get3A_429 : vector<768xf32> to vector<1x768xf32>
      tpu.vector_store %arg12[%swap3A_430, %swap3A_431], %swap3A_434 {strides = array<i32>} : memref<128x768xf32, #tpu.memory_space<vmem>>, vector<1x768xf32>,
      %scan3A_435 = arith.constant 33 : i32
      %add3A_436 = arith.addi %get3A_8, %scan3A_435 : i32
      %get3A_437 = arith.index_cast %add3A_436 : i32 to index
      %get3A_438 = memref.load %arg4[%get3A_437] : memref<4224xi32, #tpu.memory_space<smem>>
      %get3A_439 = arith.index_cast %get3A_438 : i32 to index
      %get3A_440 = arith.constant 0 : index
      %get3A_441 = vector.load %arg5[%get3A_439, %get3A_440] : memref<2048x768xf32, #tpu.memory_space<vmem>>, vector<1x768xf32>
      %get3A_442 = vector.shape_cast %get3A_441 : vector<1x768xf32> to vector<768xf32>
      %swap3A_443 = arith.index_cast %scan3A_435 : i32 to index
      %swap3A_444 = arith.constant 0 : index
      %swap3A_445 = vector.load %arg12[%swap3A_443, %swap3A_444] : memref<128x768xf32, #tpu.memory_space<vmem>>, vector<1x768xf32>
      %swap3A_446 = vector.shape_cast %swap3A_445 : vector<1x768xf32> to vector<768xf32>
      %swap3A_447 = vector.shape_cast %get3A_442 : vector<768xf32> to vector<1x768xf32>
      tpu.vector_store %arg12[%swap3A_443, %swap3A_444], %swap3A_447 {strides = array<i32>} : memref<128x768xf32, #tpu.memory_space<vmem>>, vector<1x768xf32>,
      %scan3A_448 = arith.constant 34 : i32
      %add3A_449 = arith.addi %get3A_8, %scan3A_448 : i32
      %get3A_450 = arith.index_cast %add3A_449 : i32 to index
      %get3A_451 = memref.load %arg4[%get3A_450] : memref<4224xi32, #tpu.memory_space<smem>>
      %get3A_452 = arith.index_cast %get3A_451 : i32 to index
      %get3A_453 = arith.constant 0 : index
      %get3A_454 = vector.load %arg5[%get3A_452, %get3A_453] : memref<2048x768xf32, #tpu.memory_space<vmem>>, vector<1x768xf32>
      %get3A_455 = vector.shape_cast %get3A_454 : vector<1x768xf32> to vector<768xf32>
      %swap3A_456 = arith.index_cast %scan3A_448 : i32 to index
      %swap3A_457 = arith.constant 0 : index
      %swap3A_458 = vector.load %arg12[%swap3A_456, %swap3A_457] : memref<128x768xf32, #tpu.memory_space<vmem>>, vector<1x768xf32>
      %swap3A_459 = vector.shape_cast %swap3A_458 : vector<1x768xf32> to vector<768xf32>
      %swap3A_460 = vector.shape_cast %get3A_455 : vector<768xf32> to vector<1x768xf32>
      tpu.vector_store %arg12[%swap3A_456, %swap3A_457], %swap3A_460 {strides = array<i32>} : memref<128x768xf32, #tpu.memory_space<vmem>>, vector<1x768xf32>,
      %scan3A_461 = arith.constant 35 : i32
      %add3A_462 = arith.addi %get3A_8, %scan3A_461 : i32
      %get3A_463 = arith.index_cast %add3A_462 : i32 to index
      %get3A_464 = memref.load %arg4[%get3A_463] : memref<4224xi32, #tpu.memory_space<smem>>
      %get3A_465 = arith.index_cast %get3A_464 : i32 to index
      %get3A_466 = arith.constant 0 : index
      %get3A_467 = vector.load %arg5[%get3A_465, %get3A_466] : memref<2048x768xf32, #tpu.memory_space<vmem>>, vector<1x768xf32>
      %get3A_468 = vector.shape_cast %get3A_467 : vector<1x768xf32> to vector<768xf32>
      %swap3A_469 = arith.index_cast %scan3A_461 : i32 to index
      %swap3A_470 = arith.constant 0 : index
      %swap3A_471 = vector.load %arg12[%swap3A_469, %swap3A_470] : memref<128x768xf32, #tpu.memory_space<vmem>>, vector<1x768xf32>
      %swap3A_472 = vector.shape_cast %swap3A_471 : vector<1x768xf32> to vector<768xf32>
      %swap3A_473 = vector.shape_cast %get3A_468 : vector<768xf32> to vector<1x768xf32>
      tpu.vector_store %arg12[%swap3A_469, %swap3A_470], %swap3A_473 {strides = array<i32>} : memref<128x768xf32, #tpu.memory_space<vmem>>, vector<1x768xf32>,
      %scan3A_474 = arith.constant 36 : i32
      %add3A_475 = arith.addi %get3A_8, %scan3A_474 : i32
      %get3A_476 = arith.index_cast %add3A_475 : i32 to index
      %get3A_477 = memref.load %arg4[%get3A_476] : memref<4224xi32, #tpu.memory_space<smem>>
      %get3A_478 = arith.index_cast %get3A_477 : i32 to index
      %get3A_479 = arith.constant 0 : index
      %get3A_480 = vector.load %arg5[%get3A_478, %get3A_479] : memref<2048x768xf32, #tpu.memory_space<vmem>>, vector<1x768xf32>
      %get3A_481 = vector.shape_cast %get3A_480 : vector<1x768xf32> to vector<768xf32>
      %swap3A_482 = arith.index_cast %scan3A_474 : i32 to index
      %swap3A_483 = arith.constant 0 : index
      %swap3A_484 = vector.load %arg12[%swap3A_482, %swap3A_483] : memref<128x768xf32, #tpu.memory_space<vmem>>, vector<1x768xf32>
      %swap3A_485 = vector.shape_cast %swap3A_484 : vector<1x768xf32> to vector<768xf32>
      %swap3A_486 = vector.shape_cast %get3A_481 : vector<768xf32> to vector<1x768xf32>
      tpu.vector_store %arg12[%swap3A_482, %swap3A_483], %swap3A_486 {strides = array<i32>} : memref<128x768xf32, #tpu.memory_space<vmem>>, vector<1x768xf32>,
      %scan3A_487 = arith.constant 37 : i32
      %add3A_488 = arith.addi %get3A_8, %scan3A_487 : i32
      %get3A_489 = arith.index_cast %add3A_488 : i32 to index
      %get3A_490 = memref.load %arg4[%get3A_489] : memref<4224xi32, #tpu.memory_space<smem>>
      %get3A_491 = arith.index_cast %get3A_490 : i32 to index
      %get3A_492 = arith.constant 0 : index
      %get3A_493 = vector.load %arg5[%get3A_491, %get3A_492] : memref<2048x768xf32, #tpu.memory_space<vmem>>, vector<1x768xf32>
      %get3A_494 = vector.shape_cast %get3A_493 : vector<1x768xf32> to vector<768xf32>
      %swap3A_495 = arith.index_cast %scan3A_487 : i32 to index
      %swap3A_496 = arith.constant 0 : index
      %swap3A_497 = vector.load %arg12[%swap3A_495, %swap3A_496] : memref<128x768xf32, #tpu.memory_space<vmem>>, vector<1x768xf32>
      %swap3A_498 = vector.shape_cast %swap3A_497 : vector<1x768xf32> to vector<768xf32>
      %swap3A_499 = vector.shape_cast %get3A_494 : vector<768xf32> to vector<1x768xf32>
      tpu.vector_store %arg12[%swap3A_495, %swap3A_496], %swap3A_499 {strides = array<i32>} : memref<128x768xf32, #tpu.memory_space<vmem>>, vector<1x768xf32>,
      %scan3A_500 = arith.constant 38 : i32
      %add3A_501 = arith.addi %get3A_8, %scan3A_500 : i32
      %get3A_502 = arith.index_cast %add3A_501 : i32 to index
      %get3A_503 = memref.load %arg4[%get3A_502] : memref<4224xi32, #tpu.memory_space<smem>>
      %get3A_504 = arith.index_cast %get3A_503 : i32 to index
      %get3A_505 = arith.constant 0 : index
      %get3A_506 = vector.load %arg5[%get3A_504, %get3A_505] : memref<2048x768xf32, #tpu.memory_space<vmem>>, vector<1x768xf32>
      %get3A_507 = vector.shape_cast %get3A_506 : vector<1x768xf32> to vector<768xf32>
      %swap3A_508 = arith.index_cast %scan3A_500 : i32 to index
      %swap3A_509 = arith.constant 0 : index
      %swap3A_510 = vector.load %arg12[%swap3A_508, %swap3A_509] : memref<128x768xf32, #tpu.memory_space<vmem>>, vector<1x768xf32>
      %swap3A_511 = vector.shape_cast %swap3A_510 : vector<1x768xf32> to vector<768xf32>
      %swap3A_512 = vector.shape_cast %get3A_507 : vector<768xf32> to vector<1x768xf32>
      tpu.vector_store %arg12[%swap3A_508, %swap3A_509], %swap3A_512 {strides = array<i32>} : memref<128x768xf32, #tpu.memory_space<vmem>>, vector<1x768xf32>,
      %scan3A_513 = arith.constant 39 : i32
      %add3A_514 = arith.addi %get3A_8, %scan3A_513 : i32
      %get3A_515 = arith.index_cast %add3A_514 : i32 to index
      %get3A_516 = memref.load %arg4[%get3A_515] : memref<4224xi32, #tpu.memory_space<smem>>
      %get3A_517 = arith.index_cast %get3A_516 : i32 to index
      %get3A_518 = arith.constant 0 : index
      %get3A_519 = vector.load %arg5[%get3A_517, %get3A_518] : memref<2048x768xf32, #tpu.memory_space<vmem>>, vector<1x768xf32>
      %get3A_520 = vector.shape_cast %get3A_519 : vector<1x768xf32> to vector<768xf32>
      %swap3A_521 = arith.index_cast %scan3A_513 : i32 to index
      %swap3A_522 = arith.constant 0 : index
      %swap3A_523 = vector.load %arg12[%swap3A_521, %swap3A_522] : memref<128x768xf32, #tpu.memory_space<vmem>>, vector<1x768xf32>
      %swap3A_524 = vector.shape_cast %swap3A_523 : vector<1x768xf32> to vector<768xf32>
      %swap3A_525 = vector.shape_cast %get3A_520 : vector<768xf32> to vector<1x768xf32>
      tpu.vector_store %arg12[%swap3A_521, %swap3A_522], %swap3A_525 {strides = array<i32>} : memref<128x768xf32, #tpu.memory_space<vmem>>, vector<1x768xf32>,
      %scan3A_526 = arith.constant 40 : i32
      %add3A_527 = arith.addi %get3A_8, %scan3A_526 : i32
      %get3A_528 = arith.index_cast %add3A_527 : i32 to index
      %get3A_529 = memref.load %arg4[%get3A_528] : memref<4224xi32, #tpu.memory_space<smem>>
      %get3A_530 = arith.index_cast %get3A_529 : i32 to index
      %get3A_531 = arith.constant 0 : index
      %get3A_532 = vector.load %arg5[%get3A_530, %get3A_531] : memref<2048x768xf32, #tpu.memory_space<vmem>>, vector<1x768xf32>
      %get3A_533 = vector.shape_cast %get3A_532 : vector<1x768xf32> to vector<768xf32>
      %swap3A_534 = arith.index_cast %scan3A_526 : i32 to index
      %swap3A_535 = arith.constant 0 : index
      %swap3A_536 = vector.load %arg12[%swap3A_534, %swap3A_535] : memref<128x768xf32, #tpu.memory_space<vmem>>, vector<1x768xf32>
      %swap3A_537 = vector.shape_cast %swap3A_536 : vector<1x768xf32> to vector<768xf32>
      %swap3A_538 = vector.shape_cast %get3A_533 : vector<768xf32> to vector<1x768xf32>
      tpu.vector_store %arg12[%swap3A_534, %swap3A_535], %swap3A_538 {strides = array<i32>} : memref<128x768xf32, #tpu.memory_space<vmem>>, vector<1x768xf32>,
      %scan3A_539 = arith.constant 41 : i32
      %add3A_540 = arith.addi %get3A_8, %scan3A_539 : i32
      %get3A_541 = arith.index_cast %add3A_540 : i32 to index
      %get3A_542 = memref.load %arg4[%get3A_541] : memref<4224xi32, #tpu.memory_space<smem>>
      %get3A_543 = arith.index_cast %get3A_542 : i32 to index
      %get3A_544 = arith.constant 0 : index
      %get3A_545 = vector.load %arg5[%get3A_543, %get3A_544] : memref<2048x768xf32, #tpu.memory_space<vmem>>, vector<1x768xf32>
      %get3A_546 = vector.shape_cast %get3A_545 : vector<1x768xf32> to vector<768xf32>
      %swap3A_547 = arith.index_cast %scan3A_539 : i32 to index
      %swap3A_548 = arith.constant 0 : index
      %swap3A_549 = vector.load %arg12[%swap3A_547, %swap3A_548] : memref<128x768xf32, #tpu.memory_space<vmem>>, vector<1x768xf32>
      %swap3A_550 = vector.shape_cast %swap3A_549 : vector<1x768xf32> to vector<768xf32>
      %swap3A_551 = vector.shape_cast %get3A_546 : vector<768xf32> to vector<1x768xf32>
      tpu.vector_store %arg12[%swap3A_547, %swap3A_548], %swap3A_551 {strides = array<i32>} : memref<128x768xf32, #tpu.memory_space<vmem>>, vector<1x768xf32>,
      %scan3A_552 = arith.constant 42 : i32
      %add3A_553 = arith.addi %get3A_8, %scan3A_552 : i32
      %get3A_554 = arith.index_cast %add3A_553 : i32 to index
      %get3A_555 = memref.load %arg4[%get3A_554] : memref<4224xi32, #tpu.memory_space<smem>>
      %get3A_556 = arith.index_cast %get3A_555 : i32 to index
      %get3A_557 = arith.constant 0 : index
      %get3A_558 = vector.load %arg5[%get3A_556, %get3A_557] : memref<2048x768xf32, #tpu.memory_space<vmem>>, vector<1x768xf32>
      %get3A_559 = vector.shape_cast %get3A_558 : vector<1x768xf32> to vector<768xf32>
      %swap3A_560 = arith.index_cast %scan3A_552 : i32 to index
      %swap3A_561 = arith.constant 0 : index
      %swap3A_562 = vector.load %arg12[%swap3A_560, %swap3A_561] : memref<128x768xf32, #tpu.memory_space<vmem>>, vector<1x768xf32>
      %swap3A_563 = vector.shape_cast %swap3A_562 : vector<1x768xf32> to vector<768xf32>
      %swap3A_564 = vector.shape_cast %get3A_559 : vector<768xf32> to vector<1x768xf32>
      tpu.vector_store %arg12[%swap3A_560, %swap3A_561], %swap3A_564 {strides = array<i32>} : memref<128x768xf32, #tpu.memory_space<vmem>>, vector<1x768xf32>,
      %scan3A_565 = arith.constant 43 : i32
      %add3A_566 = arith.addi %get3A_8, %scan3A_565 : i32
      %get3A_567 = arith.index_cast %add3A_566 : i32 to index
      %get3A_568 = memref.load %arg4[%get3A_567] : memref<4224xi32, #tpu.memory_space<smem>>
      %get3A_569 = arith.index_cast %get3A_568 : i32 to index
      %get3A_570 = arith.constant 0 : index
      %get3A_571 = vector.load %arg5[%get3A_569, %get3A_570] : memref<2048x768xf32, #tpu.memory_space<vmem>>, vector<1x768xf32>
      %get3A_572 = vector.shape_cast %get3A_571 : vector<1x768xf32> to vector<768xf32>
      %swap3A_573 = arith.index_cast %scan3A_565 : i32 to index
      %swap3A_574 = arith.constant 0 : index
      %swap3A_575 = vector.load %arg12[%swap3A_573, %swap3A_574] : memref<128x768xf32, #tpu.memory_space<vmem>>, vector<1x768xf32>
      %swap3A_576 = vector.shape_cast %swap3A_575 : vector<1x768xf32> to vector<768xf32>
      %swap3A_577 = vector.shape_cast %get3A_572 : vector<768xf32> to vector<1x768xf32>
      tpu.vector_store %arg12[%swap3A_573, %swap3A_574], %swap3A_577 {strides = array<i32>} : memref<128x768xf32, #tpu.memory_space<vmem>>, vector<1x768xf32>,
      %scan3A_578 = arith.constant 44 : i32
      %add3A_579 = arith.addi %get3A_8, %scan3A_578 : i32
      %get3A_580 = arith.index_cast %add3A_579 : i32 to index
      %get3A_581 = memref.load %arg4[%get3A_580] : memref<4224xi32, #tpu.memory_space<smem>>
      %get3A_582 = arith.index_cast %get3A_581 : i32 to index
      %get3A_583 = arith.constant 0 : index
      %get3A_584 = vector.load %arg5[%get3A_582, %get3A_583] : memref<2048x768xf32, #tpu.memory_space<vmem>>, vector<1x768xf32>
      %get3A_585 = vector.shape_cast %get3A_584 : vector<1x768xf32> to vector<768xf32>
      %swap3A_586 = arith.index_cast %scan3A_578 : i32 to index
      %swap3A_587 = arith.constant 0 : index
      %swap3A_588 = vector.load %arg12[%swap3A_586, %swap3A_587] : memref<128x768xf32, #tpu.memory_space<vmem>>, vector<1x768xf32>
      %swap3A_589 = vector.shape_cast %swap3A_588 : vector<1x768xf32> to vector<768xf32>
      %swap3A_590 = vector.shape_cast %get3A_585 : vector<768xf32> to vector<1x768xf32>
      tpu.vector_store %arg12[%swap3A_586, %swap3A_587], %swap3A_590 {strides = array<i32>} : memref<128x768xf32, #tpu.memory_space<vmem>>, vector<1x768xf32>,
      %scan3A_591 = arith.constant 45 : i32
      %add3A_592 = arith.addi %get3A_8, %scan3A_591 : i32
      %get3A_593 = arith.index_cast %add3A_592 : i32 to index
      %get3A_594 = memref.load %arg4[%get3A_593] : memref<4224xi32, #tpu.memory_space<smem>>
      %get3A_595 = arith.index_cast %get3A_594 : i32 to index
      %get3A_596 = arith.constant 0 : index
      %get3A_597 = vector.load %arg5[%get3A_595, %get3A_596] : memref<2048x768xf32, #tpu.memory_space<vmem>>, vector<1x768xf32>
      %get3A_598 = vector.shape_cast %get3A_597 : vector<1x768xf32> to vector<768xf32>
      %swap3A_599 = arith.index_cast %scan3A_591 : i32 to index
      %swap3A_600 = arith.constant 0 : index
      %swap3A_601 = vector.load %arg12[%swap3A_599, %swap3A_600] : memref<128x768xf32, #tpu.memory_space<vmem>>, vector<1x768xf32>
      %swap3A_602 = vector.shape_cast %swap3A_601 : vector<1x768xf32> to vector<768xf32>
      %swap3A_603 = vector.shape_cast %get3A_598 : vector<768xf32> to vector<1x768xf32>
      tpu.vector_store %arg12[%swap3A_599, %swap3A_600], %swap3A_603 {strides = array<i32>} : memref<128x768xf32, #tpu.memory_space<vmem>>, vector<1x768xf32>,
      %scan3A_604 = arith.constant 46 : i32
      %add3A_605 = arith.addi %get3A_8, %scan3A_604 : i32
      %get3A_606 = arith.index_cast %add3A_605 : i32 to index
      %get3A_607 = memref.load %arg4[%get3A_606] : memref<4224xi32, #tpu.memory_space<smem>>
      %get3A_608 = arith.index_cast %get3A_607 : i32 to index
      %get3A_609 = arith.constant 0 : index
      %get3A_610 = vector.load %arg5[%get3A_608, %get3A_609] : memref<2048x768xf32, #tpu.memory_space<vmem>>, vector<1x768xf32>
      %get3A_611 = vector.shape_cast %get3A_610 : vector<1x768xf32> to vector<768xf32>
      %swap3A_612 = arith.index_cast %scan3A_604 : i32 to index
      %swap3A_613 = arith.constant 0 : index
      %swap3A_614 = vector.load %arg12[%swap3A_612, %swap3A_613] : memref<128x768xf32, #tpu.memory_space<vmem>>, vector<1x768xf32>
      %swap3A_615 = vector.shape_cast %swap3A_614 : vector<1x768xf32> to vector<768xf32>
      %swap3A_616 = vector.shape_cast %get3A_611 : vector<768xf32> to vector<1x768xf32>
      tpu.vector_store %arg12[%swap3A_612, %swap3A_613], %swap3A_616 {strides = array<i32>} : memref<128x768xf32, #tpu.memory_space<vmem>>, vector<1x768xf32>,
      %scan3A_617 = arith.constant 47 : i32
      %add3A_618 = arith.addi %get3A_8, %scan3A_617 : i32
      %get3A_619 = arith.index_cast %add3A_618 : i32 to index
      %get3A_620 = memref.load %arg4[%get3A_619] : memref<4224xi32, #tpu.memory_space<smem>>
      %get3A_621 = arith.index_cast %get3A_620 : i32 to index
      %get3A_622 = arith.constant 0 : index
      %get3A_623 = vector.load %arg5[%get3A_621, %get3A_622] : memref<2048x768xf32, #tpu.memory_space<vmem>>, vector<1x768xf32>
      %get3A_624 = vector.shape_cast %get3A_623 : vector<1x768xf32> to vector<768xf32>
      %swap3A_625 = arith.index_cast %scan3A_617 : i32 to index
      %swap3A_626 = arith.constant 0 : index
      %swap3A_627 = vector.load %arg12[%swap3A_625, %swap3A_626] : memref<128x768xf32, #tpu.memory_space<vmem>>, vector<1x768xf32>
      %swap3A_628 = vector.shape_cast %swap3A_627 : vector<1x768xf32> to vector<768xf32>
      %swap3A_629 = vector.shape_cast %get3A_624 : vector<768xf32> to vector<1x768xf32>
      tpu.vector_store %arg12[%swap3A_625, %swap3A_626], %swap3A_629 {strides = array<i32>} : memref<128x768xf32, #tpu.memory_space<vmem>>, vector<1x768xf32>,
      %scan3A_630 = arith.constant 48 : i32
      %add3A_631 = arith.addi %get3A_8, %scan3A_630 : i32
      %get3A_632 = arith.index_cast %add3A_631 : i32 to index
      %get3A_633 = memref.load %arg4[%get3A_632] : memref<4224xi32, #tpu.memory_space<smem>>
      %get3A_634 = arith.index_cast %get3A_633 : i32 to index
      %get3A_635 = arith.constant 0 : index
      %get3A_636 = vector.load %arg5[%get3A_634, %get3A_635] : memref<2048x768xf32, #tpu.memory_space<vmem>>, vector<1x768xf32>
      %get3A_637 = vector.shape_cast %get3A_636 : vector<1x768xf32> to vector<768xf32>
      %swap3A_638 = arith.index_cast %scan3A_630 : i32 to index
      %swap3A_639 = arith.constant 0 : index
      %swap3A_640 = vector.load %arg12[%swap3A_638, %swap3A_639] : memref<128x768xf32, #tpu.memory_space<vmem>>, vector<1x768xf32>
      %swap3A_641 = vector.shape_cast %swap3A_640 : vector<1x768xf32> to vector<768xf32>
      %swap3A_642 = vector.shape_cast %get3A_637 : vector<768xf32> to vector<1x768xf32>
      tpu.vector_store %arg12[%swap3A_638, %swap3A_639], %swap3A_642 {strides = array<i32>} : memref<128x768xf32, #tpu.memory_space<vmem>>, vector<1x768xf32>,
      %scan3A_643 = arith.constant 49 : i32
      %add3A_644 = arith.addi %get3A_8, %scan3A_643 : i32
      %get3A_645 = arith.index_cast %add3A_644 : i32 to index
      %get3A_646 = memref.load %arg4[%get3A_645] : memref<4224xi32, #tpu.memory_space<smem>>
      %get3A_647 = arith.index_cast %get3A_646 : i32 to index
      %get3A_648 = arith.constant 0 : index
      %get3A_649 = vector.load %arg5[%get3A_647, %get3A_648] : memref<2048x768xf32, #tpu.memory_space<vmem>>, vector<1x768xf32>
      %get3A_650 = vector.shape_cast %get3A_649 : vector<1x768xf32> to vector<768xf32>
      %swap3A_651 = arith.index_cast %scan3A_643 : i32 to index
      %swap3A_652 = arith.constant 0 : index
      %swap3A_653 = vector.load %arg12[%swap3A_651, %swap3A_652] : memref<128x768xf32, #tpu.memory_space<vmem>>, vector<1x768xf32>
      %swap3A_654 = vector.shape_cast %swap3A_653 : vector<1x768xf32> to vector<768xf32>
      %swap3A_655 = vector.shape_cast %get3A_650 : vector<768xf32> to vector<1x768xf32>
      tpu.vector_store %arg12[%swap3A_651, %swap3A_652], %swap3A_655 {strides = array<i32>} : memref<128x768xf32, #tpu.memory_space<vmem>>, vector<1x768xf32>,
      %scan3A_656 = arith.constant 50 : i32
      %add3A_657 = arith.addi %get3A_8, %scan3A_656 : i32
      %get3A_658 = arith.index_cast %add3A_657 : i32 to index
      %get3A_659 = memref.load %arg4[%get3A_658] : memref<4224xi32, #tpu.memory_space<smem>>
      %get3A_660 = arith.index_cast %get3A_659 : i32 to index
      %get3A_661 = arith.constant 0 : index
      %get3A_662 = vector.load %arg5[%get3A_660, %get3A_661] : memref<2048x768xf32, #tpu.memory_space<vmem>>, vector<1x768xf32>
      %get3A_663 = vector.shape_cast %get3A_662 : vector<1x768xf32> to vector<768xf32>
      %swap3A_664 = arith.index_cast %scan3A_656 : i32 to index
      %swap3A_665 = arith.constant 0 : index
      %swap3A_666 = vector.load %arg12[%swap3A_664, %swap3A_665] : memref<128x768xf32, #tpu.memory_space<vmem>>, vector<1x768xf32>
      %swap3A_667 = vector.shape_cast %swap3A_666 : vector<1x768xf32> to vector<768xf32>
      %swap3A_668 = vector.shape_cast %get3A_663 : vector<768xf32> to vector<1x768xf32>
      tpu.vector_store %arg12[%swap3A_664, %swap3A_665], %swap3A_668 {strides = array<i32>} : memref<128x768xf32, #tpu.memory_space<vmem>>, vector<1x768xf32>,
      %scan3A_669 = arith.constant 51 : i32
      %add3A_670 = arith.addi %get3A_8, %scan3A_669 : i32
      %get3A_671 = arith.index_cast %add3A_670 : i32 to index
      %get3A_672 = memref.load %arg4[%get3A_671] : memref<4224xi32, #tpu.memory_space<smem>>
      %get3A_673 = arith.index_cast %get3A_672 : i32 to index
      %get3A_674 = arith.constant 0 : index
      %get3A_675 = vector.load %arg5[%get3A_673, %get3A_674] : memref<2048x768xf32, #tpu.memory_space<vmem>>, vector<1x768xf32>
      %get3A_676 = vector.shape_cast %get3A_675 : vector<1x768xf32> to vector<768xf32>
      %swap3A_677 = arith.index_cast %scan3A_669 : i32 to index
      %swap3A_678 = arith.constant 0 : index
      %swap3A_679 = vector.load %arg12[%swap3A_677, %swap3A_678] : memref<128x768xf32, #tpu.memory_space<vmem>>, vector<1x768xf32>
      %swap3A_680 = vector.shape_cast %swap3A_679 : vector<1x768xf32> to vector<768xf32>
      %swap3A_681 = vector.shape_cast %get3A_676 : vector<768xf32> to vector<1x768xf32>
      tpu.vector_store %arg12[%swap3A_677, %swap3A_678], %swap3A_681 {strides = array<i32>} : memref<128x768xf32, #tpu.memory_space<vmem>>, vector<1x768xf32>,
      %scan3A_682 = arith.constant 52 : i32
      %add3A_683 = arith.addi %get3A_8, %scan3A_682 : i32
      %get3A_684 = arith.index_cast %add3A_683 : i32 to index
      %get3A_685 = memref.load %arg4[%get3A_684] : memref<4224xi32, #tpu.memory_space<smem>>
      %get3A_686 = arith.index_cast %get3A_685 : i32 to index
      %get3A_687 = arith.constant 0 : index
      %get3A_688 = vector.load %arg5[%get3A_686, %get3A_687] : memref<2048x768xf32, #tpu.memory_space<vmem>>, vector<1x768xf32>
      %get3A_689 = vector.shape_cast %get3A_688 : vector<1x768xf32> to vector<768xf32>
      %swap3A_690 = arith.index_cast %scan3A_682 : i32 to index
      %swap3A_691 = arith.constant 0 : index
      %swap3A_692 = vector.load %arg12[%swap3A_690, %swap3A_691] : memref<128x768xf32, #tpu.memory_space<vmem>>, vector<1x768xf32>
      %swap3A_693 = vector.shape_cast %swap3A_692 : vector<1x768xf32> to vector<768xf32>
      %swap3A_694 = vector.shape_cast %get3A_689 : vector<768xf32> to vector<1x768xf32>
      tpu.vector_store %arg12[%swap3A_690, %swap3A_691], %swap3A_694 {strides = array<i32>} : memref<128x768xf32, #tpu.memory_space<vmem>>, vector<1x768xf32>,
      %scan3A_695 = arith.constant 53 : i32
      %add3A_696 = arith.addi %get3A_8, %scan3A_695 : i32
      %get3A_697 = arith.index_cast %add3A_696 : i32 to index
      %get3A_698 = memref.load %arg4[%get3A_697] : memref<4224xi32, #tpu.memory_space<smem>>
      %get3A_699 = arith.index_cast %get3A_698 : i32 to index
      %get3A_700 = arith.constant 0 : index
      %get3A_701 = vector.load %arg5[%get3A_699, %get3A_700] : memref<2048x768xf32, #tpu.memory_space<vmem>>, vector<1x768xf32>
      %get3A_702 = vector.shape_cast %get3A_701 : vector<1x768xf32> to vector<768xf32>
      %swap3A_703 = arith.index_cast %scan3A_695 : i32 to index
      %swap3A_704 = arith.constant 0 : index
      %swap3A_705 = vector.load %arg12[%swap3A_703, %swap3A_704] : memref<128x768xf32, #tpu.memory_space<vmem>>, vector<1x768xf32>
      %swap3A_706 = vector.shape_cast %swap3A_705 : vector<1x768xf32> to vector<768xf32>
      %swap3A_707 = vector.shape_cast %get3A_702 : vector<768xf32> to vector<1x768xf32>
      tpu.vector_store %arg12[%swap3A_703, %swap3A_704], %swap3A_707 {strides = array<i32>} : memref<128x768xf32, #tpu.memory_space<vmem>>, vector<1x768xf32>,
      %scan3A_708 = arith.constant 54 : i32
      %add3A_709 = arith.addi %get3A_8, %scan3A_708 : i32
      %get3A_710 = arith.index_cast %add3A_709 : i32 to index
      %get3A_711 = memref.load %arg4[%get3A_710] : memref<4224xi32, #tpu.memory_space<smem>>
      %get3A_712 = arith.index_cast %get3A_711 : i32 to index
      %get3A_713 = arith.constant 0 : index
      %get3A_714 = vector.load %arg5[%get3A_712, %get3A_713] : memref<2048x768xf32, #tpu.memory_space<vmem>>, vector<1x768xf32>
      %get3A_715 = vector.shape_cast %get3A_714 : vector<1x768xf32> to vector<768xf32>
      %swap3A_716 = arith.index_cast %scan3A_708 : i32 to index
      %swap3A_717 = arith.constant 0 : index
      %swap3A_718 = vector.load %arg12[%swap3A_716, %swap3A_717] : memref<128x768xf32, #tpu.memory_space<vmem>>, vector<1x768xf32>
      %swap3A_719 = vector.shape_cast %swap3A_718 : vector<1x768xf32> to vector<768xf32>
      %swap3A_720 = vector.shape_cast %get3A_715 : vector<768xf32> to vector<1x768xf32>
      tpu.vector_store %arg12[%swap3A_716, %swap3A_717], %swap3A_720 {strides = array<i32>} : memref<128x768xf32, #tpu.memory_space<vmem>>, vector<1x768xf32>,
      %scan3A_721 = arith.constant 55 : i32
      %add3A_722 = arith.addi %get3A_8, %scan3A_721 : i32
      %get3A_723 = arith.index_cast %add3A_722 : i32 to index
      %get3A_724 = memref.load %arg4[%get3A_723] : memref<4224xi32, #tpu.memory_space<smem>>
      %get3A_725 = arith.index_cast %get3A_724 : i32 to index
      %get3A_726 = arith.constant 0 : index
      %get3A_727 = vector.load %arg5[%get3A_725, %get3A_726] : memref<2048x768xf32, #tpu.memory_space<vmem>>, vector<1x768xf32>
      %get3A_728 = vector.shape_cast %get3A_727 : vector<1x768xf32> to vector<768xf32>
      %swap3A_729 = arith.index_cast %scan3A_721 : i32 to index
      %swap3A_730 = arith.constant 0 : index
      %swap3A_731 = vector.load %arg12[%swap3A_729, %swap3A_730] : memref<128x768xf32, #tpu.memory_space<vmem>>, vector<1x768xf32>
      %swap3A_732 = vector.shape_cast %swap3A_731 : vector<1x768xf32> to vector<768xf32>
      %swap3A_733 = vector.shape_cast %get3A_728 : vector<768xf32> to vector<1x768xf32>
      tpu.vector_store %arg12[%swap3A_729, %swap3A_730], %swap3A_733 {strides = array<i32>} : memref<128x768xf32, #tpu.memory_space<vmem>>, vector<1x768xf32>,
      %scan3A_734 = arith.constant 56 : i32
      %add3A_735 = arith.addi %get3A_8, %scan3A_734 : i32
      %get3A_736 = arith.index_cast %add3A_735 : i32 to index
      %get3A_737 = memref.load %arg4[%get3A_736] : memref<4224xi32, #tpu.memory_space<smem>>
      %get3A_738 = arith.index_cast %get3A_737 : i32 to index
      %get3A_739 = arith.constant 0 : index
      %get3A_740 = vector.load %arg5[%get3A_738, %get3A_739] : memref<2048x768xf32, #tpu.memory_space<vmem>>, vector<1x768xf32>
      %get3A_741 = vector.shape_cast %get3A_740 : vector<1x768xf32> to vector<768xf32>
      %swap3A_742 = arith.index_cast %scan3A_734 : i32 to index
      %swap3A_743 = arith.constant 0 : index
      %swap3A_744 = vector.load %arg12[%swap3A_742, %swap3A_743] : memref<128x768xf32, #tpu.memory_space<vmem>>, vector<1x768xf32>
      %swap3A_745 = vector.shape_cast %swap3A_744 : vector<1x768xf32> to vector<768xf32>
      %swap3A_746 = vector.shape_cast %get3A_741 : vector<768xf32> to vector<1x768xf32>
      tpu.vector_store %arg12[%swap3A_742, %swap3A_743], %swap3A_746 {strides = array<i32>} : memref<128x768xf32, #tpu.memory_space<vmem>>, vector<1x768xf32>,
      %scan3A_747 = arith.constant 57 : i32
      %add3A_748 = arith.addi %get3A_8, %scan3A_747 : i32
      %get3A_749 = arith.index_cast %add3A_748 : i32 to index
      %get3A_750 = memref.load %arg4[%get3A_749] : memref<4224xi32, #tpu.memory_space<smem>>
      %get3A_751 = arith.index_cast %get3A_750 : i32 to index
      %get3A_752 = arith.constant 0 : index
      %get3A_753 = vector.load %arg5[%get3A_751, %get3A_752] : memref<2048x768xf32, #tpu.memory_space<vmem>>, vector<1x768xf32>
      %get3A_754 = vector.shape_cast %get3A_753 : vector<1x768xf32> to vector<768xf32>
      %swap3A_755 = arith.index_cast %scan3A_747 : i32 to index
      %swap3A_756 = arith.constant 0 : index
      %swap3A_757 = vector.load %arg12[%swap3A_755, %swap3A_756] : memref<128x768xf32, #tpu.memory_space<vmem>>, vector<1x768xf32>
      %swap3A_758 = vector.shape_cast %swap3A_757 : vector<1x768xf32> to vector<768xf32>
      %swap3A_759 = vector.shape_cast %get3A_754 : vector<768xf32> to vector<1x768xf32>
      tpu.vector_store %arg12[%swap3A_755, %swap3A_756], %swap3A_759 {strides = array<i32>} : memref<128x768xf32, #tpu.memory_space<vmem>>, vector<1x768xf32>,
      %scan3A_760 = arith.constant 58 : i32
      %add3A_761 = arith.addi %get3A_8, %scan3A_760 : i32
      %get3A_762 = arith.index_cast %add3A_761 : i32 to index
      %get3A_763 = memref.load %arg4[%get3A_762] : memref<4224xi32, #tpu.memory_space<smem>>
      %get3A_764 = arith.index_cast %get3A_763 : i32 to index
      %get3A_765 = arith.constant 0 : index
      %get3A_766 = vector.load %arg5[%get3A_764, %get3A_765] : memref<2048x768xf32, #tpu.memory_space<vmem>>, vector<1x768xf32>
      %get3A_767 = vector.shape_cast %get3A_766 : vector<1x768xf32> to vector<768xf32>
      %swap3A_768 = arith.index_cast %scan3A_760 : i32 to index
      %swap3A_769 = arith.constant 0 : index
      %swap3A_770 = vector.load %arg12[%swap3A_768, %swap3A_769] : memref<128x768xf32, #tpu.memory_space<vmem>>, vector<1x768xf32>
      %swap3A_771 = vector.shape_cast %swap3A_770 : vector<1x768xf32> to vector<768xf32>
      %swap3A_772 = vector.shape_cast %get3A_767 : vector<768xf32> to vector<1x768xf32>
      tpu.vector_store %arg12[%swap3A_768, %swap3A_769], %swap3A_772 {strides = array<i32>} : memref<128x768xf32, #tpu.memory_space<vmem>>, vector<1x768xf32>,
      %scan3A_773 = arith.constant 59 : i32
      %add3A_774 = arith.addi %get3A_8, %scan3A_773 : i32
      %get3A_775 = arith.index_cast %add3A_774 : i32 to index
      %get3A_776 = memref.load %arg4[%get3A_775] : memref<4224xi32, #tpu.memory_space<smem>>
      %get3A_777 = arith.index_cast %get3A_776 : i32 to index
      %get3A_778 = arith.constant 0 : index
      %get3A_779 = vector.load %arg5[%get3A_777, %get3A_778] : memref<2048x768xf32, #tpu.memory_space<vmem>>, vector<1x768xf32>
      %get3A_780 = vector.shape_cast %get3A_779 : vector<1x768xf32> to vector<768xf32>
      %swap3A_781 = arith.index_cast %scan3A_773 : i32 to index
      %swap3A_782 = arith.constant 0 : index
      %swap3A_783 = vector.load %arg12[%swap3A_781, %swap3A_782] : memref<128x768xf32, #tpu.memory_space<vmem>>, vector<1x768xf32>
      %swap3A_784 = vector.shape_cast %swap3A_783 : vector<1x768xf32> to vector<768xf32>
      %swap3A_785 = vector.shape_cast %get3A_780 : vector<768xf32> to vector<1x768xf32>
      tpu.vector_store %arg12[%swap3A_781, %swap3A_782], %swap3A_785 {strides = array<i32>} : memref<128x768xf32, #tpu.memory_space<vmem>>, vector<1x768xf32>,
      %scan3A_786 = arith.constant 60 : i32
      %add3A_787 = arith.addi %get3A_8, %scan3A_786 : i32
      %get3A_788 = arith.index_cast %add3A_787 : i32 to index
      %get3A_789 = memref.load %arg4[%get3A_788] : memref<4224xi32, #tpu.memory_space<smem>>
      %get3A_790 = arith.index_cast %get3A_789 : i32 to index
      %get3A_791 = arith.constant 0 : index
      %get3A_792 = vector.load %arg5[%get3A_790, %get3A_791] : memref<2048x768xf32, #tpu.memory_space<vmem>>, vector<1x768xf32>
      %get3A_793 = vector.shape_cast %get3A_792 : vector<1x768xf32> to vector<768xf32>
      %swap3A_794 = arith.index_cast %scan3A_786 : i32 to index
      %swap3A_795 = arith.constant 0 : index
      %swap3A_796 = vector.load %arg12[%swap3A_794, %swap3A_795] : memref<128x768xf32, #tpu.memory_space<vmem>>, vector<1x768xf32>
      %swap3A_797 = vector.shape_cast %swap3A_796 : vector<1x768xf32> to vector<768xf32>
      %swap3A_798 = vector.shape_cast %get3A_793 : vector<768xf32> to vector<1x768xf32>
      tpu.vector_store %arg12[%swap3A_794, %swap3A_795], %swap3A_798 {strides = array<i32>} : memref<128x768xf32, #tpu.memory_space<vmem>>, vector<1x768xf32>,
      %scan3A_799 = arith.constant 61 : i32
      %add3A_800 = arith.addi %get3A_8, %scan3A_799 : i32
      %get3A_801 = arith.index_cast %add3A_800 : i32 to index
      %get3A_802 = memref.load %arg4[%get3A_801] : memref<4224xi32, #tpu.memory_space<smem>>
      %get3A_803 = arith.index_cast %get3A_802 : i32 to index
      %get3A_804 = arith.constant 0 : index
      %get3A_805 = vector.load %arg5[%get3A_803, %get3A_804] : memref<2048x768xf32, #tpu.memory_space<vmem>>, vector<1x768xf32>
      %get3A_806 = vector.shape_cast %get3A_805 : vector<1x768xf32> to vector<768xf32>
      %swap3A_807 = arith.index_cast %scan3A_799 : i32 to index
      %swap3A_808 = arith.constant 0 : index
      %swap3A_809 = vector.load %arg12[%swap3A_807, %swap3A_808] : memref<128x768xf32, #tpu.memory_space<vmem>>, vector<1x768xf32>
      %swap3A_810 = vector.shape_cast %swap3A_809 : vector<1x768xf32> to vector<768xf32>
      %swap3A_811 = vector.shape_cast %get3A_806 : vector<768xf32> to vector<1x768xf32>
      tpu.vector_store %arg12[%swap3A_807, %swap3A_808], %swap3A_811 {strides = array<i32>} : memref<128x768xf32, #tpu.memory_space<vmem>>, vector<1x768xf32>,
      %scan3A_812 = arith.constant 62 : i32
      %add3A_813 = arith.addi %get3A_8, %scan3A_812 : i32
      %get3A_814 = arith.index_cast %add3A_813 : i32 to index
      %get3A_815 = memref.load %arg4[%get3A_814] : memref<4224xi32, #tpu.memory_space<smem>>
      %get3A_816 = arith.index_cast %get3A_815 : i32 to index
      %get3A_817 = arith.constant 0 : index
      %get3A_818 = vector.load %arg5[%get3A_816, %get3A_817] : memref<2048x768xf32, #tpu.memory_space<vmem>>, vector<1x768xf32>
      %get3A_819 = vector.shape_cast %get3A_818 : vector<1x768xf32> to vector<768xf32>
      %swap3A_820 = arith.index_cast %scan3A_812 : i32 to index
      %swap3A_821 = arith.constant 0 : index
      %swap3A_822 = vector.load %arg12[%swap3A_820, %swap3A_821] : memref<128x768xf32, #tpu.memory_space<vmem>>, vector<1x768xf32>
      %swap3A_823 = vector.shape_cast %swap3A_822 : vector<1x768xf32> to vector<768xf32>
      %swap3A_824 = vector.shape_cast %get3A_819 : vector<768xf32> to vector<1x768xf32>
      tpu.vector_store %arg12[%swap3A_820, %swap3A_821], %swap3A_824 {strides = array<i32>} : memref<128x768xf32, #tpu.memory_space<vmem>>, vector<1x768xf32>,
      %scan3A_825 = arith.constant 63 : i32
      %add3A_826 = arith.addi %get3A_8, %scan3A_825 : i32
      %get3A_827 = arith.index_cast %add3A_826 : i32 to index
      %get3A_828 = memref.load %arg4[%get3A_827] : memref<4224xi32, #tpu.memory_space<smem>>
      %get3A_829 = arith.index_cast %get3A_828 : i32 to index
      %get3A_830 = arith.constant 0 : index
      %get3A_831 = vector.load %arg5[%get3A_829, %get3A_830] : memref<2048x768xf32, #tpu.memory_space<vmem>>, vector<1x768xf32>
      %get3A_832 = vector.shape_cast %get3A_831 : vector<1x768xf32> to vector<768xf32>
      %swap3A_833 = arith.index_cast %scan3A_825 : i32 to index
      %swap3A_834 = arith.constant 0 : index
      %swap3A_835 = vector.load %arg12[%swap3A_833, %swap3A_834] : memref<128x768xf32, #tpu.memory_space<vmem>>, vector<1x768xf32>
      %swap3A_836 = vector.shape_cast %swap3A_835 : vector<1x768xf32> to vector<768xf32>
      %swap3A_837 = vector.shape_cast %get3A_832 : vector<768xf32> to vector<1x768xf32>
      tpu.vector_store %arg12[%swap3A_833, %swap3A_834], %swap3A_837 {strides = array<i32>} : memref<128x768xf32, #tpu.memory_space<vmem>>, vector<1x768xf32>,
      %scan3A_838 = arith.constant 64 : i32
      %add3A_839 = arith.addi %get3A_8, %scan3A_838 : i32
      %get3A_840 = arith.index_cast %add3A_839 : i32 to index
      %get3A_841 = memref.load %arg4[%get3A_840] : memref<4224xi32, #tpu.memory_space<smem>>
      %get3A_842 = arith.index_cast %get3A_841 : i32 to index
      %get3A_843 = arith.constant 0 : index
      %get3A_844 = vector.load %arg5[%get3A_842, %get3A_843] : memref<2048x768xf32, #tpu.memory_space<vmem>>, vector<1x768xf32>
      %get3A_845 = vector.shape_cast %get3A_844 : vector<1x768xf32> to vector<768xf32>
      %swap3A_846 = arith.index_cast %scan3A_838 : i32 to index
      %swap3A_847 = arith.constant 0 : index
      %swap3A_848 = vector.load %arg12[%swap3A_846, %swap3A_847] : memref<128x768xf32, #tpu.memory_space<vmem>>, vector<1x768xf32>
      %swap3A_849 = vector.shape_cast %swap3A_848 : vector<1x768xf32> to vector<768xf32>
      %swap3A_850 = vector.shape_cast %get3A_845 : vector<768xf32> to vector<1x768xf32>
      tpu.vector_store %arg12[%swap3A_846, %swap3A_847], %swap3A_850 {strides = array<i32>} : memref<128x768xf32, #tpu.memory_space<vmem>>, vector<1x768xf32>,
      %scan3A_851 = arith.constant 65 : i32
      %add3A_852 = arith.addi %get3A_8, %scan3A_851 : i32
      %get3A_853 = arith.index_cast %add3A_852 : i32 to index
      %get3A_854 = memref.load %arg4[%get3A_853] : memref<4224xi32, #tpu.memory_space<smem>>
      %get3A_855 = arith.index_cast %get3A_854 : i32 to index
      %get3A_856 = arith.constant 0 : index
      %get3A_857 = vector.load %arg5[%get3A_855, %get3A_856] : memref<2048x768xf32, #tpu.memory_space<vmem>>, vector<1x768xf32>
      %get3A_858 = vector.shape_cast %get3A_857 : vector<1x768xf32> to vector<768xf32>
      %swap3A_859 = arith.index_cast %scan3A_851 : i32 to index
      %swap3A_860 = arith.constant 0 : index
      %swap3A_861 = vector.load %arg12[%swap3A_859, %swap3A_860] : memref<128x768xf32, #tpu.memory_space<vmem>>, vector<1x768xf32>
      %swap3A_862 = vector.shape_cast %swap3A_861 : vector<1x768xf32> to vector<768xf32>
      %swap3A_863 = vector.shape_cast %get3A_858 : vector<768xf32> to vector<1x768xf32>
      tpu.vector_store %arg12[%swap3A_859, %swap3A_860], %swap3A_863 {strides = array<i32>} : memref<128x768xf32, #tpu.memory_space<vmem>>, vector<1x768xf32>,
      %scan3A_864 = arith.constant 66 : i32
      %add3A_865 = arith.addi %get3A_8, %scan3A_864 : i32
      %get3A_866 = arith.index_cast %add3A_865 : i32 to index
      %get3A_867 = memref.load %arg4[%get3A_866] : memref<4224xi32, #tpu.memory_space<smem>>
      %get3A_868 = arith.index_cast %get3A_867 : i32 to index
      %get3A_869 = arith.constant 0 : index
      %get3A_870 = vector.load %arg5[%get3A_868, %get3A_869] : memref<2048x768xf32, #tpu.memory_space<vmem>>, vector<1x768xf32>
      %get3A_871 = vector.shape_cast %get3A_870 : vector<1x768xf32> to vector<768xf32>
      %swap3A_872 = arith.index_cast %scan3A_864 : i32 to index
      %swap3A_873 = arith.constant 0 : index
      %swap3A_874 = vector.load %arg12[%swap3A_872, %swap3A_873] : memref<128x768xf32, #tpu.memory_space<vmem>>, vector<1x768xf32>
      %swap3A_875 = vector.shape_cast %swap3A_874 : vector<1x768xf32> to vector<768xf32>
      %swap3A_876 = vector.shape_cast %get3A_871 : vector<768xf32> to vector<1x768xf32>
      tpu.vector_store %arg12[%swap3A_872, %swap3A_873], %swap3A_876 {strides = array<i32>} : memref<128x768xf32, #tpu.memory_space<vmem>>, vector<1x768xf32>,
      %scan3A_877 = arith.constant 67 : i32
      %add3A_878 = arith.addi %get3A_8, %scan3A_877 : i32
      %get3A_879 = arith.index_cast %add3A_878 : i32 to index
      %get3A_880 = memref.load %arg4[%get3A_879] : memref<4224xi32, #tpu.memory_space<smem>>
      %get3A_881 = arith.index_cast %get3A_880 : i32 to index
      %get3A_882 = arith.constant 0 : index
      %get3A_883 = vector.load %arg5[%get3A_881, %get3A_882] : memref<2048x768xf32, #tpu.memory_space<vmem>>, vector<1x768xf32>
      %get3A_884 = vector.shape_cast %get3A_883 : vector<1x768xf32> to vector<768xf32>
      %swap3A_885 = arith.index_cast %scan3A_877 : i32 to index
      %swap3A_886 = arith.constant 0 : index
      %swap3A_887 = vector.load %arg12[%swap3A_885, %swap3A_886] : memref<128x768xf32, #tpu.memory_space<vmem>>, vector<1x768xf32>
      %swap3A_888 = vector.shape_cast %swap3A_887 : vector<1x768xf32> to vector<768xf32>
      %swap3A_889 = vector.shape_cast %get3A_884 : vector<768xf32> to vector<1x768xf32>
      tpu.vector_store %arg12[%swap3A_885, %swap3A_886], %swap3A_889 {strides = array<i32>} : memref<128x768xf32, #tpu.memory_space<vmem>>, vector<1x768xf32>,
      %scan3A_890 = arith.constant 68 : i32
      %add3A_891 = arith.addi %get3A_8, %scan3A_890 : i32
      %get3A_892 = arith.index_cast %add3A_891 : i32 to index
      %get3A_893 = memref.load %arg4[%get3A_892] : memref<4224xi32, #tpu.memory_space<smem>>
      %get3A_894 = arith.index_cast %get3A_893 : i32 to index
      %get3A_895 = arith.constant 0 : index
      %get3A_896 = vector.load %arg5[%get3A_894, %get3A_895] : memref<2048x768xf32, #tpu.memory_space<vmem>>, vector<1x768xf32>
      %get3A_897 = vector.shape_cast %get3A_896 : vector<1x768xf32> to vector<768xf32>
      %swap3A_898 = arith.index_cast %scan3A_890 : i32 to index
      %swap3A_899 = arith.constant 0 : index
      %swap3A_900 = vector.load %arg12[%swap3A_898, %swap3A_899] : memref<128x768xf32, #tpu.memory_space<vmem>>, vector<1x768xf32>
      %swap3A_901 = vector.shape_cast %swap3A_900 : vector<1x768xf32> to vector<768xf32>
      %swap3A_902 = vector.shape_cast %get3A_897 : vector<768xf32> to vector<1x768xf32>
      tpu.vector_store %arg12[%swap3A_898, %swap3A_899], %swap3A_902 {strides = array<i32>} : memref<128x768xf32, #tpu.memory_space<vmem>>, vector<1x768xf32>,
      %scan3A_903 = arith.constant 69 : i32
      %add3A_904 = arith.addi %get3A_8, %scan3A_903 : i32
      %get3A_905 = arith.index_cast %add3A_904 : i32 to index
      %get3A_906 = memref.load %arg4[%get3A_905] : memref<4224xi32, #tpu.memory_space<smem>>
      %get3A_907 = arith.index_cast %get3A_906 : i32 to index
      %get3A_908 = arith.constant 0 : index
      %get3A_909 = vector.load %arg5[%get3A_907, %get3A_908] : memref<2048x768xf32, #tpu.memory_space<vmem>>, vector<1x768xf32>
      %get3A_910 = vector.shape_cast %get3A_909 : vector<1x768xf32> to vector<768xf32>
      %swap3A_911 = arith.index_cast %scan3A_903 : i32 to index
      %swap3A_912 = arith.constant 0 : index
      %swap3A_913 = vector.load %arg12[%swap3A_911, %swap3A_912] : memref<128x768xf32, #tpu.memory_space<vmem>>, vector<1x768xf32>
      %swap3A_914 = vector.shape_cast %swap3A_913 : vector<1x768xf32> to vector<768xf32>
      %swap3A_915 = vector.shape_cast %get3A_910 : vector<768xf32> to vector<1x768xf32>
      tpu.vector_store %arg12[%swap3A_911, %swap3A_912], %swap3A_915 {strides = array<i32>} : memref<128x768xf32, #tpu.memory_space<vmem>>, vector<1x768xf32>,
      %scan3A_916 = arith.constant 70 : i32
      %add3A_917 = arith.addi %get3A_8, %scan3A_916 : i32
      %get3A_918 = arith.index_cast %add3A_917 : i32 to index
      %get3A_919 = memref.load %arg4[%get3A_918] : memref<4224xi32, #tpu.memory_space<smem>>
      %get3A_920 = arith.index_cast %get3A_919 : i32 to index
      %get3A_921 = arith.constant 0 : index
      %get3A_922 = vector.load %arg5[%get3A_920, %get3A_921] : memref<2048x768xf32, #tpu.memory_space<vmem>>, vector<1x768xf32>
      %get3A_923 = vector.shape_cast %get3A_922 : vector<1x768xf32> to vector<768xf32>
      %swap3A_924 = arith.index_cast %scan3A_916 : i32 to index
      %swap3A_925 = arith.constant 0 : index
      %swap3A_926 = vector.load %arg12[%swap3A_924, %swap3A_925] : memref<128x768xf32, #tpu.memory_space<vmem>>, vector<1x768xf32>
      %swap3A_927 = vector.shape_cast %swap3A_926 : vector<1x768xf32> to vector<768xf32>
      %swap3A_928 = vector.shape_cast %get3A_923 : vector<768xf32> to vector<1x768xf32>
      tpu.vector_store %arg12[%swap3A_924, %swap3A_925], %swap3A_928 {strides = array<i32>} : memref<128x768xf32, #tpu.memory_space<vmem>>, vector<1x768xf32>,
      %scan3A_929 = arith.constant 71 : i32
      %add3A_930 = arith.addi %get3A_8, %scan3A_929 : i32
      %get3A_931 = arith.index_cast %add3A_930 : i32 to index
      %get3A_932 = memref.load %arg4[%get3A_931] : memref<4224xi32, #tpu.memory_space<smem>>
      %get3A_933 = arith.index_cast %get3A_932 : i32 to index
      %get3A_934 = arith.constant 0 : index
      %get3A_935 = vector.load %arg5[%get3A_933, %get3A_934] : memref<2048x768xf32, #tpu.memory_space<vmem>>, vector<1x768xf32>
      %get3A_936 = vector.shape_cast %get3A_935 : vector<1x768xf32> to vector<768xf32>
      %swap3A_937 = arith.index_cast %scan3A_929 : i32 to index
      %swap3A_938 = arith.constant 0 : index
      %swap3A_939 = vector.load %arg12[%swap3A_937, %swap3A_938] : memref<128x768xf32, #tpu.memory_space<vmem>>, vector<1x768xf32>
      %swap3A_940 = vector.shape_cast %swap3A_939 : vector<1x768xf32> to vector<768xf32>
      %swap3A_941 = vector.shape_cast %get3A_936 : vector<768xf32> to vector<1x768xf32>
      tpu.vector_store %arg12[%swap3A_937, %swap3A_938], %swap3A_941 {strides = array<i32>} : memref<128x768xf32, #tpu.memory_space<vmem>>, vector<1x768xf32>,
      %scan3A_942 = arith.constant 72 : i32
      %add3A_943 = arith.addi %get3A_8, %scan3A_942 : i32
      %get3A_944 = arith.index_cast %add3A_943 : i32 to index
      %get3A_945 = memref.load %arg4[%get3A_944] : memref<4224xi32, #tpu.memory_space<smem>>
      %get3A_946 = arith.index_cast %get3A_945 : i32 to index
      %get3A_947 = arith.constant 0 : index
      %get3A_948 = vector.load %arg5[%get3A_946, %get3A_947] : memref<2048x768xf32, #tpu.memory_space<vmem>>, vector<1x768xf32>
      %get3A_949 = vector.shape_cast %get3A_948 : vector<1x768xf32> to vector<768xf32>
      %swap3A_950 = arith.index_cast %scan3A_942 : i32 to index
      %swap3A_951 = arith.constant 0 : index
      %swap3A_952 = vector.load %arg12[%swap3A_950, %swap3A_951] : memref<128x768xf32, #tpu.memory_space<vmem>>, vector<1x768xf32>
      %swap3A_953 = vector.shape_cast %swap3A_952 : vector<1x768xf32> to vector<768xf32>
      %swap3A_954 = vector.shape_cast %get3A_949 : vector<768xf32> to vector<1x768xf32>
      tpu.vector_store %arg12[%swap3A_950, %swap3A_951], %swap3A_954 {strides = array<i32>} : memref<128x768xf32, #tpu.memory_space<vmem>>, vector<1x768xf32>,
      %scan3A_955 = arith.constant 73 : i32
      %add3A_956 = arith.addi %get3A_8, %scan3A_955 : i32
      %get3A_957 = arith.index_cast %add3A_956 : i32 to index
      %get3A_958 = memref.load %arg4[%get3A_957] : memref<4224xi32, #tpu.memory_space<smem>>
      %get3A_959 = arith.index_cast %get3A_958 : i32 to index
      %get3A_960 = arith.constant 0 : index
      %get3A_961 = vector.load %arg5[%get3A_959, %get3A_960] : memref<2048x768xf32, #tpu.memory_space<vmem>>, vector<1x768xf32>
      %get3A_962 = vector.shape_cast %get3A_961 : vector<1x768xf32> to vector<768xf32>
      %swap3A_963 = arith.index_cast %scan3A_955 : i32 to index
      %swap3A_964 = arith.constant 0 : index
      %swap3A_965 = vector.load %arg12[%swap3A_963, %swap3A_964] : memref<128x768xf32, #tpu.memory_space<vmem>>, vector<1x768xf32>
      %swap3A_966 = vector.shape_cast %swap3A_965 : vector<1x768xf32> to vector<768xf32>
      %swap3A_967 = vector.shape_cast %get3A_962 : vector<768xf32> to vector<1x768xf32>
      tpu.vector_store %arg12[%swap3A_963, %swap3A_964], %swap3A_967 {strides = array<i32>} : memref<128x768xf32, #tpu.memory_space<vmem>>, vector<1x768xf32>,
      %scan3A_968 = arith.constant 74 : i32
      %add3A_969 = arith.addi %get3A_8, %scan3A_968 : i32
      %get3A_970 = arith.index_cast %add3A_969 : i32 to index
      %get3A_971 = memref.load %arg4[%get3A_970] : memref<4224xi32, #tpu.memory_space<smem>>
      %get3A_972 = arith.index_cast %get3A_971 : i32 to index
      %get3A_973 = arith.constant 0 : index
      %get3A_974 = vector.load %arg5[%get3A_972, %get3A_973] : memref<2048x768xf32, #tpu.memory_space<vmem>>, vector<1x768xf32>
      %get3A_975 = vector.shape_cast %get3A_974 : vector<1x768xf32> to vector<768xf32>
      %swap3A_976 = arith.index_cast %scan3A_968 : i32 to index
      %swap3A_977 = arith.constant 0 : index
      %swap3A_978 = vector.load %arg12[%swap3A_976, %swap3A_977] : memref<128x768xf32, #tpu.memory_space<vmem>>, vector<1x768xf32>
      %swap3A_979 = vector.shape_cast %swap3A_978 : vector<1x768xf32> to vector<768xf32>
      %swap3A_980 = vector.shape_cast %get3A_975 : vector<768xf32> to vector<1x768xf32>
      tpu.vector_store %arg12[%swap3A_976, %swap3A_977], %swap3A_980 {strides = array<i32>} : memref<128x768xf32, #tpu.memory_space<vmem>>, vector<1x768xf32>,
      %scan3A_981 = arith.constant 75 : i32
      %add3A_982 = arith.addi %get3A_8, %scan3A_981 : i32
      %get3A_983 = arith.index_cast %add3A_982 : i32 to index
      %get3A_984 = memref.load %arg4[%get3A_983] : memref<4224xi32, #tpu.memory_space<smem>>
      %get3A_985 = arith.index_cast %get3A_984 : i32 to index
      %get3A_986 = arith.constant 0 : index
      %get3A_987 = vector.load %arg5[%get3A_985, %get3A_986] : memref<2048x768xf32, #tpu.memory_space<vmem>>, vector<1x768xf32>
      %get3A_988 = vector.shape_cast %get3A_987 : vector<1x768xf32> to vector<768xf32>
      %swap3A_989 = arith.index_cast %scan3A_981 : i32 to index
      %swap3A_990 = arith.constant 0 : index
      %swap3A_991 = vector.load %arg12[%swap3A_989, %swap3A_990] : memref<128x768xf32, #tpu.memory_space<vmem>>, vector<1x768xf32>
      %swap3A_992 = vector.shape_cast %swap3A_991 : vector<1x768xf32> to vector<768xf32>
      %swap3A_993 = vector.shape_cast %get3A_988 : vector<768xf32> to vector<1x768xf32>
      tpu.vector_store %arg12[%swap3A_989, %swap3A_990], %swap3A_993 {strides = array<i32>} : memref<128x768xf32, #tpu.memory_space<vmem>>, vector<1x768xf32>,
      %scan3A_994 = arith.constant 76 : i32
      %add3A_995 = arith.addi %get3A_8, %scan3A_994 : i32
      %get3A_996 = arith.index_cast %add3A_995 : i32 to index
      %get3A_997 = memref.load %arg4[%get3A_996] : memref<4224xi32, #tpu.memory_space<smem>>
      %get3A_998 = arith.index_cast %get3A_997 : i32 to index
      %get3A_999 = arith.constant 0 : index
      %get3A_1000 = vector.load %arg5[%get3A_998, %get3A_999] : memref<2048x768xf32, #tpu.memory_space<vmem>>, vector<1x768xf32>
      %get3A_1001 = vector.shape_cast %get3A_1000 : vector<1x768xf32> to vector<768xf32>
      %swap3A_1002 = arith.index_cast %scan3A_994 : i32 to index
      %swap3A_1003 = arith.constant 0 : index
      %swap3A_1004 = vector.load %arg12[%swap3A_1002, %swap3A_1003] : memref<128x768xf32, #tpu.memory_space<vmem>>, vector<1x768xf32>
      %swap3A_1005 = vector.shape_cast %swap3A_1004 : vector<1x768xf32> to vector<768xf32>
      %swap3A_1006 = vector.shape_cast %get3A_1001 : vector<768xf32> to vector<1x768xf32>
      tpu.vector_store %arg12[%swap3A_1002, %swap3A_1003], %swap3A_1006 {strides = array<i32>} : memref<128x768xf32, #tpu.memory_space<vmem>>, vector<1x768xf32>,
      %scan3A_1007 = arith.constant 77 : i32
      %add3A_1008 = arith.addi %get3A_8, %scan3A_1007 : i32
      %get3A_1009 = arith.index_cast %add3A_1008 : i32 to index
      %get3A_1010 = memref.load %arg4[%get3A_1009] : memref<4224xi32, #tpu.memory_space<smem>>
      %get3A_1011 = arith.index_cast %get3A_1010 : i32 to index
      %get3A_1012 = arith.constant 0 : index
      %get3A_1013 = vector.load %arg5[%get3A_1011, %get3A_1012] : memref<2048x768xf32, #tpu.memory_space<vmem>>, vector<1x768xf32>
      %get3A_1014 = vector.shape_cast %get3A_1013 : vector<1x768xf32> to vector<768xf32>
      %swap3A_1015 = arith.index_cast %scan3A_1007 : i32 to index
      %swap3A_1016 = arith.constant 0 : index
      %swap3A_1017 = vector.load %arg12[%swap3A_1015, %swap3A_1016] : memref<128x768xf32, #tpu.memory_space<vmem>>, vector<1x768xf32>
      %swap3A_1018 = vector.shape_cast %swap3A_1017 : vector<1x768xf32> to vector<768xf32>
      %swap3A_1019 = vector.shape_cast %get3A_1014 : vector<768xf32> to vector<1x768xf32>
      tpu.vector_store %arg12[%swap3A_1015, %swap3A_1016], %swap3A_1019 {strides = array<i32>} : memref<128x768xf32, #tpu.memory_space<vmem>>, vector<1x768xf32>,
      %scan3A_1020 = arith.constant 78 : i32
      %add3A_1021 = arith.addi %get3A_8, %scan3A_1020 : i32
      %get3A_1022 = arith.index_cast %add3A_1021 : i32 to index
      %get3A_1023 = memref.load %arg4[%get3A_1022] : memref<4224xi32, #tpu.memory_space<smem>>
      %get3A_1024 = arith.index_cast %get3A_1023 : i32 to index
      %get3A_1025 = arith.constant 0 : index
      %get3A_1026 = vector.load %arg5[%get3A_1024, %get3A_1025] : memref<2048x768xf32, #tpu.memory_space<vmem>>, vector<1x768xf32>
      %get3A_1027 = vector.shape_cast %get3A_1026 : vector<1x768xf32> to vector<768xf32>
      %swap3A_1028 = arith.index_cast %scan3A_1020 : i32 to index
      %swap3A_1029 = arith.constant 0 : index
      %swap3A_1030 = vector.load %arg12[%swap3A_1028, %swap3A_1029] : memref<128x768xf32, #tpu.memory_space<vmem>>, vector<1x768xf32>
      %swap3A_1031 = vector.shape_cast %swap3A_1030 : vector<1x768xf32> to vector<768xf32>
      %swap3A_1032 = vector.shape_cast %get3A_1027 : vector<768xf32> to vector<1x768xf32>
      tpu.vector_store %arg12[%swap3A_1028, %swap3A_1029], %swap3A_1032 {strides = array<i32>} : memref<128x768xf32, #tpu.memory_space<vmem>>, vector<1x768xf32>,
      %scan3A_1033 = arith.constant 79 : i32
      %add3A_1034 = arith.addi %get3A_8, %scan3A_1033 : i32
      %get3A_1035 = arith.index_cast %add3A_1034 : i32 to index
      %get3A_1036 = memref.load %arg4[%get3A_1035] : memref<4224xi32, #tpu.memory_space<smem>>
      %get3A_1037 = arith.index_cast %get3A_1036 : i32 to index
      %get3A_1038 = arith.constant 0 : index
      %get3A_1039 = vector.load %arg5[%get3A_1037, %get3A_1038] : memref<2048x768xf32, #tpu.memory_space<vmem>>, vector<1x768xf32>
      %get3A_1040 = vector.shape_cast %get3A_1039 : vector<1x768xf32> to vector<768xf32>
      %swap3A_1041 = arith.index_cast %scan3A_1033 : i32 to index
      %swap3A_1042 = arith.constant 0 : index
      %swap3A_1043 = vector.load %arg12[%swap3A_1041, %swap3A_1042] : memref<128x768xf32, #tpu.memory_space<vmem>>, vector<1x768xf32>
      %swap3A_1044 = vector.shape_cast %swap3A_1043 : vector<1x768xf32> to vector<768xf32>
      %swap3A_1045 = vector.shape_cast %get3A_1040 : vector<768xf32> to vector<1x768xf32>
      tpu.vector_store %arg12[%swap3A_1041, %swap3A_1042], %swap3A_1045 {strides = array<i32>} : memref<128x768xf32, #tpu.memory_space<vmem>>, vector<1x768xf32>,
      %scan3A_1046 = arith.constant 80 : i32
      %add3A_1047 = arith.addi %get3A_8, %scan3A_1046 : i32
      %get3A_1048 = arith.index_cast %add3A_1047 : i32 to index
      %get3A_1049 = memref.load %arg4[%get3A_1048] : memref<4224xi32, #tpu.memory_space<smem>>
      %get3A_1050 = arith.index_cast %get3A_1049 : i32 to index
      %get3A_1051 = arith.constant 0 : index
      %get3A_1052 = vector.load %arg5[%get3A_1050, %get3A_1051] : memref<2048x768xf32, #tpu.memory_space<vmem>>, vector<1x768xf32>
      %get3A_1053 = vector.shape_cast %get3A_1052 : vector<1x768xf32> to vector<768xf32>
      %swap3A_1054 = arith.index_cast %scan3A_1046 : i32 to index
      %swap3A_1055 = arith.constant 0 : index
      %swap3A_1056 = vector.load %arg12[%swap3A_1054, %swap3A_1055] : memref<128x768xf32, #tpu.memory_space<vmem>>, vector<1x768xf32>
      %swap3A_1057 = vector.shape_cast %swap3A_1056 : vector<1x768xf32> to vector<768xf32>
      %swap3A_1058 = vector.shape_cast %get3A_1053 : vector<768xf32> to vector<1x768xf32>
      tpu.vector_store %arg12[%swap3A_1054, %swap3A_1055], %swap3A_1058 {strides = array<i32>} : memref<128x768xf32, #tpu.memory_space<vmem>>, vector<1x768xf32>,
      %scan3A_1059 = arith.constant 81 : i32
      %add3A_1060 = arith.addi %get3A_8, %scan3A_1059 : i32
      %get3A_1061 = arith.index_cast %add3A_1060 : i32 to index
      %get3A_1062 = memref.load %arg4[%get3A_1061] : memref<4224xi32, #tpu.memory_space<smem>>
      %get3A_1063 = arith.index_cast %get3A_1062 : i32 to index
      %get3A_1064 = arith.constant 0 : index
      %get3A_1065 = vector.load %arg5[%get3A_1063, %get3A_1064] : memref<2048x768xf32, #tpu.memory_space<vmem>>, vector<1x768xf32>
      %get3A_1066 = vector.shape_cast %get3A_1065 : vector<1x768xf32> to vector<768xf32>
      %swap3A_1067 = arith.index_cast %scan3A_1059 : i32 to index
      %swap3A_1068 = arith.constant 0 : index
      %swap3A_1069 = vector.load %arg12[%swap3A_1067, %swap3A_1068] : memref<128x768xf32, #tpu.memory_space<vmem>>, vector<1x768xf32>
      %swap3A_1070 = vector.shape_cast %swap3A_1069 : vector<1x768xf32> to vector<768xf32>
      %swap3A_1071 = vector.shape_cast %get3A_1066 : vector<768xf32> to vector<1x768xf32>
      tpu.vector_store %arg12[%swap3A_1067, %swap3A_1068], %swap3A_1071 {strides = array<i32>} : memref<128x768xf32, #tpu.memory_space<vmem>>, vector<1x768xf32>,
      %scan3A_1072 = arith.constant 82 : i32
      %add3A_1073 = arith.addi %get3A_8, %scan3A_1072 : i32
      %get3A_1074 = arith.index_cast %add3A_1073 : i32 to index
      %get3A_1075 = memref.load %arg4[%get3A_1074] : memref<4224xi32, #tpu.memory_space<smem>>
      %get3A_1076 = arith.index_cast %get3A_1075 : i32 to index
      %get3A_1077 = arith.constant 0 : index
      %get3A_1078 = vector.load %arg5[%get3A_1076, %get3A_1077] : memref<2048x768xf32, #tpu.memory_space<vmem>>, vector<1x768xf32>
      %get3A_1079 = vector.shape_cast %get3A_1078 : vector<1x768xf32> to vector<768xf32>
      %swap3A_1080 = arith.index_cast %scan3A_1072 : i32 to index
      %swap3A_1081 = arith.constant 0 : index
      %swap3A_1082 = vector.load %arg12[%swap3A_1080, %swap3A_1081] : memref<128x768xf32, #tpu.memory_space<vmem>>, vector<1x768xf32>
      %swap3A_1083 = vector.shape_cast %swap3A_1082 : vector<1x768xf32> to vector<768xf32>
      %swap3A_1084 = vector.shape_cast %get3A_1079 : vector<768xf32> to vector<1x768xf32>
      tpu.vector_store %arg12[%swap3A_1080, %swap3A_1081], %swap3A_1084 {strides = array<i32>} : memref<128x768xf32, #tpu.memory_space<vmem>>, vector<1x768xf32>,
      %scan3A_1085 = arith.constant 83 : i32
      %add3A_1086 = arith.addi %get3A_8, %scan3A_1085 : i32
      %get3A_1087 = arith.index_cast %add3A_1086 : i32 to index
      %get3A_1088 = memref.load %arg4[%get3A_1087] : memref<4224xi32, #tpu.memory_space<smem>>
      %get3A_1089 = arith.index_cast %get3A_1088 : i32 to index
      %get3A_1090 = arith.constant 0 : index
      %get3A_1091 = vector.load %arg5[%get3A_1089, %get3A_1090] : memref<2048x768xf32, #tpu.memory_space<vmem>>, vector<1x768xf32>
      %get3A_1092 = vector.shape_cast %get3A_1091 : vector<1x768xf32> to vector<768xf32>
      %swap3A_1093 = arith.index_cast %scan3A_1085 : i32 to index
      %swap3A_1094 = arith.constant 0 : index
      %swap3A_1095 = vector.load %arg12[%swap3A_1093, %swap3A_1094] : memref<128x768xf32, #tpu.memory_space<vmem>>, vector<1x768xf32>
      %swap3A_1096 = vector.shape_cast %swap3A_1095 : vector<1x768xf32> to vector<768xf32>
      %swap3A_1097 = vector.shape_cast %get3A_1092 : vector<768xf32> to vector<1x768xf32>
      tpu.vector_store %arg12[%swap3A_1093, %swap3A_1094], %swap3A_1097 {strides = array<i32>} : memref<128x768xf32, #tpu.memory_space<vmem>>, vector<1x768xf32>,
      %scan3A_1098 = arith.constant 84 : i32
      %add3A_1099 = arith.addi %get3A_8, %scan3A_1098 : i32
      %get3A_1100 = arith.index_cast %add3A_1099 : i32 to index
      %get3A_1101 = memref.load %arg4[%get3A_1100] : memref<4224xi32, #tpu.memory_space<smem>>
      %get3A_1102 = arith.index_cast %get3A_1101 : i32 to index
      %get3A_1103 = arith.constant 0 : index
      %get3A_1104 = vector.load %arg5[%get3A_1102, %get3A_1103] : memref<2048x768xf32, #tpu.memory_space<vmem>>, vector<1x768xf32>
      %get3A_1105 = vector.shape_cast %get3A_1104 : vector<1x768xf32> to vector<768xf32>
      %swap3A_1106 = arith.index_cast %scan3A_1098 : i32 to index
      %swap3A_1107 = arith.constant 0 : index
      %swap3A_1108 = vector.load %arg12[%swap3A_1106, %swap3A_1107] : memref<128x768xf32, #tpu.memory_space<vmem>>, vector<1x768xf32>
      %swap3A_1109 = vector.shape_cast %swap3A_1108 : vector<1x768xf32> to vector<768xf32>
      %swap3A_1110 = vector.shape_cast %get3A_1105 : vector<768xf32> to vector<1x768xf32>
      tpu.vector_store %arg12[%swap3A_1106, %swap3A_1107], %swap3A_1110 {strides = array<i32>} : memref<128x768xf32, #tpu.memory_space<vmem>>, vector<1x768xf32>,
      %scan3A_1111 = arith.constant 85 : i32
      %add3A_1112 = arith.addi %get3A_8, %scan3A_1111 : i32
      %get3A_1113 = arith.index_cast %add3A_1112 : i32 to index
      %get3A_1114 = memref.load %arg4[%get3A_1113] : memref<4224xi32, #tpu.memory_space<smem>>
      %get3A_1115 = arith.index_cast %get3A_1114 : i32 to index
      %get3A_1116 = arith.constant 0 : index
      %get3A_1117 = vector.load %arg5[%get3A_1115, %get3A_1116] : memref<2048x768xf32, #tpu.memory_space<vmem>>, vector<1x768xf32>
      %get3A_1118 = vector.shape_cast %get3A_1117 : vector<1x768xf32> to vector<768xf32>
      %swap3A_1119 = arith.index_cast %scan3A_1111 : i32 to index
      %swap3A_1120 = arith.constant 0 : index
      %swap3A_1121 = vector.load %arg12[%swap3A_1119, %swap3A_1120] : memref<128x768xf32, #tpu.memory_space<vmem>>, vector<1x768xf32>
      %swap3A_1122 = vector.shape_cast %swap3A_1121 : vector<1x768xf32> to vector<768xf32>
      %swap3A_1123 = vector.shape_cast %get3A_1118 : vector<768xf32> to vector<1x768xf32>
      tpu.vector_store %arg12[%swap3A_1119, %swap3A_1120], %swap3A_1123 {strides = array<i32>} : memref<128x768xf32, #tpu.memory_space<vmem>>, vector<1x768xf32>,
      %scan3A_1124 = arith.constant 86 : i32
      %add3A_1125 = arith.addi %get3A_8, %scan3A_1124 : i32
      %get3A_1126 = arith.index_cast %add3A_1125 : i32 to index
      %get3A_1127 = memref.load %arg4[%get3A_1126] : memref<4224xi32, #tpu.memory_space<smem>>
      %get3A_1128 = arith.index_cast %get3A_1127 : i32 to index
      %get3A_1129 = arith.constant 0 : index
      %get3A_1130 = vector.load %arg5[%get3A_1128, %get3A_1129] : memref<2048x768xf32, #tpu.memory_space<vmem>>, vector<1x768xf32>
      %get3A_1131 = vector.shape_cast %get3A_1130 : vector<1x768xf32> to vector<768xf32>
      %swap3A_1132 = arith.index_cast %scan3A_1124 : i32 to index
      %swap3A_1133 = arith.constant 0 : index
      %swap3A_1134 = vector.load %arg12[%swap3A_1132, %swap3A_1133] : memref<128x768xf32, #tpu.memory_space<vmem>>, vector<1x768xf32>
      %swap3A_1135 = vector.shape_cast %swap3A_1134 : vector<1x768xf32> to vector<768xf32>
      %swap3A_1136 = vector.shape_cast %get3A_1131 : vector<768xf32> to vector<1x768xf32>
      tpu.vector_store %arg12[%swap3A_1132, %swap3A_1133], %swap3A_1136 {strides = array<i32>} : memref<128x768xf32, #tpu.memory_space<vmem>>, vector<1x768xf32>,
      %scan3A_1137 = arith.constant 87 : i32
      %add3A_1138 = arith.addi %get3A_8, %scan3A_1137 : i32
      %get3A_1139 = arith.index_cast %add3A_1138 : i32 to index
      %get3A_1140 = memref.load %arg4[%get3A_1139] : memref<4224xi32, #tpu.memory_space<smem>>
      %get3A_1141 = arith.index_cast %get3A_1140 : i32 to index
      %get3A_1142 = arith.constant 0 : index
      %get3A_1143 = vector.load %arg5[%get3A_1141, %get3A_1142] : memref<2048x768xf32, #tpu.memory_space<vmem>>, vector<1x768xf32>
      %get3A_1144 = vector.shape_cast %get3A_1143 : vector<1x768xf32> to vector<768xf32>
      %swap3A_1145 = arith.index_cast %scan3A_1137 : i32 to index
      %swap3A_1146 = arith.constant 0 : index
      %swap3A_1147 = vector.load %arg12[%swap3A_1145, %swap3A_1146] : memref<128x768xf32, #tpu.memory_space<vmem>>, vector<1x768xf32>
      %swap3A_1148 = vector.shape_cast %swap3A_1147 : vector<1x768xf32> to vector<768xf32>
      %swap3A_1149 = vector.shape_cast %get3A_1144 : vector<768xf32> to vector<1x768xf32>
      tpu.vector_store %arg12[%swap3A_1145, %swap3A_1146], %swap3A_1149 {strides = array<i32>} : memref<128x768xf32, #tpu.memory_space<vmem>>, vector<1x768xf32>,
      %scan3A_1150 = arith.constant 88 : i32
      %add3A_1151 = arith.addi %get3A_8, %scan3A_1150 : i32
      %get3A_1152 = arith.index_cast %add3A_1151 : i32 to index
      %get3A_1153 = memref.load %arg4[%get3A_1152] : memref<4224xi32, #tpu.memory_space<smem>>
      %get3A_1154 = arith.index_cast %get3A_1153 : i32 to index
      %get3A_1155 = arith.constant 0 : index
      %get3A_1156 = vector.load %arg5[%get3A_1154, %get3A_1155] : memref<2048x768xf32, #tpu.memory_space<vmem>>, vector<1x768xf32>
      %get3A_1157 = vector.shape_cast %get3A_1156 : vector<1x768xf32> to vector<768xf32>
      %swap3A_1158 = arith.index_cast %scan3A_1150 : i32 to index
      %swap3A_1159 = arith.constant 0 : index
      %swap3A_1160 = vector.load %arg12[%swap3A_1158, %swap3A_1159] : memref<128x768xf32, #tpu.memory_space<vmem>>, vector<1x768xf32>
      %swap3A_1161 = vector.shape_cast %swap3A_1160 : vector<1x768xf32> to vector<768xf32>
      %swap3A_1162 = vector.shape_cast %get3A_1157 : vector<768xf32> to vector<1x768xf32>
      tpu.vector_store %arg12[%swap3A_1158, %swap3A_1159], %swap3A_1162 {strides = array<i32>} : memref<128x768xf32, #tpu.memory_space<vmem>>, vector<1x768xf32>,
      %scan3A_1163 = arith.constant 89 : i32
      %add3A_1164 = arith.addi %get3A_8, %scan3A_1163 : i32
      %get3A_1165 = arith.index_cast %add3A_1164 : i32 to index
      %get3A_1166 = memref.load %arg4[%get3A_1165] : memref<4224xi32, #tpu.memory_space<smem>>
      %get3A_1167 = arith.index_cast %get3A_1166 : i32 to index
      %get3A_1168 = arith.constant 0 : index
      %get3A_1169 = vector.load %arg5[%get3A_1167, %get3A_1168] : memref<2048x768xf32, #tpu.memory_space<vmem>>, vector<1x768xf32>
      %get3A_1170 = vector.shape_cast %get3A_1169 : vector<1x768xf32> to vector<768xf32>
      %swap3A_1171 = arith.index_cast %scan3A_1163 : i32 to index
      %swap3A_1172 = arith.constant 0 : index
      %swap3A_1173 = vector.load %arg12[%swap3A_1171, %swap3A_1172] : memref<128x768xf32, #tpu.memory_space<vmem>>, vector<1x768xf32>
      %swap3A_1174 = vector.shape_cast %swap3A_1173 : vector<1x768xf32> to vector<768xf32>
      %swap3A_1175 = vector.shape_cast %get3A_1170 : vector<768xf32> to vector<1x768xf32>
      tpu.vector_store %arg12[%swap3A_1171, %swap3A_1172], %swap3A_1175 {strides = array<i32>} : memref<128x768xf32, #tpu.memory_space<vmem>>, vector<1x768xf32>,
      %scan3A_1176 = arith.constant 90 : i32
      %add3A_1177 = arith.addi %get3A_8, %scan3A_1176 : i32
      %get3A_1178 = arith.index_cast %add3A_1177 : i32 to index
      %get3A_1179 = memref.load %arg4[%get3A_1178] : memref<4224xi32, #tpu.memory_space<smem>>
      %get3A_1180 = arith.index_cast %get3A_1179 : i32 to index
      %get3A_1181 = arith.constant 0 : index
      %get3A_1182 = vector.load %arg5[%get3A_1180, %get3A_1181] : memref<2048x768xf32, #tpu.memory_space<vmem>>, vector<1x768xf32>
      %get3A_1183 = vector.shape_cast %get3A_1182 : vector<1x768xf32> to vector<768xf32>
      %swap3A_1184 = arith.index_cast %scan3A_1176 : i32 to index
      %swap3A_1185 = arith.constant 0 : index
      %swap3A_1186 = vector.load %arg12[%swap3A_1184, %swap3A_1185] : memref<128x768xf32, #tpu.memory_space<vmem>>, vector<1x768xf32>
      %swap3A_1187 = vector.shape_cast %swap3A_1186 : vector<1x768xf32> to vector<768xf32>
      %swap3A_1188 = vector.shape_cast %get3A_1183 : vector<768xf32> to vector<1x768xf32>
      tpu.vector_store %arg12[%swap3A_1184, %swap3A_1185], %swap3A_1188 {strides = array<i32>} : memref<128x768xf32, #tpu.memory_space<vmem>>, vector<1x768xf32>,
      %scan3A_1189 = arith.constant 91 : i32
      %add3A_1190 = arith.addi %get3A_8, %scan3A_1189 : i32
      %get3A_1191 = arith.index_cast %add3A_1190 : i32 to index
      %get3A_1192 = memref.load %arg4[%get3A_1191] : memref<4224xi32, #tpu.memory_space<smem>>
      %get3A_1193 = arith.index_cast %get3A_1192 : i32 to index
      %get3A_1194 = arith.constant 0 : index
      %get3A_1195 = vector.load %arg5[%get3A_1193, %get3A_1194] : memref<2048x768xf32, #tpu.memory_space<vmem>>, vector<1x768xf32>
      %get3A_1196 = vector.shape_cast %get3A_1195 : vector<1x768xf32> to vector<768xf32>
      %swap3A_1197 = arith.index_cast %scan3A_1189 : i32 to index
      %swap3A_1198 = arith.constant 0 : index
      %swap3A_1199 = vector.load %arg12[%swap3A_1197, %swap3A_1198] : memref<128x768xf32, #tpu.memory_space<vmem>>, vector<1x768xf32>
      %swap3A_1200 = vector.shape_cast %swap3A_1199 : vector<1x768xf32> to vector<768xf32>
      %swap3A_1201 = vector.shape_cast %get3A_1196 : vector<768xf32> to vector<1x768xf32>
      tpu.vector_store %arg12[%swap3A_1197, %swap3A_1198], %swap3A_1201 {strides = array<i32>} : memref<128x768xf32, #tpu.memory_space<vmem>>, vector<1x768xf32>,
      %scan3A_1202 = arith.constant 92 : i32
      %add3A_1203 = arith.addi %get3A_8, %scan3A_1202 : i32
      %get3A_1204 = arith.index_cast %add3A_1203 : i32 to index
      %get3A_1205 = memref.load %arg4[%get3A_1204] : memref<4224xi32, #tpu.memory_space<smem>>
      %get3A_1206 = arith.index_cast %get3A_1205 : i32 to index
      %get3A_1207 = arith.constant 0 : index
      %get3A_1208 = vector.load %arg5[%get3A_1206, %get3A_1207] : memref<2048x768xf32, #tpu.memory_space<vmem>>, vector<1x768xf32>
      %get3A_1209 = vector.shape_cast %get3A_1208 : vector<1x768xf32> to vector<768xf32>
      %swap3A_1210 = arith.index_cast %scan3A_1202 : i32 to index
      %swap3A_1211 = arith.constant 0 : index
      %swap3A_1212 = vector.load %arg12[%swap3A_1210, %swap3A_1211] : memref<128x768xf32, #tpu.memory_space<vmem>>, vector<1x768xf32>
      %swap3A_1213 = vector.shape_cast %swap3A_1212 : vector<1x768xf32> to vector<768xf32>
      %swap3A_1214 = vector.shape_cast %get3A_1209 : vector<768xf32> to vector<1x768xf32>
      tpu.vector_store %arg12[%swap3A_1210, %swap3A_1211], %swap3A_1214 {strides = array<i32>} : memref<128x768xf32, #tpu.memory_space<vmem>>, vector<1x768xf32>,
      %scan3A_1215 = arith.constant 93 : i32
      %add3A_1216 = arith.addi %get3A_8, %scan3A_1215 : i32
      %get3A_1217 = arith.index_cast %add3A_1216 : i32 to index
      %get3A_1218 = memref.load %arg4[%get3A_1217] : memref<4224xi32, #tpu.memory_space<smem>>
      %get3A_1219 = arith.index_cast %get3A_1218 : i32 to index
      %get3A_1220 = arith.constant 0 : index
      %get3A_1221 = vector.load %arg5[%get3A_1219, %get3A_1220] : memref<2048x768xf32, #tpu.memory_space<vmem>>, vector<1x768xf32>
      %get3A_1222 = vector.shape_cast %get3A_1221 : vector<1x768xf32> to vector<768xf32>
      %swap3A_1223 = arith.index_cast %scan3A_1215 : i32 to index
      %swap3A_1224 = arith.constant 0 : index
      %swap3A_1225 = vector.load %arg12[%swap3A_1223, %swap3A_1224] : memref<128x768xf32, #tpu.memory_space<vmem>>, vector<1x768xf32>
      %swap3A_1226 = vector.shape_cast %swap3A_1225 : vector<1x768xf32> to vector<768xf32>
      %swap3A_1227 = vector.shape_cast %get3A_1222 : vector<768xf32> to vector<1x768xf32>
      tpu.vector_store %arg12[%swap3A_1223, %swap3A_1224], %swap3A_1227 {strides = array<i32>} : memref<128x768xf32, #tpu.memory_space<vmem>>, vector<1x768xf32>,
      %scan3A_1228 = arith.constant 94 : i32
      %add3A_1229 = arith.addi %get3A_8, %scan3A_1228 : i32
      %get3A_1230 = arith.index_cast %add3A_1229 : i32 to index
      %get3A_1231 = memref.load %arg4[%get3A_1230] : memref<4224xi32, #tpu.memory_space<smem>>
      %get3A_1232 = arith.index_cast %get3A_1231 : i32 to index
      %get3A_1233 = arith.constant 0 : index
      %get3A_1234 = vector.load %arg5[%get3A_1232, %get3A_1233] : memref<2048x768xf32, #tpu.memory_space<vmem>>, vector<1x768xf32>
      %get3A_1235 = vector.shape_cast %get3A_1234 : vector<1x768xf32> to vector<768xf32>
      %swap3A_1236 = arith.index_cast %scan3A_1228 : i32 to index
      %swap3A_1237 = arith.constant 0 : index
      %swap3A_1238 = vector.load %arg12[%swap3A_1236, %swap3A_1237] : memref<128x768xf32, #tpu.memory_space<vmem>>, vector<1x768xf32>
      %swap3A_1239 = vector.shape_cast %swap3A_1238 : vector<1x768xf32> to vector<768xf32>
      %swap3A_1240 = vector.shape_cast %get3A_1235 : vector<768xf32> to vector<1x768xf32>
      tpu.vector_store %arg12[%swap3A_1236, %swap3A_1237], %swap3A_1240 {strides = array<i32>} : memref<128x768xf32, #tpu.memory_space<vmem>>, vector<1x768xf32>,
      %scan3A_1241 = arith.constant 95 : i32
      %add3A_1242 = arith.addi %get3A_8, %scan3A_1241 : i32
      %get3A_1243 = arith.index_cast %add3A_1242 : i32 to index
      %get3A_1244 = memref.load %arg4[%get3A_1243] : memref<4224xi32, #tpu.memory_space<smem>>
      %get3A_1245 = arith.index_cast %get3A_1244 : i32 to index
      %get3A_1246 = arith.constant 0 : index
      %get3A_1247 = vector.load %arg5[%get3A_1245, %get3A_1246] : memref<2048x768xf32, #tpu.memory_space<vmem>>, vector<1x768xf32>
      %get3A_1248 = vector.shape_cast %get3A_1247 : vector<1x768xf32> to vector<768xf32>
      %swap3A_1249 = arith.index_cast %scan3A_1241 : i32 to index
      %swap3A_1250 = arith.constant 0 : index
      %swap3A_1251 = vector.load %arg12[%swap3A_1249, %swap3A_1250] : memref<128x768xf32, #tpu.memory_space<vmem>>, vector<1x768xf32>
      %swap3A_1252 = vector.shape_cast %swap3A_1251 : vector<1x768xf32> to vector<768xf32>
      %swap3A_1253 = vector.shape_cast %get3A_1248 : vector<768xf32> to vector<1x768xf32>
      tpu.vector_store %arg12[%swap3A_1249, %swap3A_1250], %swap3A_1253 {strides = array<i32>} : memref<128x768xf32, #tpu.memory_space<vmem>>, vector<1x768xf32>,
      %scan3A_1254 = arith.constant 96 : i32
      %add3A_1255 = arith.addi %get3A_8, %scan3A_1254 : i32
      %get3A_1256 = arith.index_cast %add3A_1255 : i32 to index
      %get3A_1257 = memref.load %arg4[%get3A_1256] : memref<4224xi32, #tpu.memory_space<smem>>
      %get3A_1258 = arith.index_cast %get3A_1257 : i32 to index
      %get3A_1259 = arith.constant 0 : index
      %get3A_1260 = vector.load %arg5[%get3A_1258, %get3A_1259] : memref<2048x768xf32, #tpu.memory_space<vmem>>, vector<1x768xf32>
      %get3A_1261 = vector.shape_cast %get3A_1260 : vector<1x768xf32> to vector<768xf32>
      %swap3A_1262 = arith.index_cast %scan3A_1254 : i32 to index
      %swap3A_1263 = arith.constant 0 : index
      %swap3A_1264 = vector.load %arg12[%swap3A_1262, %swap3A_1263] : memref<128x768xf32, #tpu.memory_space<vmem>>, vector<1x768xf32>
      %swap3A_1265 = vector.shape_cast %swap3A_1264 : vector<1x768xf32> to vector<768xf32>
      %swap3A_1266 = vector.shape_cast %get3A_1261 : vector<768xf32> to vector<1x768xf32>
      tpu.vector_store %arg12[%swap3A_1262, %swap3A_1263], %swap3A_1266 {strides = array<i32>} : memref<128x768xf32, #tpu.memory_space<vmem>>, vector<1x768xf32>,
      %scan3A_1267 = arith.constant 97 : i32
      %add3A_1268 = arith.addi %get3A_8, %scan3A_1267 : i32
      %get3A_1269 = arith.index_cast %add3A_1268 : i32 to index
      %get3A_1270 = memref.load %arg4[%get3A_1269] : memref<4224xi32, #tpu.memory_space<smem>>
      %get3A_1271 = arith.index_cast %get3A_1270 : i32 to index
      %get3A_1272 = arith.constant 0 : index
      %get3A_1273 = vector.load %arg5[%get3A_1271, %get3A_1272] : memref<2048x768xf32, #tpu.memory_space<vmem>>, vector<1x768xf32>
      %get3A_1274 = vector.shape_cast %get3A_1273 : vector<1x768xf32> to vector<768xf32>
      %swap3A_1275 = arith.index_cast %scan3A_1267 : i32 to index
      %swap3A_1276 = arith.constant 0 : index
      %swap3A_1277 = vector.load %arg12[%swap3A_1275, %swap3A_1276] : memref<128x768xf32, #tpu.memory_space<vmem>>, vector<1x768xf32>
      %swap3A_1278 = vector.shape_cast %swap3A_1277 : vector<1x768xf32> to vector<768xf32>
      %swap3A_1279 = vector.shape_cast %get3A_1274 : vector<768xf32> to vector<1x768xf32>
      tpu.vector_store %arg12[%swap3A_1275, %swap3A_1276], %swap3A_1279 {strides = array<i32>} : memref<128x768xf32, #tpu.memory_space<vmem>>, vector<1x768xf32>,
      %scan3A_1280 = arith.constant 98 : i32
      %add3A_1281 = arith.addi %get3A_8, %scan3A_1280 : i32
      %get3A_1282 = arith.index_cast %add3A_1281 : i32 to index
      %get3A_1283 = memref.load %arg4[%get3A_1282] : memref<4224xi32, #tpu.memory_space<smem>>
      %get3A_1284 = arith.index_cast %get3A_1283 : i32 to index
      %get3A_1285 = arith.constant 0 : index
      %get3A_1286 = vector.load %arg5[%get3A_1284, %get3A_1285] : memref<2048x768xf32, #tpu.memory_space<vmem>>, vector<1x768xf32>
      %get3A_1287 = vector.shape_cast %get3A_1286 : vector<1x768xf32> to vector<768xf32>
      %swap3A_1288 = arith.index_cast %scan3A_1280 : i32 to index
      %swap3A_1289 = arith.constant 0 : index
      %swap3A_1290 = vector.load %arg12[%swap3A_1288, %swap3A_1289] : memref<128x768xf32, #tpu.memory_space<vmem>>, vector<1x768xf32>
      %swap3A_1291 = vector.shape_cast %swap3A_1290 : vector<1x768xf32> to vector<768xf32>
      %swap3A_1292 = vector.shape_cast %get3A_1287 : vector<768xf32> to vector<1x768xf32>
      tpu.vector_store %arg12[%swap3A_1288, %swap3A_1289], %swap3A_1292 {strides = array<i32>} : memref<128x768xf32, #tpu.memory_space<vmem>>, vector<1x768xf32>,
      %scan3A_1293 = arith.constant 99 : i32
      %add3A_1294 = arith.addi %get3A_8, %scan3A_1293 : i32
      %get3A_1295 = arith.index_cast %add3A_1294 : i32 to index
      %get3A_1296 = memref.load %arg4[%get3A_1295] : memref<4224xi32, #tpu.memory_space<smem>>
      %get3A_1297 = arith.index_cast %get3A_1296 : i32 to index
      %get3A_1298 = arith.constant 0 : index
      %get3A_1299 = vector.load %arg5[%get3A_1297, %get3A_1298] : memref<2048x768xf32, #tpu.memory_space<vmem>>, vector<1x768xf32>
      %get3A_1300 = vector.shape_cast %get3A_1299 : vector<1x768xf32> to vector<768xf32>
      %swap3A_1301 = arith.index_cast %scan3A_1293 : i32 to index
      %swap3A_1302 = arith.constant 0 : index
      %swap3A_1303 = vector.load %arg12[%swap3A_1301, %swap3A_1302] : memref<128x768xf32, #tpu.memory_space<vmem>>, vector<1x768xf32>
      %swap3A_1304 = vector.shape_cast %swap3A_1303 : vector<1x768xf32> to vector<768xf32>
      %swap3A_1305 = vector.shape_cast %get3A_1300 : vector<768xf32> to vector<1x768xf32>
      tpu.vector_store %arg12[%swap3A_1301, %swap3A_1302], %swap3A_1305 {strides = array<i32>} : memref<128x768xf32, #tpu.memory_space<vmem>>, vector<1x768xf32>,
      %scan3A_1306 = arith.constant 100 : i32
      %add3A_1307 = arith.addi %get3A_8, %scan3A_1306 : i32
      %get3A_1308 = arith.index_cast %add3A_1307 : i32 to index
      %get3A_1309 = memref.load %arg4[%get3A_1308] : memref<4224xi32, #tpu.memory_space<smem>>
      %get3A_1310 = arith.index_cast %get3A_1309 : i32 to index
      %get3A_1311 = arith.constant 0 : index
      %get3A_1312 = vector.load %arg5[%get3A_1310, %get3A_1311] : memref<2048x768xf32, #tpu.memory_space<vmem>>, vector<1x768xf32>
      %get3A_1313 = vector.shape_cast %get3A_1312 : vector<1x768xf32> to vector<768xf32>
      %swap3A_1314 = arith.index_cast %scan3A_1306 : i32 to index
      %swap3A_1315 = arith.constant 0 : index
      %swap3A_1316 = vector.load %arg12[%swap3A_1314, %swap3A_1315] : memref<128x768xf32, #tpu.memory_space<vmem>>, vector<1x768xf32>
      %swap3A_1317 = vector.shape_cast %swap3A_1316 : vector<1x768xf32> to vector<768xf32>
      %swap3A_1318 = vector.shape_cast %get3A_1313 : vector<768xf32> to vector<1x768xf32>
      tpu.vector_store %arg12[%swap3A_1314, %swap3A_1315], %swap3A_1318 {strides = array<i32>} : memref<128x768xf32, #tpu.memory_space<vmem>>, vector<1x768xf32>,
      %scan3A_1319 = arith.constant 101 : i32
      %add3A_1320 = arith.addi %get3A_8, %scan3A_1319 : i32
      %get3A_1321 = arith.index_cast %add3A_1320 : i32 to index
      %get3A_1322 = memref.load %arg4[%get3A_1321] : memref<4224xi32, #tpu.memory_space<smem>>
      %get3A_1323 = arith.index_cast %get3A_1322 : i32 to index
      %get3A_1324 = arith.constant 0 : index
      %get3A_1325 = vector.load %arg5[%get3A_1323, %get3A_1324] : memref<2048x768xf32, #tpu.memory_space<vmem>>, vector<1x768xf32>
      %get3A_1326 = vector.shape_cast %get3A_1325 : vector<1x768xf32> to vector<768xf32>
      %swap3A_1327 = arith.index_cast %scan3A_1319 : i32 to index
      %swap3A_1328 = arith.constant 0 : index
      %swap3A_1329 = vector.load %arg12[%swap3A_1327, %swap3A_1328] : memref<128x768xf32, #tpu.memory_space<vmem>>, vector<1x768xf32>
      %swap3A_1330 = vector.shape_cast %swap3A_1329 : vector<1x768xf32> to vector<768xf32>
      %swap3A_1331 = vector.shape_cast %get3A_1326 : vector<768xf32> to vector<1x768xf32>
      tpu.vector_store %arg12[%swap3A_1327, %swap3A_1328], %swap3A_1331 {strides = array<i32>} : memref<128x768xf32, #tpu.memory_space<vmem>>, vector<1x768xf32>,
      %scan3A_1332 = arith.constant 102 : i32
      %add3A_1333 = arith.addi %get3A_8, %scan3A_1332 : i32
      %get3A_1334 = arith.index_cast %add3A_1333 : i32 to index
      %get3A_1335 = memref.load %arg4[%get3A_1334] : memref<4224xi32, #tpu.memory_space<smem>>
      %get3A_1336 = arith.index_cast %get3A_1335 : i32 to index
      %get3A_1337 = arith.constant 0 : index
      %get3A_1338 = vector.load %arg5[%get3A_1336, %get3A_1337] : memref<2048x768xf32, #tpu.memory_space<vmem>>, vector<1x768xf32>
      %get3A_1339 = vector.shape_cast %get3A_1338 : vector<1x768xf32> to vector<768xf32>
      %swap3A_1340 = arith.index_cast %scan3A_1332 : i32 to index
      %swap3A_1341 = arith.constant 0 : index
      %swap3A_1342 = vector.load %arg12[%swap3A_1340, %swap3A_1341] : memref<128x768xf32, #tpu.memory_space<vmem>>, vector<1x768xf32>
      %swap3A_1343 = vector.shape_cast %swap3A_1342 : vector<1x768xf32> to vector<768xf32>
      %swap3A_1344 = vector.shape_cast %get3A_1339 : vector<768xf32> to vector<1x768xf32>
      tpu.vector_store %arg12[%swap3A_1340, %swap3A_1341], %swap3A_1344 {strides = array<i32>} : memref<128x768xf32, #tpu.memory_space<vmem>>, vector<1x768xf32>,
      %scan3A_1345 = arith.constant 103 : i32
      %add3A_1346 = arith.addi %get3A_8, %scan3A_1345 : i32
      %get3A_1347 = arith.index_cast %add3A_1346 : i32 to index
      %get3A_1348 = memref.load %arg4[%get3A_1347] : memref<4224xi32, #tpu.memory_space<smem>>
      %get3A_1349 = arith.index_cast %get3A_1348 : i32 to index
      %get3A_1350 = arith.constant 0 : index
      %get3A_1351 = vector.load %arg5[%get3A_1349, %get3A_1350] : memref<2048x768xf32, #tpu.memory_space<vmem>>, vector<1x768xf32>
      %get3A_1352 = vector.shape_cast %get3A_1351 : vector<1x768xf32> to vector<768xf32>
      %swap3A_1353 = arith.index_cast %scan3A_1345 : i32 to index
      %swap3A_1354 = arith.constant 0 : index
      %swap3A_1355 = vector.load %arg12[%swap3A_1353, %swap3A_1354] : memref<128x768xf32, #tpu.memory_space<vmem>>, vector<1x768xf32>
      %swap3A_1356 = vector.shape_cast %swap3A_1355 : vector<1x768xf32> to vector<768xf32>
      %swap3A_1357 = vector.shape_cast %get3A_1352 : vector<768xf32> to vector<1x768xf32>
      tpu.vector_store %arg12[%swap3A_1353, %swap3A_1354], %swap3A_1357 {strides = array<i32>} : memref<128x768xf32, #tpu.memory_space<vmem>>, vector<1x768xf32>,
      %scan3A_1358 = arith.constant 104 : i32
      %add3A_1359 = arith.addi %get3A_8, %scan3A_1358 : i32
      %get3A_1360 = arith.index_cast %add3A_1359 : i32 to index
      %get3A_1361 = memref.load %arg4[%get3A_1360] : memref<4224xi32, #tpu.memory_space<smem>>
      %get3A_1362 = arith.index_cast %get3A_1361 : i32 to index
      %get3A_1363 = arith.constant 0 : index
      %get3A_1364 = vector.load %arg5[%get3A_1362, %get3A_1363] : memref<2048x768xf32, #tpu.memory_space<vmem>>, vector<1x768xf32>
      %get3A_1365 = vector.shape_cast %get3A_1364 : vector<1x768xf32> to vector<768xf32>
      %swap3A_1366 = arith.index_cast %scan3A_1358 : i32 to index
      %swap3A_1367 = arith.constant 0 : index
      %swap3A_1368 = vector.load %arg12[%swap3A_1366, %swap3A_1367] : memref<128x768xf32, #tpu.memory_space<vmem>>, vector<1x768xf32>
      %swap3A_1369 = vector.shape_cast %swap3A_1368 : vector<1x768xf32> to vector<768xf32>
      %swap3A_1370 = vector.shape_cast %get3A_1365 : vector<768xf32> to vector<1x768xf32>
      tpu.vector_store %arg12[%swap3A_1366, %swap3A_1367], %swap3A_1370 {strides = array<i32>} : memref<128x768xf32, #tpu.memory_space<vmem>>, vector<1x768xf32>,
      %scan3A_1371 = arith.constant 105 : i32
      %add3A_1372 = arith.addi %get3A_8, %scan3A_1371 : i32
      %get3A_1373 = arith.index_cast %add3A_1372 : i32 to index
      %get3A_1374 = memref.load %arg4[%get3A_1373] : memref<4224xi32, #tpu.memory_space<smem>>
      %get3A_1375 = arith.index_cast %get3A_1374 : i32 to index
      %get3A_1376 = arith.constant 0 : index
      %get3A_1377 = vector.load %arg5[%get3A_1375, %get3A_1376] : memref<2048x768xf32, #tpu.memory_space<vmem>>, vector<1x768xf32>
      %get3A_1378 = vector.shape_cast %get3A_1377 : vector<1x768xf32> to vector<768xf32>
      %swap3A_1379 = arith.index_cast %scan3A_1371 : i32 to index
      %swap3A_1380 = arith.constant 0 : index
      %swap3A_1381 = vector.load %arg12[%swap3A_1379, %swap3A_1380] : memref<128x768xf32, #tpu.memory_space<vmem>>, vector<1x768xf32>
      %swap3A_1382 = vector.shape_cast %swap3A_1381 : vector<1x768xf32> to vector<768xf32>
      %swap3A_1383 = vector.shape_cast %get3A_1378 : vector<768xf32> to vector<1x768xf32>
      tpu.vector_store %arg12[%swap3A_1379, %swap3A_1380], %swap3A_1383 {strides = array<i32>} : memref<128x768xf32, #tpu.memory_space<vmem>>, vector<1x768xf32>,
      %scan3A_1384 = arith.constant 106 : i32
      %add3A_1385 = arith.addi %get3A_8, %scan3A_1384 : i32
      %get3A_1386 = arith.index_cast %add3A_1385 : i32 to index
      %get3A_1387 = memref.load %arg4[%get3A_1386] : memref<4224xi32, #tpu.memory_space<smem>>
      %get3A_1388 = arith.index_cast %get3A_1387 : i32 to index
      %get3A_1389 = arith.constant 0 : index
      %get3A_1390 = vector.load %arg5[%get3A_1388, %get3A_1389] : memref<2048x768xf32, #tpu.memory_space<vmem>>, vector<1x768xf32>
      %get3A_1391 = vector.shape_cast %get3A_1390 : vector<1x768xf32> to vector<768xf32>
      %swap3A_1392 = arith.index_cast %scan3A_1384 : i32 to index
      %swap3A_1393 = arith.constant 0 : index
      %swap3A_1394 = vector.load %arg12[%swap3A_1392, %swap3A_1393] : memref<128x768xf32, #tpu.memory_space<vmem>>, vector<1x768xf32>
      %swap3A_1395 = vector.shape_cast %swap3A_1394 : vector<1x768xf32> to vector<768xf32>
      %swap3A_1396 = vector.shape_cast %get3A_1391 : vector<768xf32> to vector<1x768xf32>
      tpu.vector_store %arg12[%swap3A_1392, %swap3A_1393], %swap3A_1396 {strides = array<i32>} : memref<128x768xf32, #tpu.memory_space<vmem>>, vector<1x768xf32>,
      %scan3A_1397 = arith.constant 107 : i32
      %add3A_1398 = arith.addi %get3A_8, %scan3A_1397 : i32
      %get3A_1399 = arith.index_cast %add3A_1398 : i32 to index
      %get3A_1400 = memref.load %arg4[%get3A_1399] : memref<4224xi32, #tpu.memory_space<smem>>
      %get3A_1401 = arith.index_cast %get3A_1400 : i32 to index
      %get3A_1402 = arith.constant 0 : index
      %get3A_1403 = vector.load %arg5[%get3A_1401, %get3A_1402] : memref<2048x768xf32, #tpu.memory_space<vmem>>, vector<1x768xf32>
      %get3A_1404 = vector.shape_cast %get3A_1403 : vector<1x768xf32> to vector<768xf32>
      %swap3A_1405 = arith.index_cast %scan3A_1397 : i32 to index
      %swap3A_1406 = arith.constant 0 : index
      %swap3A_1407 = vector.load %arg12[%swap3A_1405, %swap3A_1406] : memref<128x768xf32, #tpu.memory_space<vmem>>, vector<1x768xf32>
      %swap3A_1408 = vector.shape_cast %swap3A_1407 : vector<1x768xf32> to vector<768xf32>
      %swap3A_1409 = vector.shape_cast %get3A_1404 : vector<768xf32> to vector<1x768xf32>
      tpu.vector_store %arg12[%swap3A_1405, %swap3A_1406], %swap3A_1409 {strides = array<i32>} : memref<128x768xf32, #tpu.memory_space<vmem>>, vector<1x768xf32>,
      %scan3A_1410 = arith.constant 108 : i32
      %add3A_1411 = arith.addi %get3A_8, %scan3A_1410 : i32
      %get3A_1412 = arith.index_cast %add3A_1411 : i32 to index
      %get3A_1413 = memref.load %arg4[%get3A_1412] : memref<4224xi32, #tpu.memory_space<smem>>
      %get3A_1414 = arith.index_cast %get3A_1413 : i32 to index
      %get3A_1415 = arith.constant 0 : index
      %get3A_1416 = vector.load %arg5[%get3A_1414, %get3A_1415] : memref<2048x768xf32, #tpu.memory_space<vmem>>, vector<1x768xf32>
      %get3A_1417 = vector.shape_cast %get3A_1416 : vector<1x768xf32> to vector<768xf32>
      %swap3A_1418 = arith.index_cast %scan3A_1410 : i32 to index
      %swap3A_1419 = arith.constant 0 : index
      %swap3A_1420 = vector.load %arg12[%swap3A_1418, %swap3A_1419] : memref<128x768xf32, #tpu.memory_space<vmem>>, vector<1x768xf32>
      %swap3A_1421 = vector.shape_cast %swap3A_1420 : vector<1x768xf32> to vector<768xf32>
      %swap3A_1422 = vector.shape_cast %get3A_1417 : vector<768xf32> to vector<1x768xf32>
      tpu.vector_store %arg12[%swap3A_1418, %swap3A_1419], %swap3A_1422 {strides = array<i32>} : memref<128x768xf32, #tpu.memory_space<vmem>>, vector<1x768xf32>,
      %scan3A_1423 = arith.constant 109 : i32
      %add3A_1424 = arith.addi %get3A_8, %scan3A_1423 : i32
      %get3A_1425 = arith.index_cast %add3A_1424 : i32 to index
      %get3A_1426 = memref.load %arg4[%get3A_1425] : memref<4224xi32, #tpu.memory_space<smem>>
      %get3A_1427 = arith.index_cast %get3A_1426 : i32 to index
      %get3A_1428 = arith.constant 0 : index
      %get3A_1429 = vector.load %arg5[%get3A_1427, %get3A_1428] : memref<2048x768xf32, #tpu.memory_space<vmem>>, vector<1x768xf32>
      %get3A_1430 = vector.shape_cast %get3A_1429 : vector<1x768xf32> to vector<768xf32>
      %swap3A_1431 = arith.index_cast %scan3A_1423 : i32 to index
      %swap3A_1432 = arith.constant 0 : index
      %swap3A_1433 = vector.load %arg12[%swap3A_1431, %swap3A_1432] : memref<128x768xf32, #tpu.memory_space<vmem>>, vector<1x768xf32>
      %swap3A_1434 = vector.shape_cast %swap3A_1433 : vector<1x768xf32> to vector<768xf32>
      %swap3A_1435 = vector.shape_cast %get3A_1430 : vector<768xf32> to vector<1x768xf32>
      tpu.vector_store %arg12[%swap3A_1431, %swap3A_1432], %swap3A_1435 {strides = array<i32>} : memref<128x768xf32, #tpu.memory_space<vmem>>, vector<1x768xf32>,
      %scan3A_1436 = arith.constant 110 : i32
      %add3A_1437 = arith.addi %get3A_8, %scan3A_1436 : i32
      %get3A_1438 = arith.index_cast %add3A_1437 : i32 to index
      %get3A_1439 = memref.load %arg4[%get3A_1438] : memref<4224xi32, #tpu.memory_space<smem>>
      %get3A_1440 = arith.index_cast %get3A_1439 : i32 to index
      %get3A_1441 = arith.constant 0 : index
      %get3A_1442 = vector.load %arg5[%get3A_1440, %get3A_1441] : memref<2048x768xf32, #tpu.memory_space<vmem>>, vector<1x768xf32>
      %get3A_1443 = vector.shape_cast %get3A_1442 : vector<1x768xf32> to vector<768xf32>
      %swap3A_1444 = arith.index_cast %scan3A_1436 : i32 to index
      %swap3A_1445 = arith.constant 0 : index
      %swap3A_1446 = vector.load %arg12[%swap3A_1444, %swap3A_1445] : memref<128x768xf32, #tpu.memory_space<vmem>>, vector<1x768xf32>
      %swap3A_1447 = vector.shape_cast %swap3A_1446 : vector<1x768xf32> to vector<768xf32>
      %swap3A_1448 = vector.shape_cast %get3A_1443 : vector<768xf32> to vector<1x768xf32>
      tpu.vector_store %arg12[%swap3A_1444, %swap3A_1445], %swap3A_1448 {strides = array<i32>} : memref<128x768xf32, #tpu.memory_space<vmem>>, vector<1x768xf32>,
      %scan3A_1449 = arith.constant 111 : i32
      %add3A_1450 = arith.addi %get3A_8, %scan3A_1449 : i32
      %get3A_1451 = arith.index_cast %add3A_1450 : i32 to index
      %get3A_1452 = memref.load %arg4[%get3A_1451] : memref<4224xi32, #tpu.memory_space<smem>>
      %get3A_1453 = arith.index_cast %get3A_1452 : i32 to index
      %get3A_1454 = arith.constant 0 : index
      %get3A_1455 = vector.load %arg5[%get3A_1453, %get3A_1454] : memref<2048x768xf32, #tpu.memory_space<vmem>>, vector<1x768xf32>
      %get3A_1456 = vector.shape_cast %get3A_1455 : vector<1x768xf32> to vector<768xf32>
      %swap3A_1457 = arith.index_cast %scan3A_1449 : i32 to index
      %swap3A_1458 = arith.constant 0 : index
      %swap3A_1459 = vector.load %arg12[%swap3A_1457, %swap3A_1458] : memref<128x768xf32, #tpu.memory_space<vmem>>, vector<1x768xf32>
      %swap3A_1460 = vector.shape_cast %swap3A_1459 : vector<1x768xf32> to vector<768xf32>
      %swap3A_1461 = vector.shape_cast %get3A_1456 : vector<768xf32> to vector<1x768xf32>
      tpu.vector_store %arg12[%swap3A_1457, %swap3A_1458], %swap3A_1461 {strides = array<i32>} : memref<128x768xf32, #tpu.memory_space<vmem>>, vector<1x768xf32>,
      %scan3A_1462 = arith.constant 112 : i32
      %add3A_1463 = arith.addi %get3A_8, %scan3A_1462 : i32
      %get3A_1464 = arith.index_cast %add3A_1463 : i32 to index
      %get3A_1465 = memref.load %arg4[%get3A_1464] : memref<4224xi32, #tpu.memory_space<smem>>
      %get3A_1466 = arith.index_cast %get3A_1465 : i32 to index
      %get3A_1467 = arith.constant 0 : index
      %get3A_1468 = vector.load %arg5[%get3A_1466, %get3A_1467] : memref<2048x768xf32, #tpu.memory_space<vmem>>, vector<1x768xf32>
      %get3A_1469 = vector.shape_cast %get3A_1468 : vector<1x768xf32> to vector<768xf32>
      %swap3A_1470 = arith.index_cast %scan3A_1462 : i32 to index
      %swap3A_1471 = arith.constant 0 : index
      %swap3A_1472 = vector.load %arg12[%swap3A_1470, %swap3A_1471] : memref<128x768xf32, #tpu.memory_space<vmem>>, vector<1x768xf32>
      %swap3A_1473 = vector.shape_cast %swap3A_1472 : vector<1x768xf32> to vector<768xf32>
      %swap3A_1474 = vector.shape_cast %get3A_1469 : vector<768xf32> to vector<1x768xf32>
      tpu.vector_store %arg12[%swap3A_1470, %swap3A_1471], %swap3A_1474 {strides = array<i32>} : memref<128x768xf32, #tpu.memory_space<vmem>>, vector<1x768xf32>,
      %scan3A_1475 = arith.constant 113 : i32
      %add3A_1476 = arith.addi %get3A_8, %scan3A_1475 : i32
      %get3A_1477 = arith.index_cast %add3A_1476 : i32 to index
      %get3A_1478 = memref.load %arg4[%get3A_1477] : memref<4224xi32, #tpu.memory_space<smem>>
      %get3A_1479 = arith.index_cast %get3A_1478 : i32 to index
      %get3A_1480 = arith.constant 0 : index
      %get3A_1481 = vector.load %arg5[%get3A_1479, %get3A_1480] : memref<2048x768xf32, #tpu.memory_space<vmem>>, vector<1x768xf32>
      %get3A_1482 = vector.shape_cast %get3A_1481 : vector<1x768xf32> to vector<768xf32>
      %swap3A_1483 = arith.index_cast %scan3A_1475 : i32 to index
      %swap3A_1484 = arith.constant 0 : index
      %swap3A_1485 = vector.load %arg12[%swap3A_1483, %swap3A_1484] : memref<128x768xf32, #tpu.memory_space<vmem>>, vector<1x768xf32>
      %swap3A_1486 = vector.shape_cast %swap3A_1485 : vector<1x768xf32> to vector<768xf32>
      %swap3A_1487 = vector.shape_cast %get3A_1482 : vector<768xf32> to vector<1x768xf32>
      tpu.vector_store %arg12[%swap3A_1483, %swap3A_1484], %swap3A_1487 {strides = array<i32>} : memref<128x768xf32, #tpu.memory_space<vmem>>, vector<1x768xf32>,
      %scan3A_1488 = arith.constant 114 : i32
      %add3A_1489 = arith.addi %get3A_8, %scan3A_1488 : i32
      %get3A_1490 = arith.index_cast %add3A_1489 : i32 to index
      %get3A_1491 = memref.load %arg4[%get3A_1490] : memref<4224xi32, #tpu.memory_space<smem>>
      %get3A_1492 = arith.index_cast %get3A_1491 : i32 to index
      %get3A_1493 = arith.constant 0 : index
      %get3A_1494 = vector.load %arg5[%get3A_1492, %get3A_1493] : memref<2048x768xf32, #tpu.memory_space<vmem>>, vector<1x768xf32>
      %get3A_1495 = vector.shape_cast %get3A_1494 : vector<1x768xf32> to vector<768xf32>
      %swap3A_1496 = arith.index_cast %scan3A_1488 : i32 to index
      %swap3A_1497 = arith.constant 0 : index
      %swap3A_1498 = vector.load %arg12[%swap3A_1496, %swap3A_1497] : memref<128x768xf32, #tpu.memory_space<vmem>>, vector<1x768xf32>
      %swap3A_1499 = vector.shape_cast %swap3A_1498 : vector<1x768xf32> to vector<768xf32>
      %swap3A_1500 = vector.shape_cast %get3A_1495 : vector<768xf32> to vector<1x768xf32>
      tpu.vector_store %arg12[%swap3A_1496, %swap3A_1497], %swap3A_1500 {strides = array<i32>} : memref<128x768xf32, #tpu.memory_space<vmem>>, vector<1x768xf32>,
      %scan3A_1501 = arith.constant 115 : i32
      %add3A_1502 = arith.addi %get3A_8, %scan3A_1501 : i32
      %get3A_1503 = arith.index_cast %add3A_1502 : i32 to index
      %get3A_1504 = memref.load %arg4[%get3A_1503] : memref<4224xi32, #tpu.memory_space<smem>>
      %get3A_1505 = arith.index_cast %get3A_1504 : i32 to index
      %get3A_1506 = arith.constant 0 : index
      %get3A_1507 = vector.load %arg5[%get3A_1505, %get3A_1506] : memref<2048x768xf32, #tpu.memory_space<vmem>>, vector<1x768xf32>
      %get3A_1508 = vector.shape_cast %get3A_1507 : vector<1x768xf32> to vector<768xf32>
      %swap3A_1509 = arith.index_cast %scan3A_1501 : i32 to index
      %swap3A_1510 = arith.constant 0 : index
      %swap3A_1511 = vector.load %arg12[%swap3A_1509, %swap3A_1510] : memref<128x768xf32, #tpu.memory_space<vmem>>, vector<1x768xf32>
      %swap3A_1512 = vector.shape_cast %swap3A_1511 : vector<1x768xf32> to vector<768xf32>
      %swap3A_1513 = vector.shape_cast %get3A_1508 : vector<768xf32> to vector<1x768xf32>
      tpu.vector_store %arg12[%swap3A_1509, %swap3A_1510], %swap3A_1513 {strides = array<i32>} : memref<128x768xf32, #tpu.memory_space<vmem>>, vector<1x768xf32>,
      %scan3A_1514 = arith.constant 116 : i32
      %add3A_1515 = arith.addi %get3A_8, %scan3A_1514 : i32
      %get3A_1516 = arith.index_cast %add3A_1515 : i32 to index
      %get3A_1517 = memref.load %arg4[%get3A_1516] : memref<4224xi32, #tpu.memory_space<smem>>
      %get3A_1518 = arith.index_cast %get3A_1517 : i32 to index
      %get3A_1519 = arith.constant 0 : index
      %get3A_1520 = vector.load %arg5[%get3A_1518, %get3A_1519] : memref<2048x768xf32, #tpu.memory_space<vmem>>, vector<1x768xf32>
      %get3A_1521 = vector.shape_cast %get3A_1520 : vector<1x768xf32> to vector<768xf32>
      %swap3A_1522 = arith.index_cast %scan3A_1514 : i32 to index
      %swap3A_1523 = arith.constant 0 : index
      %swap3A_1524 = vector.load %arg12[%swap3A_1522, %swap3A_1523] : memref<128x768xf32, #tpu.memory_space<vmem>>, vector<1x768xf32>
      %swap3A_1525 = vector.shape_cast %swap3A_1524 : vector<1x768xf32> to vector<768xf32>
      %swap3A_1526 = vector.shape_cast %get3A_1521 : vector<768xf32> to vector<1x768xf32>
      tpu.vector_store %arg12[%swap3A_1522, %swap3A_1523], %swap3A_1526 {strides = array<i32>} : memref<128x768xf32, #tpu.memory_space<vmem>>, vector<1x768xf32>,
      %scan3A_1527 = arith.constant 117 : i32
      %add3A_1528 = arith.addi %get3A_8, %scan3A_1527 : i32
      %get3A_1529 = arith.index_cast %add3A_1528 : i32 to index
      %get3A_1530 = memref.load %arg4[%get3A_1529] : memref<4224xi32, #tpu.memory_space<smem>>
      %get3A_1531 = arith.index_cast %get3A_1530 : i32 to index
      %get3A_1532 = arith.constant 0 : index
      %get3A_1533 = vector.load %arg5[%get3A_1531, %get3A_1532] : memref<2048x768xf32, #tpu.memory_space<vmem>>, vector<1x768xf32>
      %get3A_1534 = vector.shape_cast %get3A_1533 : vector<1x768xf32> to vector<768xf32>
      %swap3A_1535 = arith.index_cast %scan3A_1527 : i32 to index
      %swap3A_1536 = arith.constant 0 : index
      %swap3A_1537 = vector.load %arg12[%swap3A_1535, %swap3A_1536] : memref<128x768xf32, #tpu.memory_space<vmem>>, vector<1x768xf32>
      %swap3A_1538 = vector.shape_cast %swap3A_1537 : vector<1x768xf32> to vector<768xf32>
      %swap3A_1539 = vector.shape_cast %get3A_1534 : vector<768xf32> to vector<1x768xf32>
      tpu.vector_store %arg12[%swap3A_1535, %swap3A_1536], %swap3A_1539 {strides = array<i32>} : memref<128x768xf32, #tpu.memory_space<vmem>>, vector<1x768xf32>,
      %scan3A_1540 = arith.constant 118 : i32
      %add3A_1541 = arith.addi %get3A_8, %scan3A_1540 : i32
      %get3A_1542 = arith.index_cast %add3A_1541 : i32 to index
      %get3A_1543 = memref.load %arg4[%get3A_1542] : memref<4224xi32, #tpu.memory_space<smem>>
      %get3A_1544 = arith.index_cast %get3A_1543 : i32 to index
      %get3A_1545 = arith.constant 0 : index
      %get3A_1546 = vector.load %arg5[%get3A_1544, %get3A_1545] : memref<2048x768xf32, #tpu.memory_space<vmem>>, vector<1x768xf32>
      %get3A_1547 = vector.shape_cast %get3A_1546 : vector<1x768xf32> to vector<768xf32>
      %swap3A_1548 = arith.index_cast %scan3A_1540 : i32 to index
      %swap3A_1549 = arith.constant 0 : index
      %swap3A_1550 = vector.load %arg12[%swap3A_1548, %swap3A_1549] : memref<128x768xf32, #tpu.memory_space<vmem>>, vector<1x768xf32>
      %swap3A_1551 = vector.shape_cast %swap3A_1550 : vector<1x768xf32> to vector<768xf32>
      %swap3A_1552 = vector.shape_cast %get3A_1547 : vector<768xf32> to vector<1x768xf32>
      tpu.vector_store %arg12[%swap3A_1548, %swap3A_1549], %swap3A_1552 {strides = array<i32>} : memref<128x768xf32, #tpu.memory_space<vmem>>, vector<1x768xf32>,
      %scan3A_1553 = arith.constant 119 : i32
      %add3A_1554 = arith.addi %get3A_8, %scan3A_1553 : i32
      %get3A_1555 = arith.index_cast %add3A_1554 : i32 to index
      %get3A_1556 = memref.load %arg4[%get3A_1555] : memref<4224xi32, #tpu.memory_space<smem>>
      %get3A_1557 = arith.index_cast %get3A_1556 : i32 to index
      %get3A_1558 = arith.constant 0 : index
      %get3A_1559 = vector.load %arg5[%get3A_1557, %get3A_1558] : memref<2048x768xf32, #tpu.memory_space<vmem>>, vector<1x768xf32>
      %get3A_1560 = vector.shape_cast %get3A_1559 : vector<1x768xf32> to vector<768xf32>
      %swap3A_1561 = arith.index_cast %scan3A_1553 : i32 to index
      %swap3A_1562 = arith.constant 0 : index
      %swap3A_1563 = vector.load %arg12[%swap3A_1561, %swap3A_1562] : memref<128x768xf32, #tpu.memory_space<vmem>>, vector<1x768xf32>
      %swap3A_1564 = vector.shape_cast %swap3A_1563 : vector<1x768xf32> to vector<768xf32>
      %swap3A_1565 = vector.shape_cast %get3A_1560 : vector<768xf32> to vector<1x768xf32>
      tpu.vector_store %arg12[%swap3A_1561, %swap3A_1562], %swap3A_1565 {strides = array<i32>} : memref<128x768xf32, #tpu.memory_space<vmem>>, vector<1x768xf32>,
      %scan3A_1566 = arith.constant 120 : i32
      %add3A_1567 = arith.addi %get3A_8, %scan3A_1566 : i32
      %get3A_1568 = arith.index_cast %add3A_1567 : i32 to index
      %get3A_1569 = memref.load %arg4[%get3A_1568] : memref<4224xi32, #tpu.memory_space<smem>>
      %get3A_1570 = arith.index_cast %get3A_1569 : i32 to index
      %get3A_1571 = arith.constant 0 : index
      %get3A_1572 = vector.load %arg5[%get3A_1570, %get3A_1571] : memref<2048x768xf32, #tpu.memory_space<vmem>>, vector<1x768xf32>
      %get3A_1573 = vector.shape_cast %get3A_1572 : vector<1x768xf32> to vector<768xf32>
      %swap3A_1574 = arith.index_cast %scan3A_1566 : i32 to index
      %swap3A_1575 = arith.constant 0 : index
      %swap3A_1576 = vector.load %arg12[%swap3A_1574, %swap3A_1575] : memref<128x768xf32, #tpu.memory_space<vmem>>, vector<1x768xf32>
      %swap3A_1577 = vector.shape_cast %swap3A_1576 : vector<1x768xf32> to vector<768xf32>
      %swap3A_1578 = vector.shape_cast %get3A_1573 : vector<768xf32> to vector<1x768xf32>
      tpu.vector_store %arg12[%swap3A_1574, %swap3A_1575], %swap3A_1578 {strides = array<i32>} : memref<128x768xf32, #tpu.memory_space<vmem>>, vector<1x768xf32>,
      %scan3A_1579 = arith.constant 121 : i32
      %add3A_1580 = arith.addi %get3A_8, %scan3A_1579 : i32
      %get3A_1581 = arith.index_cast %add3A_1580 : i32 to index
      %get3A_1582 = memref.load %arg4[%get3A_1581] : memref<4224xi32, #tpu.memory_space<smem>>
      %get3A_1583 = arith.index_cast %get3A_1582 : i32 to index
      %get3A_1584 = arith.constant 0 : index
      %get3A_1585 = vector.load %arg5[%get3A_1583, %get3A_1584] : memref<2048x768xf32, #tpu.memory_space<vmem>>, vector<1x768xf32>
      %get3A_1586 = vector.shape_cast %get3A_1585 : vector<1x768xf32> to vector<768xf32>
      %swap3A_1587 = arith.index_cast %scan3A_1579 : i32 to index
      %swap3A_1588 = arith.constant 0 : index
      %swap3A_1589 = vector.load %arg12[%swap3A_1587, %swap3A_1588] : memref<128x768xf32, #tpu.memory_space<vmem>>, vector<1x768xf32>
      %swap3A_1590 = vector.shape_cast %swap3A_1589 : vector<1x768xf32> to vector<768xf32>
      %swap3A_1591 = vector.shape_cast %get3A_1586 : vector<768xf32> to vector<1x768xf32>
      tpu.vector_store %arg12[%swap3A_1587, %swap3A_1588], %swap3A_1591 {strides = array<i32>} : memref<128x768xf32, #tpu.memory_space<vmem>>, vector<1x768xf32>,
      %scan3A_1592 = arith.constant 122 : i32
      %add3A_1593 = arith.addi %get3A_8, %scan3A_1592 : i32
      %get3A_1594 = arith.index_cast %add3A_1593 : i32 to index
      %get3A_1595 = memref.load %arg4[%get3A_1594] : memref<4224xi32, #tpu.memory_space<smem>>
      %get3A_1596 = arith.index_cast %get3A_1595 : i32 to index
      %get3A_1597 = arith.constant 0 : index
      %get3A_1598 = vector.load %arg5[%get3A_1596, %get3A_1597] : memref<2048x768xf32, #tpu.memory_space<vmem>>, vector<1x768xf32>
      %get3A_1599 = vector.shape_cast %get3A_1598 : vector<1x768xf32> to vector<768xf32>
      %swap3A_1600 = arith.index_cast %scan3A_1592 : i32 to index
      %swap3A_1601 = arith.constant 0 : index
      %swap3A_1602 = vector.load %arg12[%swap3A_1600, %swap3A_1601] : memref<128x768xf32, #tpu.memory_space<vmem>>, vector<1x768xf32>
      %swap3A_1603 = vector.shape_cast %swap3A_1602 : vector<1x768xf32> to vector<768xf32>
      %swap3A_1604 = vector.shape_cast %get3A_1599 : vector<768xf32> to vector<1x768xf32>
      tpu.vector_store %arg12[%swap3A_1600, %swap3A_1601], %swap3A_1604 {strides = array<i32>} : memref<128x768xf32, #tpu.memory_space<vmem>>, vector<1x768xf32>,
      %scan3A_1605 = arith.constant 123 : i32
      %add3A_1606 = arith.addi %get3A_8, %scan3A_1605 : i32
      %get3A_1607 = arith.index_cast %add3A_1606 : i32 to index
      %get3A_1608 = memref.load %arg4[%get3A_1607] : memref<4224xi32, #tpu.memory_space<smem>>
      %get3A_1609 = arith.index_cast %get3A_1608 : i32 to index
      %get3A_1610 = arith.constant 0 : index
      %get3A_1611 = vector.load %arg5[%get3A_1609, %get3A_1610] : memref<2048x768xf32, #tpu.memory_space<vmem>>, vector<1x768xf32>
      %get3A_1612 = vector.shape_cast %get3A_1611 : vector<1x768xf32> to vector<768xf32>
      %swap3A_1613 = arith.index_cast %scan3A_1605 : i32 to index
      %swap3A_1614 = arith.constant 0 : index
      %swap3A_1615 = vector.load %arg12[%swap3A_1613, %swap3A_1614] : memref<128x768xf32, #tpu.memory_space<vmem>>, vector<1x768xf32>
      %swap3A_1616 = vector.shape_cast %swap3A_1615 : vector<1x768xf32> to vector<768xf32>
      %swap3A_1617 = vector.shape_cast %get3A_1612 : vector<768xf32> to vector<1x768xf32>
      tpu.vector_store %arg12[%swap3A_1613, %swap3A_1614], %swap3A_1617 {strides = array<i32>} : memref<128x768xf32, #tpu.memory_space<vmem>>, vector<1x768xf32>,
      %scan3A_1618 = arith.constant 124 : i32
      %add3A_1619 = arith.addi %get3A_8, %scan3A_1618 : i32
      %get3A_1620 = arith.index_cast %add3A_1619 : i32 to index
      %get3A_1621 = memref.load %arg4[%get3A_1620] : memref<4224xi32, #tpu.memory_space<smem>>
      %get3A_1622 = arith.index_cast %get3A_1621 : i32 to index
      %get3A_1623 = arith.constant 0 : index
      %get3A_1624 = vector.load %arg5[%get3A_1622, %get3A_1623] : memref<2048x768xf32, #tpu.memory_space<vmem>>, vector<1x768xf32>
      %get3A_1625 = vector.shape_cast %get3A_1624 : vector<1x768xf32> to vector<768xf32>
      %swap3A_1626 = arith.index_cast %scan3A_1618 : i32 to index
      %swap3A_1627 = arith.constant 0 : index
      %swap3A_1628 = vector.load %arg12[%swap3A_1626, %swap3A_1627] : memref<128x768xf32, #tpu.memory_space<vmem>>, vector<1x768xf32>
      %swap3A_1629 = vector.shape_cast %swap3A_1628 : vector<1x768xf32> to vector<768xf32>
      %swap3A_1630 = vector.shape_cast %get3A_1625 : vector<768xf32> to vector<1x768xf32>
      tpu.vector_store %arg12[%swap3A_1626, %swap3A_1627], %swap3A_1630 {strides = array<i32>} : memref<128x768xf32, #tpu.memory_space<vmem>>, vector<1x768xf32>,
      %scan3A_1631 = arith.constant 125 : i32
      %add3A_1632 = arith.addi %get3A_8, %scan3A_1631 : i32
      %get3A_1633 = arith.index_cast %add3A_1632 : i32 to index
      %get3A_1634 = memref.load %arg4[%get3A_1633] : memref<4224xi32, #tpu.memory_space<smem>>
      %get3A_1635 = arith.index_cast %get3A_1634 : i32 to index
      %get3A_1636 = arith.constant 0 : index
      %get3A_1637 = vector.load %arg5[%get3A_1635, %get3A_1636] : memref<2048x768xf32, #tpu.memory_space<vmem>>, vector<1x768xf32>
      %get3A_1638 = vector.shape_cast %get3A_1637 : vector<1x768xf32> to vector<768xf32>
      %swap3A_1639 = arith.index_cast %scan3A_1631 : i32 to index
      %swap3A_1640 = arith.constant 0 : index
      %swap3A_1641 = vector.load %arg12[%swap3A_1639, %swap3A_1640] : memref<128x768xf32, #tpu.memory_space<vmem>>, vector<1x768xf32>
      %swap3A_1642 = vector.shape_cast %swap3A_1641 : vector<1x768xf32> to vector<768xf32>
      %swap3A_1643 = vector.shape_cast %get3A_1638 : vector<768xf32> to vector<1x768xf32>
      tpu.vector_store %arg12[%swap3A_1639, %swap3A_1640], %swap3A_1643 {strides = array<i32>} : memref<128x768xf32, #tpu.memory_space<vmem>>, vector<1x768xf32>,
      %scan3A_1644 = arith.constant 126 : i32
      %add3A_1645 = arith.addi %get3A_8, %scan3A_1644 : i32
      %get3A_1646 = arith.index_cast %add3A_1645 : i32 to index
      %get3A_1647 = memref.load %arg4[%get3A_1646] : memref<4224xi32, #tpu.memory_space<smem>>
      %get3A_1648 = arith.index_cast %get3A_1647 : i32 to index
      %get3A_1649 = arith.constant 0 : index
      %get3A_1650 = vector.load %arg5[%get3A_1648, %get3A_1649] : memref<2048x768xf32, #tpu.memory_space<vmem>>, vector<1x768xf32>
      %get3A_1651 = vector.shape_cast %get3A_1650 : vector<1x768xf32> to vector<768xf32>
      %swap3A_1652 = arith.index_cast %scan3A_1644 : i32 to index
      %swap3A_1653 = arith.constant 0 : index
      %swap3A_1654 = vector.load %arg12[%swap3A_1652, %swap3A_1653] : memref<128x768xf32, #tpu.memory_space<vmem>>, vector<1x768xf32>
      %swap3A_1655 = vector.shape_cast %swap3A_1654 : vector<1x768xf32> to vector<768xf32>
      %swap3A_1656 = vector.shape_cast %get3A_1651 : vector<768xf32> to vector<1x768xf32>
      tpu.vector_store %arg12[%swap3A_1652, %swap3A_1653], %swap3A_1656 {strides = array<i32>} : memref<128x768xf32, #tpu.memory_space<vmem>>, vector<1x768xf32>,
      %scan3A_1657 = arith.constant 127 : i32
      %add3A_1658 = arith.addi %get3A_8, %scan3A_1657 : i32
      %get3A_1659 = arith.index_cast %add3A_1658 : i32 to index
      %get3A_1660 = memref.load %arg4[%get3A_1659] : memref<4224xi32, #tpu.memory_space<smem>>
      %get3A_1661 = arith.index_cast %get3A_1660 : i32 to index
      %get3A_1662 = arith.constant 0 : index
      %get3A_1663 = vector.load %arg5[%get3A_1661, %get3A_1662] : memref<2048x768xf32, #tpu.memory_space<vmem>>, vector<1x768xf32>
      %get3A_1664 = vector.shape_cast %get3A_1663 : vector<1x768xf32> to vector<768xf32>
      %swap3A_1665 = arith.index_cast %scan3A_1657 : i32 to index
      %swap3A_1666 = arith.constant 0 : index
      %swap3A_1667 = vector.load %arg12[%swap3A_1665, %swap3A_1666] : memref<128x768xf32, #tpu.memory_space<vmem>>, vector<1x768xf32>
      %swap3A_1668 = vector.shape_cast %swap3A_1667 : vector<1x768xf32> to vector<768xf32>
      %swap3A_1669 = vector.shape_cast %get3A_1664 : vector<768xf32> to vector<1x768xf32>
      tpu.vector_store %arg12[%swap3A_1665, %swap3A_1666], %swap3A_1669 {strides = array<i32>} : memref<128x768xf32, #tpu.memory_space<vmem>>, vector<1x768xf32>,
      %scan3A_1670 = arith.constant 128 : i32
      %get3A_1671 = arith.constant 0 : index
      %get3A_1672 = arith.constant 0 : index
      %get3A_1673 = vector.load %arg12[%get3A_1671, %get3A_1672] : memref<128x768xf32, #tpu.memory_space<vmem>>, vector<128x768xf32>
      %get3A_1674 = arith.constant 0 : index
      %get3A_1675 = arith.constant 0 : index
      %get3A_1676 = arith.constant 0 : index
      %get3A_1677 = vector.load %arg8[%get3A_1674, %get3A_1675, %get3A_1676] : memref<1x768x1024xf32, #tpu.memory_space<vmem>>, vector<1x768x1024xf32>
      %get3A_1678 = vector.shape_cast %get3A_1677 : vector<1x768x1024xf32> to vector<768x1024xf32>
      %convert_element_type3A_1679 = arith.truncf %get3A_1673 : vector<128x768xf32> to vector<128x768xbf16>
      %convert_element_type3A_1680 = arith.truncf %get3A_1678 : vector<768x1024xf32> to vector<768x1024xbf16>
      %dot_general3A = arith.constant dense<0.000000e+00> : vector<128x1024xf32>
      %dot_general3A_1681 = tpu.matmul %convert_element_type3A_1679, %convert_element_type3A_1680, %dot_general3A {dimension_numbers = #tpu.dot_dimension_numbers<[1], [0], [0], [1], [0, 0, 1, 1], [], []>, transpose_lhs_hint = false} : vector<128x768xbf16>, vector<768x1024xbf16>, vector<128x1024xf32> -> vector<128x1024xf32>
      %get3A_1682 = arith.constant 0 : index
      %get3A_1683 = arith.constant 0 : index
      %get3A_1684 = arith.constant 0 : index
      %get3A_1685 = vector.load %arg9[%get3A_1682, %get3A_1683, %get3A_1684] : memref<1x768x1024xf32, #tpu.memory_space<vmem>>, vector<1x768x1024xf32>
      %get3A_1686 = vector.shape_cast %get3A_1685 : vector<1x768x1024xf32> to vector<768x1024xf32>
      %convert_element_type3A_1687 = arith.truncf %get3A_1673 : vector<128x768xf32> to vector<128x768xbf16>
      %convert_element_type3A_1688 = arith.truncf %get3A_1686 : vector<768x1024xf32> to vector<768x1024xbf16>
      %dot_general3A_1689 = arith.constant dense<0.000000e+00> : vector<128x1024xf32>
      %dot_general3A_1690 = tpu.matmul %convert_element_type3A_1687, %convert_element_type3A_1688, %dot_general3A_1689 {dimension_numbers = #tpu.dot_dimension_numbers<[1], [0], [0], [1], [0, 0, 1, 1], [], []>, transpose_lhs_hint = false} : vector<128x768xbf16>, vector<768x1024xbf16>, vector<128x1024xf32> -> vector<128x1024xf32>
      %logistic3A = arith.negf %dot_general3A_1681 : vector<128x1024xf32>
      %logistic3A_1691 = math.exp %logistic3A : vector<128x1024xf32>
      %logistic3A_1692 = arith.constant 1.000000e+00 : f32
      %logistic3A_1693 = vector.broadcast %logistic3A_1692 : f32 to vector<128x1024xf32>
      %logistic3A_1694 = arith.addf %logistic3A_1693, %logistic3A_1691 : vector<128x1024xf32>
      %logistic3A_1695 = arith.divf %logistic3A_1693, %logistic3A_1694 : vector<128x1024xf32>
      %mul3A = arith.mulf %dot_general3A_1681, %logistic3A_1695 : vector<128x1024xf32>
      %mul3A_1696 = arith.mulf %mul3A, %dot_general3A_1690 : vector<128x1024xf32>
      %get3A_1697 = arith.constant 0 : index
      %get3A_1698 = arith.constant 0 : index
      %get3A_1699 = arith.constant 0 : index
      %get3A_1700 = vector.load %arg10[%get3A_1697, %get3A_1698, %get3A_1699] : memref<1x1024x768xf32, #tpu.memory_space<vmem>>, vector<1x1024x768xf32>
      %get3A_1701 = vector.shape_cast %get3A_1700 : vector<1x1024x768xf32> to vector<1024x768xf32>
      %convert_element_type3A_1702 = arith.truncf %mul3A_1696 : vector<128x1024xf32> to vector<128x1024xbf16>
      %convert_element_type3A_1703 = arith.truncf %get3A_1701 : vector<1024x768xf32> to vector<1024x768xbf16>
      %dot_general3A_1704 = arith.constant dense<0.000000e+00> : vector<128x768xf32>
      %dot_general3A_1705 = tpu.matmul %convert_element_type3A_1702, %convert_element_type3A_1703, %dot_general3A_1704 {dimension_numbers = #tpu.dot_dimension_numbers<[1], [0], [0], [1], [0, 0, 1, 1], [], []>, transpose_lhs_hint = false} : vector<128x1024xbf16>, vector<1024x768xbf16>, vector<128x768xf32> -> vector<128x768xf32>
      %get3A_1706 = arith.index_cast %get3A_8 : i32 to index
      %get3A_1707 = arith.constant 0 : index
      %get3A_1708 = vector.load %arg7[%get3A_1706, %get3A_1707] : memref<4224x1xf32, #tpu.memory_space<vmem>>, vector<128x1xf32>
      %iota3A = tpu.iota {dimensions = array<i32: 0>} : vector<128x1xi32>
      %lt3A = vector.broadcast %get3A_2 : i32 to vector<128x1xi32>
      %lt3A_1709 = arith.cmpi slt, %iota3A, %lt3A : vector<128x1xi32>
      %jit3A = arith.constant 0.000000e+00 : f32
      %broadcast_in_dim3A = vector.broadcast %jit3A : f32 to vector<128x1xf32>
      %select_n3A = arith.select %lt3A_1709, %get3A_1708, %broadcast_in_dim3A : vector<128x1xi1>, vector<128x1xf32>
      %mul3A_1710 = vector.broadcast %select_n3A : vector<128x1xf32> to vector<128x768xf32>
      %mul3A_1711 = arith.mulf %dot_general3A_1705, %mul3A_1710 : vector<128x768xf32>
      %swap3A_1712 = arith.constant 0 : index
      %swap3A_1713 = arith.constant 0 : index
      %swap3A_1714 = vector.load %arg13[%swap3A_1712, %swap3A_1713] : memref<128x768xf32, #tpu.memory_space<vmem>>, vector<128x768xf32>
      tpu.vector_store %arg13[%swap3A_1712, %swap3A_1713], %mul3A_1711 {strides = array<i32>} : memref<128x768xf32, #tpu.memory_space<vmem>>, vector<128x768xf32>,
      %while3A = arith.constant 0 : i32
      %while3A_1715 = arith.constant 0 : i32
      %while3A_1716 = arith.subi %get3A_2, %while3A : i32
      %while3A_1717 = arith.addi %while3A, %while3A_1716 : i32
      %while3A_1718 = arith.constant 1 : i32
      %while3A_1719 = arith.divsi %while3A_1716, %while3A_1718 : i32
      %while3A_1720 = arith.muli %while3A_1719, %while3A_1718 : i32
      %while3A_1721 = arith.addi %while3A, %while3A_1720 : i32
      %while3A_1722 = arith.constant 1 : i32
      %while3A_1723 = scf.for %while3A_1726 = %while3A to %while3A_1721 step %while3A_1722 iter_args(%while3A_1727 = %while3A_1715) -> (i32)  : i32 {
        %add3A_1728 = arith.addi %get3A_8, %while3A_1726 : i32
        %get3A_1729 = arith.index_cast %add3A_1728 : i32 to index
        %get3A_1730 = memref.load %arg4[%get3A_1729] : memref<4224xi32, #tpu.memory_space<smem>>
        %get3A_1731 = arith.index_cast %get3A_1730 : i32 to index
        %get3A_1732 = arith.constant 0 : index
        %get3A_1733 = vector.load %arg11[%get3A_1731, %get3A_1732] : memref<2048x768xf32, #tpu.memory_space<vmem>>, vector<1x768xf32>
        %get3A_1734 = vector.shape_cast %get3A_1733 : vector<1x768xf32> to vector<768xf32>
        %get3A_1735 = arith.index_cast %while3A_1726 : i32 to index
        %get3A_1736 = arith.constant 0 : index
        %get3A_1737 = vector.load %arg13[%get3A_1735, %get3A_1736] : memref<128x768xf32, #tpu.memory_space<vmem>>, vector<1x768xf32>
        %get3A_1738 = vector.shape_cast %get3A_1737 : vector<1x768xf32> to vector<768xf32>
        %add3A_1739 = arith.addf %get3A_1734, %get3A_1738 : vector<768xf32>
        %swap3A_1740 = arith.index_cast %get3A_1730 : i32 to index
        %swap3A_1741 = arith.constant 0 : index
        %swap3A_1742 = vector.load %arg11[%swap3A_1740, %swap3A_1741] : memref<2048x768xf32, #tpu.memory_space<vmem>>, vector<1x768xf32>
        %swap3A_1743 = vector.shape_cast %swap3A_1742 : vector<1x768xf32> to vector<768xf32>
        %swap3A_1744 = vector.shape_cast %add3A_1739 : vector<768xf32> to vector<1x768xf32>
        tpu.vector_store %arg11[%swap3A_1740, %swap3A_1741], %swap3A_1744 {strides = array<i32>} : memref<2048x768xf32, #tpu.memory_space<vmem>>, vector<1x768xf32>,
        %while3A_1745 = arith.constant 0 : i32
        scf.yield %while3A_1745 : i32
      }
      %while3A_1724 = arith.constant 1 : i32
      %while3A_1725 = scf.for %while3A_1726 = %while3A_1721 to %while3A_1717 step %while3A_1724 iter_args(%while3A_1727 = %while3A_1723) -> (i32)  : i32 {
        %add3A_1728 = arith.addi %get3A_8, %while3A_1726 : i32
        %get3A_1729 = arith.index_cast %add3A_1728 : i32 to index
        %get3A_1730 = memref.load %arg4[%get3A_1729] : memref<4224xi32, #tpu.memory_space<smem>>
        %get3A_1731 = arith.index_cast %get3A_1730 : i32 to index
        %get3A_1732 = arith.constant 0 : index
        %get3A_1733 = vector.load %arg11[%get3A_1731, %get3A_1732] : memref<2048x768xf32, #tpu.memory_space<vmem>>, vector<1x768xf32>
        %get3A_1734 = vector.shape_cast %get3A_1733 : vector<1x768xf32> to vector<768xf32>
        %get3A_1735 = arith.index_cast %while3A_1726 : i32 to index
        %get3A_1736 = arith.constant 0 : index
        %get3A_1737 = vector.load %arg13[%get3A_1735, %get3A_1736] : memref<128x768xf32, #tpu.memory_space<vmem>>, vector<1x768xf32>
        %get3A_1738 = vector.shape_cast %get3A_1737 : vector<1x768xf32> to vector<768xf32>
        %add3A_1739 = arith.addf %get3A_1734, %get3A_1738 : vector<768xf32>
        %swap3A_1740 = arith.index_cast %get3A_1730 : i32 to index
        %swap3A_1741 = arith.constant 0 : index
        %swap3A_1742 = vector.load %arg11[%swap3A_1740, %swap3A_1741] : memref<2048x768xf32, #tpu.memory_space<vmem>>, vector<1x768xf32>
        %swap3A_1743 = vector.shape_cast %swap3A_1742 : vector<1x768xf32> to vector<768xf32>
        %swap3A_1744 = vector.shape_cast %add3A_1739 : vector<768xf32> to vector<1x768xf32>
        tpu.vector_store %arg11[%swap3A_1740, %swap3A_1741], %swap3A_1744 {strides = array<i32>} : memref<2048x768xf32, #tpu.memory_space<vmem>>, vector<1x768xf32>,
        %while3A_1745 = arith.constant 0 : i32
        scf.yield %while3A_1745 : i32
      }
    } else {
    }
    return
  }
  func.func @transform_0(%arg0: i32, %arg1: memref<95xi32, #tpu.memory_space<smem>>, %arg2: memref<95xi32, #tpu.memory_space<smem>>, %arg3: memref<95xi32, #tpu.memory_space<smem>>, %arg4: memref<4224xi32, #tpu.memory_space<smem>>) -> (i32, i32) {
    %c0_i32 = arith.constant 0 : i32
    %c0_i32_0 = arith.constant 0 : i32
    %c0_i32_1 = arith.constant 0 : i32
    return %c0_i32, %c0_i32_0 : i32, i32
  }
  func.func @transform_1(%arg0: i32, %arg1: memref<95xi32, #tpu.memory_space<smem>>, %arg2: memref<95xi32, #tpu.memory_space<smem>>, %arg3: memref<95xi32, #tpu.memory_space<smem>>, %arg4: memref<4224xi32, #tpu.memory_space<smem>>) -> (i32, i32) {
    %c0_i32 = arith.constant 0 : i32
    %c0_i32_0 = arith.constant 0 : i32
    %c0_i32_1 = arith.constant 0 : i32
    return %c0_i32, %c0_i32_0 : i32, i32
  }
  func.func @transform_2(%arg0: i32, %arg1: memref<95xi32, #tpu.memory_space<smem>>, %arg2: memref<95xi32, #tpu.memory_space<smem>>, %arg3: memref<95xi32, #tpu.memory_space<smem>>, %arg4: memref<4224xi32, #tpu.memory_space<smem>>) -> (i32, i32) {
    %c0_i32 = arith.constant 0 : i32
    %c0_i32_0 = arith.constant 0 : i32
    %c0_i32_1 = arith.constant 0 : i32
    return %c0_i32, %c0_i32_0 : i32, i32
  }
  func.func @transform_3(%arg0: i32, %arg1: memref<95xi32, #tpu.memory_space<smem>>, %arg2: memref<95xi32, #tpu.memory_space<smem>>, %arg3: memref<95xi32, #tpu.memory_space<smem>>, %arg4: memref<4224xi32, #tpu.memory_space<smem>>) -> (i32, i32, i32) {
    %get3A = arith.index_cast %arg0 : i32 to index
    %get3A_0 = memref.load %arg1[%get3A] : memref<95xi32, #tpu.memory_space<smem>>
    %c0_i32 = arith.constant 0 : i32
    %c0_i32_1 = arith.constant 0 : i32
    %c0_i32_2 = arith.constant 0 : i32
    return %get3A_0, %c0_i32, %c0_i32_1 : i32, i32, i32
  }
  func.func @transform_4(%arg0: i32, %arg1: memref<95xi32, #tpu.memory_space<smem>>, %arg2: memref<95xi32, #tpu.memory_space<smem>>, %arg3: memref<95xi32, #tpu.memory_space<smem>>, %arg4: memref<4224xi32, #tpu.memory_space<smem>>) -> (i32, i32, i32) {
    %get3A = arith.index_cast %arg0 : i32 to index
    %get3A_0 = memref.load %arg1[%get3A] : memref<95xi32, #tpu.memory_space<smem>>
    %c0_i32 = arith.constant 0 : i32
    %c0_i32_1 = arith.constant 0 : i32
    %c0_i32_2 = arith.constant 0 : i32
    return %get3A_0, %c0_i32, %c0_i32_1 : i32, i32, i32
  }
  func.func @transform_5(%arg0: i32, %arg1: memref<95xi32, #tpu.memory_space<smem>>, %arg2: memref<95xi32, #tpu.memory_space<smem>>, %arg3: memref<95xi32, #tpu.memory_space<smem>>, %arg4: memref<4224xi32, #tpu.memory_space<smem>>) -> (i32, i32, i32) {
    %get3A = arith.index_cast %arg0 : i32 to index
    %get3A_0 = memref.load %arg1[%get3A] : memref<95xi32, #tpu.memory_space<smem>>
    %c0_i32 = arith.constant 0 : i32
    %c0_i32_1 = arith.constant 0 : i32
    %c0_i32_2 = arith.constant 0 : i32
    return %get3A_0, %c0_i32, %c0_i32_1 : i32, i32, i32
  }
  func.func @transform_6(%arg0: i32, %arg1: memref<95xi32, #tpu.memory_space<smem>>, %arg2: memref<95xi32, #tpu.memory_space<smem>>, %arg3: memref<95xi32, #tpu.memory_space<smem>>, %arg4: memref<4224xi32, #tpu.memory_space<smem>>) -> (i32, i32) {
    %c0_i32 = arith.constant 0 : i32
    %c0_i32_0 = arith.constant 0 : i32
    %c0_i32_1 = arith.constant 0 : i32
    return %c0_i32, %c0_i32_0 : i32, i32
  }
}

</mosaic_0001>

<sc_bundles>
// kernel: gather_offload_async_start.1
scs
__scs_entry_jumppad:
0x0: {  	(pc) =	sbr.rel $0x88, $3  }
0x1: {  	(tag) =	ssettag $0x0;
	lr =	simm.s32 $0x1  }
0x2: {  	[smem:$0x3F96] =	sst lr;
	_ =	strace $0xD0000000  }
0x3: {  	_ = 	snop  }
0x4: {  	_ = 	snop  }
0x5: {  	_ = 	snop  }
0x6: {  	_ = 	snop  }
0x7: {  	_ = 	snop  }
__scs_overlays_trampoline_lowered:
0x8: {  	[smem:$0x3FA5] =	sst s0  }
0x9: {  	[smem:$0x3FA6] =	sst s1  }
0xa: {  	[smem:$0x3FA7] =	sst s2  }
0xb: {  	[smem:$0x3FA8] =	sst s3  }
0xc: {  	[smem:$0x3FA9] =	sst s4  }
0xd: {  	[smem:$0x3FAA] =	sst s5  }
0xe: {  	[smem:$0x3FAB] =	sst s6  }
0xf: {  	[smem:$0x3FAC] =	sst s7  }
0x10: {  	[smem:$0x3FAD] =	sst s8  }
0x11: {  	[smem:$0x3FAE] =	sst s9;
	s0 =	simm.s32 @!p0 $0x0  }
0x12: {  	s1 =	sld [smem:$0x3F94];
	s0 =	simm.s32 @p0 $0x1  }
0x13: {  	[smem:$0x3FAF] =	sst s0;
	s0 =	simm.s32 @!p1 $0x0  }
0x14: {  	s2 =	sld [smem:$0x3F93];
	s0 =	simm.s32 @p1 $0x1  }
0x15: {  	[smem:$0x3FB0] =	sst s0;
	s0 =	simm.s32 @!p2 $0x0  }
0x16: {  	s3 =	sld [smem:$0x3FDB];
	s0 =	simm.s32 @p2 $0x1  }
0x17: {  	s4 =	simm.s32 $0x1BF5;
	[smem:$0x3FB2] =	sst s0  }
0x18: {  	s0 =	sld [smem:$0x3F95];
	_ =	swait.ge [sflag:s4], $0x0  }
0x19: {  	s7 =	sld [smem:$0x3F96]  }
0x1a: {  	s8 =	sadd.s32 $0xFFFFE003, lr  }
0x1b: {  	s9 =	sadd.s32 $0xFFFFFEF7, lr;
	s5 =	simm.s32 $0xFFFFFFFF;
	p2 =	slt.u32 s8, $0xFFFFF086  }
0x1c: {  	p1 =	slt.u32 s9, $0xF7A;
	s5 =	simm.s32 @!p2 $0x0  }
0x1d: {  	s5 =	simm.s32 @p1 $0x1;
	p0 =	seq.s32 s7, s2  }
0x1e: {  	s7 =	smul.u32 @!p0 $0xF7A, s2;
	p2 =	seq.s32 @!p0 s5, $0x0  }
0x1f: {  	s9 =	smul.u32 $0xF7A, s1;
	s8 =	simm.s32 @!p0 $0x1BF5;
	p2 =	por !p2, p0  }
0x20: {  	[sflag:s8] =	ssyncset.s32 @!p0 $0xFFFFF086;
	s6 =	sadd.s32 @!p0 s3, s7;
	s7 =	simm.s32 @!p0 $0x108  }
0x21: {  	s3 =	sadd.s32 s3, s9;
	s6 =	sadd.s32 @!p0 $0x88, s6;
	s7 =	simm.s32 @p2 $0x1082  }
0x22: {  	[simem:s7], [sflag:s8] =	dma.local @!p0 [hbm:s6], $0xF7A  }
0x23: {  	s9 =	sor.u32 $0xD0000000, s2;
	s6 =	simm.s32 $0x108;
	_ =	swait.ge @!p0 [sflag:s8], $0x0  }
0x24: {  	s3 =	sadd.s32 $0x88, s3;
	s6 =	simm.s32 @!p1 $0x1082;
	[sflag:s4] =	ssyncset.s32 $0xFFFFF086  }
0x25: {  	[simem:s6], [sflag:s4] =	dma.local [hbm:s3], $0xF7A  }
0x26: {  	[smem:$0x3F96] =	sst s1;
	(tag) =	ssettag s2;
	_ =	strace s9  }
0x27: {  	s1 =	sld [smem:$0x3FA6]  }
0x28: {  	s2 =	sld [smem:$0x3FA7]  }
0x29: {  	s4 =	sld [smem:$0x3FA9]  }
0x2a: {  	p0 =	seq.s32 s5, $0x0;
	s5 =	sld [smem:$0x3FAA]  }
0x2b: {  	s6 =	sld [smem:$0x3FAB]  }
0x2c: {  	s7 =	sld [smem:$0x3FAC]  }
0x2d: {  	s3 =	simm.s32 $0x108;
	s8 =	sld [smem:$0x3FAD]  }
0x2e: {  	s3 =	simm.s32 @!p0 $0x1082;
	s9 =	sld [smem:$0x3FAE]  }
0x2f: {  	lr =	sadd.s32 s0, s3;
	s0 =	sld [smem:$0x3FA5]  }
0x30: {  	s3 =	sld [smem:$0x3FA8]  }
0x31: {  	[smem:$0x3FB1] =	sst s10  }
0x32: {  	s10 =	sld [smem:$0x3FAF];
	_ =	sdelay $0x3  }
0x33: {  	p0 =	seq.s32 s10, $0x1;
	s10 =	sld [smem:$0x3FB1];
	_ =	sdelay $0x3  }
0x34: {  	[smem:$0x3FB1] =	sst s10  }
0x35: {  	s10 =	sld [smem:$0x3FB0];
	_ =	sdelay $0x3  }
0x36: {  	p1 =	seq.s32 s10, $0x1;
	s10 =	sld [smem:$0x3FB1];
	_ =	sdelay $0x3  }
0x37: {  	[smem:$0x3FB1] =	sst s10  }
0x38: {  	s10 =	sld [smem:$0x3FB2]  }
0x39: {  	_ = 	snop;
	(pc) =	sbr.ind lr, $3  }
0x3a: {  	_ = 	snop  }
0x3b: {  	_ = 	snop  }
0x3c: {  	p2 =	seq.s32 s10, $0x1;
	s10 =	sld [smem:$0x3FB1]  }
0x3d: {  	_ =	shalt  }
0x3e: {  	_ =	shalt  }
0x3f: {  	_ =	shalt  }
0x40: {  	_ =	shalt  }
0x41: {  	_ =	shalt  }
0x42: {  	_ =	shalt  }
0x43: {  	_ =	shalt  }
0x44: {  	_ =	shalt  }
0x45: {  	_ =	shalt  }
0x46: {  	_ =	shalt  }
0x47: {  	_ =	shalt  }
0x48: {  	_ =	shalt  }
0x49: {  	_ =	shalt  }
0x4a: {  	_ =	shalt  }
0x4b: {  	_ =	shalt  }
0x4c: {  	_ =	shalt  }
0x4d: {  	_ =	shalt  }
0x4e: {  	_ =	shalt  }
0x4f: {  	_ =	shalt  }
0x50: {  	_ =	shalt  }
0x51: {  	_ =	shalt  }
0x52: {  	_ =	shalt  }
0x53: {  	_ =	shalt  }
0x54: {  	_ =	shalt  }
0x55: {  	_ =	shalt  }
0x56: {  	_ =	shalt  }
0x57: {  	_ =	shalt  }
0x58: {  	_ =	shalt  }
0x59: {  	_ =	shalt  }
0x5a: {  	_ =	shalt  }
0x5b: {  	_ =	shalt  }
0x5c: {  	_ =	shalt  }
0x5d: {  	_ =	shalt  }
0x5e: {  	_ =	shalt  }
0x5f: {  	_ =	shalt  }
0x60: {  	_ =	shalt  }
0x61: {  	_ =	shalt  }
0x62: {  	_ =	shalt  }
0x63: {  	_ =	shalt  }
0x64: {  	_ =	shalt  }
0x65: {  	_ =	shalt  }
0x66: {  	_ =	shalt  }
0x67: {  	_ =	shalt  }
0x68: {  	_ =	shalt  }
0x69: {  	_ =	shalt  }
0x6a: {  	_ =	shalt  }
0x6b: {  	_ =	shalt  }
0x6c: {  	_ =	shalt  }
0x6d: {  	_ =	shalt  }
0x6e: {  	_ =	shalt  }
0x6f: {  	_ =	shalt  }
0x70: {  	_ =	shalt  }
0x71: {  	_ =	shalt  }
0x72: {  	_ =	shalt  }
0x73: {  	_ =	shalt  }
0x74: {  	_ =	shalt  }
0x75: {  	_ =	shalt  }
0x76: {  	_ =	shalt  }
0x77: {  	_ =	shalt  }
0x78: {  	_ =	shalt  }
0x79: {  	_ =	shalt  }
0x7a: {  	_ =	shalt  }
0x7b: {  	_ =	shalt  }
0x7c: {  	_ =	shalt  }
0x7d: {  	_ =	shalt  }
0x7e: {  	_ =	shalt  }
0x7f: {  	_ =	shalt  }
0x80: {  	_ =	shalt  }
0x81: {  	_ =	shalt  }
0x82: {  	_ =	shalt  }
0x83: {  	_ =	shalt  }
0x84: {  	_ =	shalt  }
0x85: {  	_ =	shalt  }
0x86: {  	_ =	shalt  }
0x87: {  	_ =	shalt  }
.Lfunc_end0:
.L_simem_size_0:
called_computation.2_lowered:
.L_overlay_start_0:
0x88: {  	s2 =	sld [smem:$0x3FD9]  }
0x89: {  	s3 =	sld [smem:$0x3FFE];
	_ =	sdelay $0x1  }
0x8a: {  	s1 =	srdreg.scid  }
0x8b: {  	s0 =	sand.u32 $0x1, s1  }
0x8c: {  	s17 =	sshll.u32 s0, $0xA;
	s2 =	sadd.s32 s3, s2  }
0x8d: {  	s2 =	sadd.s32 s2, s17  }
0x8e: {  	[smem:$0x3FBD] =	sst s2  }
0x8f: {  	_ = 	snop  }
0x90: {  	s2 =	sld [smem:$0x3FD0];
	(tm) =	ssettm $0x1  }
0x91: {  	s18 =	sld [smem:$0x3FFB];
	_ =	sdelay $0x3  }
0x92: {  	_ =	strace s18  }
0x93: {  	s3 =	sld [smem:$0x3FFC];
	_ =	sdelay $0x3  }
0x94: {  	_ =	strace s3  }
0x95: {  	s3 =	sld [smem:$0x3FFD];
	_ =	sdelay $0x3  }
0x96: {  	_ =	strace s3  }
0x97: {  	_ =	strace $0x8FFFFFFF  }
0x98: {  	s19 =	sld [smem:$0x3FDB];
	_ =	sdelay $0x1  }
0x99: {  	s4 =	simm.s32 $_scs_section_size  }
0x9a: {  	s5 =	simm.s32 $_size__tile_overlayer_lowered;
	s6 =	simm.s32 $_tile_overlayer_lowered  }
0x9b: {  	s22 =	simm.s32 $0x1BFF;
	s21 =	sshll.u32 s6, $0x1;
	s3 =	sadd.s32 s4, s19  }
0x9c: {  	s7 =	simm.s32 $0x0;
	s20 =	sshll.u32 s5, $0x1;
	s5 =	sadd.s32 s21, s3  }
0x9d: {  	[timem:s7], [sflag:s22] =	dma.local [hbm:s5], s20  }
0x9e: {  	_ =	swait.ge [sflag:s22], s20  }
0x9f: {  	s4 =	ssub.s32 $0x0, s20;
	[sflag:s22] =	ssyncset.done $0x0  }
0xa0: {  	[sflag:s22] =	ssyncadd.s32 s4;
	_ =	sdelay $0x1  }
0xa1: {  	s23 =	simm.s32 $0x1B8B  }
0xa2: {  	_ =	swait.ge [sflag:s23], $0x1  }
0xa3: {  	[sflag:s23] =	ssyncset.done $0x0  }
0xa4: {  	s25 =	simm.s32 $0x1B8E;
	s24 =	sld [smem:$0x3FFE];
	[sflag:s23] =	ssyncadd.s32 $0xFFFFFFFF  }
0xa5: {  	s26 =	simm.s32 $execute0_lowered;
	[smem:$0x3FD2] =	sst s25  }
0xa6: {  	s5 =	sshll.u32 s26, $0x1;
	_ =	strace $0x80000049;
	[dreg:$0x1] =	wrdreg $0xFFFFFFFF  }
0xa7: {  	s28 =	simm.s32 $_size_execute0_lowered;
	s3 =	sadd.s32 s3, s5;
	[dreg:$0x0] =	wrdreg $0x0  }
0xa8: {  	s5 =	sshll.u32 s28, $0x1;
	[dreg:$0x2] =	wrdreg s3  }
0xa9: {  	[dreg:$0x3] =	wrdreg s5  }
0xaa: {  	[dreg:$0x4] =	wrdreg $0xC0  }
0xab: {  	_ =	task [dreg:s7], $0x5FFFF  }
0xac: {  	[dreg:$0x1] =	wrdreg $0xFFFFFFFF  }
0xad: {  	[dreg:$0x0] =	wrdreg $0x60  }
0xae: {  	[dreg:$0x2] =	wrdreg s24  }
0xaf: {  	[dreg:$0x3] =	wrdreg s2  }
0xb0: {  	[dreg:$0x4] =	wrdreg $0x9  }
0xb1: {  	_ =	task.clear_ibuf [dreg:s7], $0x5FFFF;
	_ =	strace $0x90000049  }
0xb2: {  	s29 =	simm.s32 $0x9;
	_ =	strace $0x8000004B  }
0xb3: {  	_ =	swait.ge [sflag:s29], $0x1  }
0xb4: {  	[sflag:s29] =	ssyncadd.s32 $0xFFFFFFFF  }
0xb5: {  	_ =	strace $0x9000004B  }
0xb6: {  	_ =	sfence  }
0xb7: {  	s30 =	sld [smem:$0x0];
	_ =	sdelay $0x2  }
0xb8: {  	s31 =	sshll.u32 s1, $0xD;
	s1 =	sshrl.u32 s1, $0x2  }
0xb9: {  	s3 =	sand.u32 $0x4000, s31;
	s1 =	sadd.s32 s1, s30  }
0xba: {  	s0 =	sor.u32 s3, s0;
	s1 =	sshll.u32 s1, $0x11  }
0xbb: {  	s0 =	sor.u32 s1, s0  }
0xbc: {  	s0 =	sadd.s32 $0x8F2B, s0  }
0xbd: {  	[sflag:s0] =	ssyncadd.remote.s32 $0x1  }
0xbe: {  	_ =	sfence.sel $0xFFFF  }
0xbf: {  	[dreg:$0x0] =	wrdreg $0xFFFFFFFF;
	(pc) =	sbr.abs _section_cstart, $3  }
0xc0: {  	[dreg:$0x1] =	wrdreg $0xFFFFFFFF  }
0xc1: {  	_ =	task.clear_ibuf [dreg:s7], $0x2FFFF;
	_ =	strace $0x9FFFFFFF  }
0xc2: {  	(tm) =	ssettm $0x7FFFFFFF  }
0xc3: {  	_ =	shalt  }
tec
execute0_lowered:
.L_overlay_start_1:
0x0: {  	(tag) =	ssettag $0x1  }
0x1: {  	s1 =	srdreg.scid;
	s5 =	rddreg [dreg:$0x0]  }
0x2: {  	s0 =	stileid.u32;
	s2 =	rddreg [dreg:$0x1];
	s6 =	simm.s32 $0x1  }
0x3: {  	s9 =	simm.s32 $0x1;
	s10 =	simm.s32 $0x3;
	s1 =	sshll.u32 s1, $0x6  }
0x4: {  	s13 =	simm.s32 $0x0;
	s3 =	sshll.u32 s0, $0x7;
	s4 =	sand.u32 $0x40, s1  }
0x5: {  	s12 =	simm.s32 $0x0;
	s1 =	rddreg [dreg:$0x2];
	s3 =	sor.u32 s3, s4  }
0x6: {  	_ =	strace $0x8000004A;
	s4 =	sadd.s32 $0x1400, s5;
	s8 =	ssub.s32 $0x1000, s3  }
.Ltmp0:
0x7: {  	s5 =	sadd.s32 $0xC00, s5;
	s7 =	sand.u32 $0x7C0, s8;
	(pc) =	sbr.rel .LBB2_1-.Ltmp0, $4  }
0x8: {  	[sflag:s6] =	ssyncpa.u1 $0x0;
	s11 =	smov.u32 s3;
	p0 =	sne.s32 s7, $0x0  }
0x9: {  	s8 =	sshrl.u32 s8, $0xB;
	s7 =	simm.s32 $0x2;
	s9 =	simm.s32 @!p0 $0x0  }
0xa: {  	[sflag:s7] =	ssyncpa.u1 $0x0;
	p0 =	por $0x0, $0x0;
	s8 =	sadd.s32 s9, s8  }
0xb: {  	vm0 =	vmmov $0xffff;
	[sflag:s10] =	ssyncpa.u1 $0x0;
	s10 =	simm.s32 $0x0;
	s9 =	sadd.s32 $0x1, s8  }
.LBB2_4:
0xc: {  	v2 =	vnsel vm1, $0x0, v2  }
0xd: {  	vm1 =	vgt.s32 v0, $0x0;
	v2 =	vmin.u32 v2, $0xFFF  }
0xe: {  	v0 =	vnsel vm1, $0x0, v0  }
0xf: {  	v0 =	vmin.u32 v0, $0xFFF  }
0x10: {  	[tilespmem:s15], [sflag:$0x1] =	stream.indirect_vreg.gather [hbm4b:s4+s10], $0x1, v1, vm0, $0x4038;
	[tilespmem:$0x100] =	vst v63  }
0x11: {  	(ifvalue) =	ssetifvalue $0x7FFFFFFF  }
0x12: {  	[tilespmem:s16], [sflag:$0x1] =	stream.indirect_vreg.gather [hbm4b:s4+s10], $0x1, v2, vm0, $0x4038;
	[tilespmem:$0x100] =	vst v63  }
0x13: {  	s29 =	sadd.s32 $0x10, s16;
	(ifvalue) =	ssetifvalue $0x7FFFFFFF  }
0x14: {  	[tilespmem:s29], [sflag:$0x1] =	stream.indirect_vreg.gather [hbm4b:s4+s10], $0x1, v0, vm0, $0x4038;
	[tilespmem:$0x100] =	vst v63  }
0x15: {  	_ =	swait.ge [sflag:s6], $0x40  }
0x16: {  	s30 =	sshrl.u32 s13, $0x3;
	[sflag:s6] =	ssyncset.done $0x0  }
0x17: {  	s31 =	sand.u32 $0x7, s13;
	s15 =	sadd.s32 s2, s30;
	[sflag:s6] =	ssyncadd.s32 $0xFFFFFFC0  }
0x18: {  	[hbm4b:s15+s31] =	stream.linear.scatter [tilespmem:s14], [sflag:$0x3], $0x40, $0x38;
	[tilespmem:$0x100] =	vst v63  }
.LBB2_5:
0x19: {  	s15 =	sadd.s32 $0x800, s11  }
0x1a: {  	p2 =	sgt.s32 s15, $0xFFF  }
0x1b: {  	s15 =	smov.u32 @p2 s3;
	p2 =	sne.s32 s12, s9  }
.Ltmp1:
0x1c: {  	p1 =	slt.u32 s12, $0x2;
	(pc) =	sbr.rel @!p2 .LBB2_6-.Ltmp1, $4  }
0x1d: {  	s14 =	simm.s32 @!p1 $0x3  }
0x1e: {  	s16 =	sadd.s32 $0x1, s12;
	_ =	swait.ge @!p1 [sflag:s14], $0x40  }
0x1f: {  	s13 =	smov.u32 s11;
	p0 =	por !p0, !p0;
	[sflag:s14] =	ssyncset.done @!p1 $0x0  }
0x20: {  	s12 =	smov.u32 s16;
	s11 =	smov.u32 s15;
	[sflag:s14] =	ssyncadd.s32 @!p1 $0xFFFFFFC0  }
.LBB2_1:
0x21: {  	p1 =	sge.u32 s12, s8  }
0x22: {  	s14 =	sxor.u32 @!p1 $0xFFFFFFFF, s12  }
0x23: {  	s31 =	sadd.s32 $0xFFFFFFFF, s12;
	s15 =	sshrl.u32 @!p1 s11, $0x3;
	s14 =	sshll.u32 @!p1 s14, $0x6  }
0x24: {  	s16 =	sand.u32 @!p1 $0x7, s11;
	s15 =	sadd.s32 @!p1 s5, s15;
	s14 =	sand.u32 @!p1 $0x40, s14  }
0x25: {  	[tilespmem:s14], [sflag:$0x2] =	stream.linear.gather @!p1 [hbm4b:s15+s16], $0x40, $0x38;
	[tilespmem:$0x100] =	vst v63  }
0x26: {  	p1 =	sge.u32 s31, s8  }
.Ltmp2:
0x27: {  	_ = 	snop;
	(pc) =	sbr.rel @p1 .LBB2_5-.Ltmp2, $1  }
0x28: {  	_ =	sdelay $0x3  }
0x29: {  	s14 =	simm.s32 $0x1  }
0x2a: {  	_ =	swait.ge [sflag:s7], $0x40;
	s14 =	simm.s32 @!p0 $0x0  }
0x2b: {  	[sflag:s7] =	ssyncset.done $0x0;
	s14 =	sshll.u32 s14, $0x6  }
0x2c: {  	[sflag:s7] =	ssyncadd.s32 $0xFFFFFFC0;
	(ifvalue) =	ssetifvalue $0x7FFFFFFF;
	v0 =	vld.msk [tilespmem:s14+$0x0 ss:$0x1], $0xffff;
	_ =	sdelay $0x4  }
0x2d: {  	s15 =	sadd.s32 $0x10, s14;
	vm1 =	vgt.s32 v0, $0x0  }
0x2e: {  	v2 =	vld.msk [tilespmem:s15+$0x0 ss:$0x1], $0xffff;
	v1 =	vnsel vm1, $0x0, v0  }
0x2f: {  	v1 =	vmin.u32 v1, $0xFFF;
	_ =	sdelay $0x1  }
0x30: {  	s16 =	sshll.u32 s12, $0x6;
	s18 =	simm.s32 $0x20  }
0x31: {  	s16 =	sand.u32 $0x40, s16;
	s17 =	sadd.s32 $0x10, s15;
	s15 =	sor.u32 $0x80, s14  }
0x32: {  	s14 =	sor.u32 $0x80, s16;
	s16 =	sadd.s32 $0x10, s15;
	v0 =	vld.msk [tilespmem:s17+$0x0 ss:$0x1], $0xffff;
	vm1 =	vgt.s32 v2, $0x0;
	(ifvalue) =	ssetifvalue $0x7FFFFFFF  }
.LBB2_3:
0x33: {  	[tilespmem:s15], [sflag:$0x1] =	stream.indirect_vreg.gather [hbm4b:s4+s10], $0x1, v1, vm0, $0x4038;
	[tilespmem:$0x100] =	vst v63  }
0x34: {  	s18 =	sadd.s32 $0x10, s18  }
0x35: {  	v2 =	vnsel vm1, $0x0, v2;
	p1 =	slt.u32 s18, $0x30  }
.Ltmp3:
0x36: {  	s15 =	smov.u32 s16;
	v1 =	vmin.u32 v2, $0xFFF;
	(pc) =	sbr.rel @p1 .LBB2_3-.Ltmp3, $3  }
0x37: {  	_ =	sdelay $0x1  }
0x38: {  	s17 =	sadd.s32 $0x10, s17  }
0x39: {  	vm1 =	vgt.s32 v0, $0x0;
	s16 =	sadd.s32 $0x10, s16;
	v2 =	vmov v0;
	(ifvalue) =	ssetifvalue $0x7FFFFFFF;
	v0 =	vld.msk [tilespmem:s17+$0x0 ss:$0x1], $0xffff  }
.Ltmp4:
0x3a: {  	_ = 	snop;
	(pc) =	sbr.rel .LBB2_4-.Ltmp4, $1  }
0x3b: {  	_ =	sdelay $0x3  }
.LBB2_6:
0x3c: {  	_ =	sfence.sel $0x180000  }
0x3d: {  	s2 =	simm.s32 $0x2;
	[bflag:$0x0] =	sbarrier.arrive $0xFFFF  }
0x3e: {  	s30 =	simm.s32 $0x3;
	[sflag:s2] =	ssyncpa.u1 $0x1  }
0x3f: {  	s31 =	simm.s32 $0x1;
	[sflag:s30] =	ssyncpa.u1 $0x1  }
0x40: {  	[sflag:s31] =	ssyncpa.u1 $0x1  }
0x41: {  	p0 =	sne.s32 s0, $0x0;
	_ =	strace $0x9000004A  }
0x42: {  	s0 =	sadd.s32 @!p0 $0x100000, s1;
	[bflag:$0x2] =	sbarrier.arrive $0xFFFF  }
0x43: {  	[sflag:s0] =	ssyncadd.tile.s32 @!p0 $0x1;
	_ =	shalt  }
.Lfunc_end2:
_tile_overlayer_lowered:
.L_overlay_start_2:
0x44: {  	(tag) =	ssettag $0x2  }
0x45: {  	s0 =	rddreg [dreg:$0x0];
	s2 =	stileid.u32  }
0x46: {  	s1 =	rddreg [dreg:$0x1];
	p0 =	sne.s32 s2, $0x0  }
0x47: {  	s3 =	rddreg [dreg:$0x2];
	[bflag:$0x3] =	sbarrier.arrive $0xFFFF;
	s2 =	simm.s32 @!p0 $0x1C01  }
0x48: {  	[timem:s3], [sflag:s2] =	dma.local @!p0 [hbm:s0], s1  }
0x49: {  	s0 =	simm.s32 @!p0 $0x1  }
0x4a: {  	_ =	swait.ge @!p0 [sflag:s0], s1  }
0x4b: {  	s1 =	ssub.s32 @!p0 $0x0, s1;
	[sflag:s0] =	ssyncset.done @!p0 $0x0  }
0x4c: {  	[sflag:s0] =	ssyncadd.s32 @!p0 s1  }
0x4d: {  	[bflag:$0x3] =	sbarrier.arrive $0xFFFF  }
0x4e: {  	_ =	shalt  }

// kernel: gather_offload_async_start
scs
__scs_entry_jumppad:
0x0: {  	(pc) =	sbr.rel $0x88, $3  }
0x1: {  	(tag) =	ssettag $0x0;
	lr =	simm.s32 $0x1  }
0x2: {  	[smem:$0x3F96] =	sst lr;
	_ =	strace $0xD0000000  }
0x3: {  	_ = 	snop  }
0x4: {  	_ = 	snop  }
0x5: {  	_ = 	snop  }
0x6: {  	_ = 	snop  }
0x7: {  	_ = 	snop  }
__scs_overlays_trampoline_lowered:
0x8: {  	[smem:$0x3FA5] =	sst s0  }
0x9: {  	[smem:$0x3FA6] =	sst s1  }
0xa: {  	[smem:$0x3FA7] =	sst s2  }
0xb: {  	[smem:$0x3FA8] =	sst s3  }
0xc: {  	[smem:$0x3FA9] =	sst s4  }
0xd: {  	[smem:$0x3FAA] =	sst s5  }
0xe: {  	[smem:$0x3FAB] =	sst s6  }
0xf: {  	[smem:$0x3FAC] =	sst s7  }
0x10: {  	[smem:$0x3FAD] =	sst s8  }
0x11: {  	[smem:$0x3FAE] =	sst s9;
	s0 =	simm.s32 @!p0 $0x0  }
0x12: {  	s1 =	sld [smem:$0x3F94];
	s0 =	simm.s32 @p0 $0x1  }
0x13: {  	[smem:$0x3FAF] =	sst s0;
	s0 =	simm.s32 @!p1 $0x0  }
0x14: {  	s2 =	sld [smem:$0x3F93];
	s0 =	simm.s32 @p1 $0x1  }
0x15: {  	[smem:$0x3FB0] =	sst s0;
	s0 =	simm.s32 @!p2 $0x0  }
0x16: {  	s3 =	sld [smem:$0x3FDB];
	s0 =	simm.s32 @p2 $0x1  }
0x17: {  	s4 =	simm.s32 $0x1BF5;
	[smem:$0x3FB2] =	sst s0  }
0x18: {  	s0 =	sld [smem:$0x3F95];
	_ =	swait.ge [sflag:s4], $0x0  }
0x19: {  	s7 =	sld [smem:$0x3F96]  }
0x1a: {  	s8 =	sadd.s32 $0xFFFFE003, lr  }
0x1b: {  	s9 =	sadd.s32 $0xFFFFFEF7, lr;
	s5 =	simm.s32 $0xFFFFFFFF;
	p2 =	slt.u32 s8, $0xFFFFF086  }
0x1c: {  	p1 =	slt.u32 s9, $0xF7A;
	s5 =	simm.s32 @!p2 $0x0  }
0x1d: {  	s5 =	simm.s32 @p1 $0x1;
	p0 =	seq.s32 s7, s2  }
0x1e: {  	s7 =	smul.u32 @!p0 $0xF7A, s2;
	p2 =	seq.s32 @!p0 s5, $0x0  }
0x1f: {  	s9 =	smul.u32 $0xF7A, s1;
	s8 =	simm.s32 @!p0 $0x1BF5;
	p2 =	por !p2, p0  }
0x20: {  	[sflag:s8] =	ssyncset.s32 @!p0 $0xFFFFF086;
	s6 =	sadd.s32 @!p0 s3, s7;
	s7 =	simm.s32 @!p0 $0x108  }
0x21: {  	s3 =	sadd.s32 s3, s9;
	s6 =	sadd.s32 @!p0 $0x88, s6;
	s7 =	simm.s32 @p2 $0x1082  }
0x22: {  	[simem:s7], [sflag:s8] =	dma.local @!p0 [hbm:s6], $0xF7A  }
0x23: {  	s9 =	sor.u32 $0xD0000000, s2;
	s6 =	simm.s32 $0x108;
	_ =	swait.ge @!p0 [sflag:s8], $0x0  }
0x24: {  	s3 =	sadd.s32 $0x88, s3;
	s6 =	simm.s32 @!p1 $0x1082;
	[sflag:s4] =	ssyncset.s32 $0xFFFFF086  }
0x25: {  	[simem:s6], [sflag:s4] =	dma.local [hbm:s3], $0xF7A  }
0x26: {  	[smem:$0x3F96] =	sst s1;
	(tag) =	ssettag s2;
	_ =	strace s9  }
0x27: {  	s1 =	sld [smem:$0x3FA6]  }
0x28: {  	s2 =	sld [smem:$0x3FA7]  }
0x29: {  	s4 =	sld [smem:$0x3FA9]  }
0x2a: {  	p0 =	seq.s32 s5, $0x0;
	s5 =	sld [smem:$0x3FAA]  }
0x2b: {  	s6 =	sld [smem:$0x3FAB]  }
0x2c: {  	s7 =	sld [smem:$0x3FAC]  }
0x2d: {  	s3 =	simm.s32 $0x108;
	s8 =	sld [smem:$0x3FAD]  }
0x2e: {  	s3 =	simm.s32 @!p0 $0x1082;
	s9 =	sld [smem:$0x3FAE]  }
0x2f: {  	lr =	sadd.s32 s0, s3;
	s0 =	sld [smem:$0x3FA5]  }
0x30: {  	s3 =	sld [smem:$0x3FA8]  }
0x31: {  	[smem:$0x3FB1] =	sst s10  }
0x32: {  	s10 =	sld [smem:$0x3FAF];
	_ =	sdelay $0x3  }
0x33: {  	p0 =	seq.s32 s10, $0x1;
	s10 =	sld [smem:$0x3FB1];
	_ =	sdelay $0x3  }
0x34: {  	[smem:$0x3FB1] =	sst s10  }
0x35: {  	s10 =	sld [smem:$0x3FB0];
	_ =	sdelay $0x3  }
0x36: {  	p1 =	seq.s32 s10, $0x1;
	s10 =	sld [smem:$0x3FB1];
	_ =	sdelay $0x3  }
0x37: {  	[smem:$0x3FB1] =	sst s10  }
0x38: {  	s10 =	sld [smem:$0x3FB2]  }
0x39: {  	_ = 	snop;
	(pc) =	sbr.ind lr, $3  }
0x3a: {  	_ = 	snop  }
0x3b: {  	_ = 	snop  }
0x3c: {  	p2 =	seq.s32 s10, $0x1;
	s10 =	sld [smem:$0x3FB1]  }
0x3d: {  	_ =	shalt  }
0x3e: {  	_ =	shalt  }
0x3f: {  	_ =	shalt  }
0x40: {  	_ =	shalt  }
0x41: {  	_ =	shalt  }
0x42: {  	_ =	shalt  }
0x43: {  	_ =	shalt  }
0x44: {  	_ =	shalt  }
0x45: {  	_ =	shalt  }
0x46: {  	_ =	shalt  }
0x47: {  	_ =	shalt  }
0x48: {  	_ =	shalt  }
0x49: {  	_ =	shalt  }
0x4a: {  	_ =	shalt  }
0x4b: {  	_ =	shalt  }
0x4c: {  	_ =	shalt  }
0x4d: {  	_ =	shalt  }
0x4e: {  	_ =	shalt  }
0x4f: {  	_ =	shalt  }
0x50: {  	_ =	shalt  }
0x51: {  	_ =	shalt  }
0x52: {  	_ =	shalt  }
0x53: {  	_ =	shalt  }
0x54: {  	_ =	shalt  }
0x55: {  	_ =	shalt  }
0x56: {  	_ =	shalt  }
0x57: {  	_ =	shalt  }
0x58: {  	_ =	shalt  }
0x59: {  	_ =	shalt  }
0x5a: {  	_ =	shalt  }
0x5b: {  	_ =	shalt  }
0x5c: {  	_ =	shalt  }
0x5d: {  	_ =	shalt  }
0x5e: {  	_ =	shalt  }
0x5f: {  	_ =	shalt  }
0x60: {  	_ =	shalt  }
0x61: {  	_ =	shalt  }
0x62: {  	_ =	shalt  }
0x63: {  	_ =	shalt  }
0x64: {  	_ =	shalt  }
0x65: {  	_ =	shalt  }
0x66: {  	_ =	shalt  }
0x67: {  	_ =	shalt  }
0x68: {  	_ =	shalt  }
0x69: {  	_ =	shalt  }
0x6a: {  	_ =	shalt  }
0x6b: {  	_ =	shalt  }
0x6c: {  	_ =	shalt  }
0x6d: {  	_ =	shalt  }
0x6e: {  	_ =	shalt  }
0x6f: {  	_ =	shalt  }
0x70: {  	_ =	shalt  }
0x71: {  	_ =	shalt  }
0x72: {  	_ =	shalt  }
0x73: {  	_ =	shalt  }
0x74: {  	_ =	shalt  }
0x75: {  	_ =	shalt  }
0x76: {  	_ =	shalt  }
0x77: {  	_ =	shalt  }
0x78: {  	_ =	shalt  }
0x79: {  	_ =	shalt  }
0x7a: {  	_ =	shalt  }
0x7b: {  	_ =	shalt  }
0x7c: {  	_ =	shalt  }
0x7d: {  	_ =	shalt  }
0x7e: {  	_ =	shalt  }
0x7f: {  	_ =	shalt  }
0x80: {  	_ =	shalt  }
0x81: {  	_ =	shalt  }
0x82: {  	_ =	shalt  }
0x83: {  	_ =	shalt  }
0x84: {  	_ =	shalt  }
0x85: {  	_ =	shalt  }
0x86: {  	_ =	shalt  }
0x87: {  	_ =	shalt  }
.Lfunc_end0:
.L_simem_size_0:
called_computation.1_lowered:
.L_overlay_start_0:
0x88: {  	s2 =	sld [smem:$0x3FD9]  }
0x89: {  	s3 =	sld [smem:$0x3FFE];
	_ =	sdelay $0x1  }
0x8a: {  	s1 =	srdreg.scid  }
0x8b: {  	s0 =	sand.u32 $0x1, s1  }
0x8c: {  	s17 =	sshll.u32 s0, $0xA;
	s2 =	sadd.s32 s3, s2  }
0x8d: {  	s2 =	sadd.s32 s2, s17  }
0x8e: {  	[smem:$0x3FBD] =	sst s2  }
0x8f: {  	_ = 	snop  }
0x90: {  	s2 =	sld [smem:$0x3FD0];
	(tm) =	ssettm $0x1  }
0x91: {  	s18 =	sld [smem:$0x3FFB];
	_ =	sdelay $0x3  }
0x92: {  	_ =	strace s18  }
0x93: {  	s3 =	sld [smem:$0x3FFC];
	_ =	sdelay $0x3  }
0x94: {  	_ =	strace s3  }
0x95: {  	s3 =	sld [smem:$0x3FFD];
	_ =	sdelay $0x3  }
0x96: {  	_ =	strace s3  }
0x97: {  	_ =	strace $0x8FFFFFFF  }
0x98: {  	s19 =	sld [smem:$0x3FDB];
	_ =	sdelay $0x1  }
0x99: {  	s4 =	simm.s32 $_scs_section_size  }
0x9a: {  	s5 =	simm.s32 $_size__tile_overlayer_lowered;
	s6 =	simm.s32 $_tile_overlayer_lowered  }
0x9b: {  	s22 =	simm.s32 $0x1BFF;
	s21 =	sshll.u32 s6, $0x1;
	s3 =	sadd.s32 s4, s19  }
0x9c: {  	s7 =	simm.s32 $0x0;
	s20 =	sshll.u32 s5, $0x1;
	s5 =	sadd.s32 s21, s3  }
0x9d: {  	[timem:s7], [sflag:s22] =	dma.local [hbm:s5], s20  }
0x9e: {  	_ =	swait.ge [sflag:s22], s20  }
0x9f: {  	s4 =	ssub.s32 $0x0, s20;
	[sflag:s22] =	ssyncset.done $0x0  }
0xa0: {  	[sflag:s22] =	ssyncadd.s32 s4;
	_ =	sdelay $0x1  }
0xa1: {  	s23 =	simm.s32 $0x1B8B  }
0xa2: {  	_ =	swait.ge [sflag:s23], $0x1  }
0xa3: {  	[sflag:s23] =	ssyncset.done $0x0  }
0xa4: {  	s25 =	simm.s32 $0x1B8E;
	s24 =	sld [smem:$0x3FFE];
	[sflag:s23] =	ssyncadd.s32 $0xFFFFFFFF  }
0xa5: {  	s26 =	simm.s32 $execute0_lowered;
	[smem:$0x3FD2] =	sst s25  }
0xa6: {  	s5 =	sshll.u32 s26, $0x1;
	_ =	strace $0x8000004C;
	[dreg:$0x1] =	wrdreg $0xFFFFFFFF  }
0xa7: {  	s28 =	simm.s32 $_size_execute0_lowered;
	s3 =	sadd.s32 s3, s5;
	[dreg:$0x0] =	wrdreg $0x0  }
0xa8: {  	s5 =	sshll.u32 s28, $0x1;
	[dreg:$0x2] =	wrdreg s3  }
0xa9: {  	[dreg:$0x3] =	wrdreg s5  }
0xaa: {  	[dreg:$0x4] =	wrdreg $0xC0  }
0xab: {  	_ =	task [dreg:s7], $0x5FFFF  }
0xac: {  	[dreg:$0x1] =	wrdreg $0xFFFFFFFF  }
0xad: {  	[dreg:$0x0] =	wrdreg $0x60  }
0xae: {  	[dreg:$0x2] =	wrdreg s24  }
0xaf: {  	[dreg:$0x3] =	wrdreg s2  }
0xb0: {  	[dreg:$0x4] =	wrdreg $0x9  }
0xb1: {  	_ =	task.clear_ibuf [dreg:s7], $0x5FFFF;
	_ =	strace $0x9000004C  }
0xb2: {  	s29 =	simm.s32 $0x9;
	_ =	strace $0x8000004E  }
0xb3: {  	_ =	swait.ge [sflag:s29], $0x1  }
0xb4: {  	[sflag:s29] =	ssyncadd.s32 $0xFFFFFFFF  }
0xb5: {  	_ =	strace $0x9000004E  }
0xb6: {  	_ =	sfence  }
0xb7: {  	s30 =	sld [smem:$0x0];
	_ =	sdelay $0x2  }
0xb8: {  	s31 =	sshll.u32 s1, $0xD;
	s1 =	sshrl.u32 s1, $0x2  }
0xb9: {  	s3 =	sand.u32 $0x4000, s31;
	s1 =	sadd.s32 s1, s30  }
0xba: {  	s0 =	sor.u32 s3, s0;
	s1 =	sshll.u32 s1, $0x11  }
0xbb: {  	s0 =	sor.u32 s1, s0  }
0xbc: {  	s0 =	sadd.s32 $0x8F2B, s0  }
0xbd: {  	[sflag:s0] =	ssyncadd.remote.s32 $0x1  }
0xbe: {  	_ =	sfence.sel $0xFFFF  }
0xbf: {  	[dreg:$0x0] =	wrdreg $0xFFFFFFFF;
	(pc) =	sbr.abs _section_cstart, $3  }
0xc0: {  	[dreg:$0x1] =	wrdreg $0xFFFFFFFF  }
0xc1: {  	_ =	task.clear_ibuf [dreg:s7], $0x2FFFF;
	_ =	strace $0x9FFFFFFF  }
0xc2: {  	(tm) =	ssettm $0x7FFFFFFF  }
0xc3: {  	_ =	shalt  }
tec
execute0_lowered:
.L_overlay_start_1:
0x0: {  	(tag) =	ssettag $0x1  }
0x1: {  	s1 =	srdreg.scid;
	s5 =	rddreg [dreg:$0x0]  }
0x2: {  	s0 =	stileid.u32;
	s2 =	rddreg [dreg:$0x1];
	s6 =	simm.s32 $0x1  }
0x3: {  	s9 =	simm.s32 $0x1;
	s10 =	simm.s32 $0x3;
	s1 =	sshll.u32 s1, $0x6  }
0x4: {  	s13 =	simm.s32 $0x0;
	s3 =	sshll.u32 s0, $0x7;
	s4 =	sand.u32 $0x40, s1  }
0x5: {  	s12 =	simm.s32 $0x0;
	s1 =	rddreg [dreg:$0x2];
	s3 =	sor.u32 s3, s4  }
0x6: {  	_ =	strace $0x8000004D;
	s4 =	sadd.s32 $0xE00, s5;
	s8 =	ssub.s32 $0x1000, s3  }
.Ltmp0:
0x7: {  	s5 =	sadd.s32 $0xC00, s5;
	s7 =	sand.u32 $0x7C0, s8;
	(pc) =	sbr.rel .LBB2_1-.Ltmp0, $4  }
0x8: {  	[sflag:s6] =	ssyncpa.u1 $0x0;
	s11 =	smov.u32 s3;
	p0 =	sne.s32 s7, $0x0  }
0x9: {  	s8 =	sshrl.u32 s8, $0xB;
	s7 =	simm.s32 $0x2;
	s9 =	simm.s32 @!p0 $0x0  }
0xa: {  	[sflag:s7] =	ssyncpa.u1 $0x0;
	p0 =	por $0x0, $0x0;
	s8 =	sadd.s32 s9, s8  }
0xb: {  	vm0 =	vmmov $0xffff;
	[sflag:s10] =	ssyncpa.u1 $0x0;
	s10 =	simm.s32 $0x0;
	s9 =	sadd.s32 $0x1, s8  }
.LBB2_4:
0xc: {  	v2 =	vnsel vm1, $0x0, v2  }
0xd: {  	vm1 =	vgt.s32 v0, $0x0;
	v2 =	vmin.u32 v2, $0xFFF  }
0xe: {  	v0 =	vnsel vm1, $0x0, v0  }
0xf: {  	v0 =	vmin.u32 v0, $0xFFF  }
0x10: {  	[tilespmem:s15], [sflag:$0x1] =	stream.indirect_vreg.gather [hbm4b:s4+s10], $0x1, v1, vm0, $0x4038;
	[tilespmem:$0x100] =	vst v63  }
0x11: {  	(ifvalue) =	ssetifvalue $0x7FFFFFFF  }
0x12: {  	[tilespmem:s16], [sflag:$0x1] =	stream.indirect_vreg.gather [hbm4b:s4+s10], $0x1, v2, vm0, $0x4038;
	[tilespmem:$0x100] =	vst v63  }
0x13: {  	s29 =	sadd.s32 $0x10, s16;
	(ifvalue) =	ssetifvalue $0x7FFFFFFF  }
0x14: {  	[tilespmem:s29], [sflag:$0x1] =	stream.indirect_vreg.gather [hbm4b:s4+s10], $0x1, v0, vm0, $0x4038;
	[tilespmem:$0x100] =	vst v63  }
0x15: {  	_ =	swait.ge [sflag:s6], $0x40  }
0x16: {  	s30 =	sshrl.u32 s13, $0x3;
	[sflag:s6] =	ssyncset.done $0x0  }
0x17: {  	s31 =	sand.u32 $0x7, s13;
	s15 =	sadd.s32 s2, s30;
	[sflag:s6] =	ssyncadd.s32 $0xFFFFFFC0  }
0x18: {  	[hbm4b:s15+s31] =	stream.linear.scatter [tilespmem:s14], [sflag:$0x3], $0x40, $0x38;
	[tilespmem:$0x100] =	vst v63  }
.LBB2_5:
0x19: {  	s15 =	sadd.s32 $0x800, s11  }
0x1a: {  	p2 =	sgt.s32 s15, $0xFFF  }
0x1b: {  	s15 =	smov.u32 @p2 s3;
	p2 =	sne.s32 s12, s9  }
.Ltmp1:
0x1c: {  	p1 =	slt.u32 s12, $0x2;
	(pc) =	sbr.rel @!p2 .LBB2_6-.Ltmp1, $4  }
0x1d: {  	s14 =	simm.s32 @!p1 $0x3  }
0x1e: {  	s16 =	sadd.s32 $0x1, s12;
	_ =	swait.ge @!p1 [sflag:s14], $0x40  }
0x1f: {  	s13 =	smov.u32 s11;
	p0 =	por !p0, !p0;
	[sflag:s14] =	ssyncset.done @!p1 $0x0  }
0x20: {  	s12 =	smov.u32 s16;
	s11 =	smov.u32 s15;
	[sflag:s14] =	ssyncadd.s32 @!p1 $0xFFFFFFC0  }
.LBB2_1:
0x21: {  	p1 =	sge.u32 s12, s8  }
0x22: {  	s14 =	sxor.u32 @!p1 $0xFFFFFFFF, s12  }
0x23: {  	s31 =	sadd.s32 $0xFFFFFFFF, s12;
	s15 =	sshrl.u32 @!p1 s11, $0x3;
	s14 =	sshll.u32 @!p1 s14, $0x6  }
0x24: {  	s16 =	sand.u32 @!p1 $0x7, s11;
	s15 =	sadd.s32 @!p1 s5, s15;
	s14 =	sand.u32 @!p1 $0x40, s14  }
0x25: {  	[tilespmem:s14], [sflag:$0x2] =	stream.linear.gather @!p1 [hbm4b:s15+s16], $0x40, $0x38;
	[tilespmem:$0x100] =	vst v63  }
0x26: {  	p1 =	sge.u32 s31, s8  }
.Ltmp2:
0x27: {  	_ = 	snop;
	(pc) =	sbr.rel @p1 .LBB2_5-.Ltmp2, $1  }
0x28: {  	_ =	sdelay $0x3  }
0x29: {  	s14 =	simm.s32 $0x1  }
0x2a: {  	_ =	swait.ge [sflag:s7], $0x40;
	s14 =	simm.s32 @!p0 $0x0  }
0x2b: {  	[sflag:s7] =	ssyncset.done $0x0;
	s14 =	sshll.u32 s14, $0x6  }
0x2c: {  	[sflag:s7] =	ssyncadd.s32 $0xFFFFFFC0;
	(ifvalue) =	ssetifvalue $0x7FFFFFFF;
	v0 =	vld.msk [tilespmem:s14+$0x0 ss:$0x1], $0xffff;
	_ =	sdelay $0x4  }
0x2d: {  	s15 =	sadd.s32 $0x10, s14;
	vm1 =	vgt.s32 v0, $0x0  }
0x2e: {  	v2 =	vld.msk [tilespmem:s15+$0x0 ss:$0x1], $0xffff;
	v1 =	vnsel vm1, $0x0, v0  }
0x2f: {  	v1 =	vmin.u32 v1, $0xFFF;
	_ =	sdelay $0x1  }
0x30: {  	s16 =	sshll.u32 s12, $0x6;
	s18 =	simm.s32 $0x20  }
0x31: {  	s16 =	sand.u32 $0x40, s16;
	s17 =	sadd.s32 $0x10, s15;
	s15 =	sor.u32 $0x80, s14  }
0x32: {  	s14 =	sor.u32 $0x80, s16;
	s16 =	sadd.s32 $0x10, s15;
	v0 =	vld.msk [tilespmem:s17+$0x0 ss:$0x1], $0xffff;
	vm1 =	vgt.s32 v2, $0x0;
	(ifvalue) =	ssetifvalue $0x7FFFFFFF  }
.LBB2_3:
0x33: {  	[tilespmem:s15], [sflag:$0x1] =	stream.indirect_vreg.gather [hbm4b:s4+s10], $0x1, v1, vm0, $0x4038;
	[tilespmem:$0x100] =	vst v63  }
0x34: {  	s18 =	sadd.s32 $0x10, s18  }
0x35: {  	v2 =	vnsel vm1, $0x0, v2;
	p1 =	slt.u32 s18, $0x30  }
.Ltmp3:
0x36: {  	s15 =	smov.u32 s16;
	v1 =	vmin.u32 v2, $0xFFF;
	(pc) =	sbr.rel @p1 .LBB2_3-.Ltmp3, $3  }
0x37: {  	_ =	sdelay $0x1  }
0x38: {  	s17 =	sadd.s32 $0x10, s17  }
0x39: {  	vm1 =	vgt.s32 v0, $0x0;
	s16 =	sadd.s32 $0x10, s16;
	v2 =	vmov v0;
	(ifvalue) =	ssetifvalue $0x7FFFFFFF;
	v0 =	vld.msk [tilespmem:s17+$0x0 ss:$0x1], $0xffff  }
.Ltmp4:
0x3a: {  	_ = 	snop;
	(pc) =	sbr.rel .LBB2_4-.Ltmp4, $1  }
0x3b: {  	_ =	sdelay $0x3  }
.LBB2_6:
0x3c: {  	_ =	sfence.sel $0x180000  }
0x3d: {  	s2 =	simm.s32 $0x2;
	[bflag:$0x0] =	sbarrier.arrive $0xFFFF  }
0x3e: {  	s30 =	simm.s32 $0x3;
	[sflag:s2] =	ssyncpa.u1 $0x1  }
0x3f: {  	s31 =	simm.s32 $0x1;
	[sflag:s30] =	ssyncpa.u1 $0x1  }
0x40: {  	[sflag:s31] =	ssyncpa.u1 $0x1  }
0x41: {  	p0 =	sne.s32 s0, $0x0;
	_ =	strace $0x9000004D  }
0x42: {  	s0 =	sadd.s32 @!p0 $0x100000, s1;
	[bflag:$0x2] =	sbarrier.arrive $0xFFFF  }
0x43: {  	[sflag:s0] =	ssyncadd.tile.s32 @!p0 $0x1;
	_ =	shalt  }
.Lfunc_end2:
_tile_overlayer_lowered:
.L_overlay_start_2:
0x44: {  	(tag) =	ssettag $0x2  }
0x45: {  	s0 =	rddreg [dreg:$0x0];
	s2 =	stileid.u32  }
0x46: {  	s1 =	rddreg [dreg:$0x1];
	p0 =	sne.s32 s2, $0x0  }
0x47: {  	s3 =	rddreg [dreg:$0x2];
	[bflag:$0x3] =	sbarrier.arrive $0xFFFF;
	s2 =	simm.s32 @!p0 $0x1C01  }
0x48: {  	[timem:s3], [sflag:s2] =	dma.local @!p0 [hbm:s0], s1  }
0x49: {  	s0 =	simm.s32 @!p0 $0x1  }
0x4a: {  	_ =	swait.ge @!p0 [sflag:s0], s1  }
0x4b: {  	s1 =	ssub.s32 @!p0 $0x0, s1;
	[sflag:s0] =	ssyncset.done @!p0 $0x0  }
0x4c: {  	[sflag:s0] =	ssyncadd.s32 @!p0 s1  }
0x4d: {  	[bflag:$0x3] =	sbarrier.arrive $0xFFFF  }
0x4e: {  	_ =	shalt  }

// kernel: scatter_offload_async_start
scs
__scs_entry_jumppad:
0x0: {  	(pc) =	sbr.rel $0x88, $3  }
0x1: {  	(tag) =	ssettag $0x0;
	lr =	simm.s32 $0x1  }
0x2: {  	[smem:$0x3F96] =	sst lr;
	_ =	strace $0xD0000000  }
0x3: {  	_ = 	snop  }
0x4: {  	_ = 	snop  }
0x5: {  	_ = 	snop  }
0x6: {  	_ = 	snop  }
0x7: {  	_ = 	snop  }
__scs_overlays_trampoline_lowered:
0x8: {  	[smem:$0x3FA5] =	sst s0  }
0x9: {  	[smem:$0x3FA6] =	sst s1  }
0xa: {  	[smem:$0x3FA7] =	sst s2  }
0xb: {  	[smem:$0x3FA8] =	sst s3  }
0xc: {  	[smem:$0x3FA9] =	sst s4  }
0xd: {  	[smem:$0x3FAA] =	sst s5  }
0xe: {  	[smem:$0x3FAB] =	sst s6  }
0xf: {  	[smem:$0x3FAC] =	sst s7  }
0x10: {  	[smem:$0x3FAD] =	sst s8  }
0x11: {  	[smem:$0x3FAE] =	sst s9;
	s0 =	simm.s32 @!p0 $0x0  }
0x12: {  	s1 =	sld [smem:$0x3F94];
	s0 =	simm.s32 @p0 $0x1  }
0x13: {  	[smem:$0x3FAF] =	sst s0;
	s0 =	simm.s32 @!p1 $0x0  }
0x14: {  	s2 =	sld [smem:$0x3F93];
	s0 =	simm.s32 @p1 $0x1  }
0x15: {  	[smem:$0x3FB0] =	sst s0;
	s0 =	simm.s32 @!p2 $0x0  }
0x16: {  	s3 =	sld [smem:$0x3FDB];
	s0 =	simm.s32 @p2 $0x1  }
0x17: {  	s4 =	simm.s32 $0x1BF5;
	[smem:$0x3FB2] =	sst s0  }
0x18: {  	s0 =	sld [smem:$0x3F95];
	_ =	swait.ge [sflag:s4], $0x0  }
0x19: {  	s7 =	sld [smem:$0x3F96]  }
0x1a: {  	s8 =	sadd.s32 $0xFFFFE003, lr  }
0x1b: {  	s9 =	sadd.s32 $0xFFFFFEF7, lr;
	s5 =	simm.s32 $0xFFFFFFFF;
	p2 =	slt.u32 s8, $0xFFFFF086  }
0x1c: {  	p1 =	slt.u32 s9, $0xF7A;
	s5 =	simm.s32 @!p2 $0x0  }
0x1d: {  	s5 =	simm.s32 @p1 $0x1;
	p0 =	seq.s32 s7, s2  }
0x1e: {  	s7 =	smul.u32 @!p0 $0xF7A, s2;
	p2 =	seq.s32 @!p0 s5, $0x0  }
0x1f: {  	s9 =	smul.u32 $0xF7A, s1;
	s8 =	simm.s32 @!p0 $0x1BF5;
	p2 =	por !p2, p0  }
0x20: {  	[sflag:s8] =	ssyncset.s32 @!p0 $0xFFFFF086;
	s6 =	sadd.s32 @!p0 s3, s7;
	s7 =	simm.s32 @!p0 $0x108  }
0x21: {  	s3 =	sadd.s32 s3, s9;
	s6 =	sadd.s32 @!p0 $0x88, s6;
	s7 =	simm.s32 @p2 $0x1082  }
0x22: {  	[simem:s7], [sflag:s8] =	dma.local @!p0 [hbm:s6], $0xF7A  }
0x23: {  	s9 =	sor.u32 $0xD0000000, s2;
	s6 =	simm.s32 $0x108;
	_ =	swait.ge @!p0 [sflag:s8], $0x0  }
0x24: {  	s3 =	sadd.s32 $0x88, s3;
	s6 =	simm.s32 @!p1 $0x1082;
	[sflag:s4] =	ssyncset.s32 $0xFFFFF086  }
0x25: {  	[simem:s6], [sflag:s4] =	dma.local [hbm:s3], $0xF7A  }
0x26: {  	[smem:$0x3F96] =	sst s1;
	(tag) =	ssettag s2;
	_ =	strace s9  }
0x27: {  	s1 =	sld [smem:$0x3FA6]  }
0x28: {  	s2 =	sld [smem:$0x3FA7]  }
0x29: {  	s4 =	sld [smem:$0x3FA9]  }
0x2a: {  	p0 =	seq.s32 s5, $0x0;
	s5 =	sld [smem:$0x3FAA]  }
0x2b: {  	s6 =	sld [smem:$0x3FAB]  }
0x2c: {  	s7 =	sld [smem:$0x3FAC]  }
0x2d: {  	s3 =	simm.s32 $0x108;
	s8 =	sld [smem:$0x3FAD]  }
0x2e: {  	s3 =	simm.s32 @!p0 $0x1082;
	s9 =	sld [smem:$0x3FAE]  }
0x2f: {  	lr =	sadd.s32 s0, s3;
	s0 =	sld [smem:$0x3FA5]  }
0x30: {  	s3 =	sld [smem:$0x3FA8]  }
0x31: {  	[smem:$0x3FB1] =	sst s10  }
0x32: {  	s10 =	sld [smem:$0x3FAF];
	_ =	sdelay $0x3  }
0x33: {  	p0 =	seq.s32 s10, $0x1;
	s10 =	sld [smem:$0x3FB1];
	_ =	sdelay $0x3  }
0x34: {  	[smem:$0x3FB1] =	sst s10  }
0x35: {  	s10 =	sld [smem:$0x3FB0];
	_ =	sdelay $0x3  }
0x36: {  	p1 =	seq.s32 s10, $0x1;
	s10 =	sld [smem:$0x3FB1];
	_ =	sdelay $0x3  }
0x37: {  	[smem:$0x3FB1] =	sst s10  }
0x38: {  	s10 =	sld [smem:$0x3FB2]  }
0x39: {  	_ = 	snop;
	(pc) =	sbr.ind lr, $3  }
0x3a: {  	_ = 	snop  }
0x3b: {  	_ = 	snop  }
0x3c: {  	p2 =	seq.s32 s10, $0x1;
	s10 =	sld [smem:$0x3FB1]  }
0x3d: {  	_ =	shalt  }
0x3e: {  	_ =	shalt  }
0x3f: {  	_ =	shalt  }
0x40: {  	_ =	shalt  }
0x41: {  	_ =	shalt  }
0x42: {  	_ =	shalt  }
0x43: {  	_ =	shalt  }
0x44: {  	_ =	shalt  }
0x45: {  	_ =	shalt  }
0x46: {  	_ =	shalt  }
0x47: {  	_ =	shalt  }
0x48: {  	_ =	shalt  }
0x49: {  	_ =	shalt  }
0x4a: {  	_ =	shalt  }
0x4b: {  	_ =	shalt  }
0x4c: {  	_ =	shalt  }
0x4d: {  	_ =	shalt  }
0x4e: {  	_ =	shalt  }
0x4f: {  	_ =	shalt  }
0x50: {  	_ =	shalt  }
0x51: {  	_ =	shalt  }
0x52: {  	_ =	shalt  }
0x53: {  	_ =	shalt  }
0x54: {  	_ =	shalt  }
0x55: {  	_ =	shalt  }
0x56: {  	_ =	shalt  }
0x57: {  	_ =	shalt  }
0x58: {  	_ =	shalt  }
0x59: {  	_ =	shalt  }
0x5a: {  	_ =	shalt  }
0x5b: {  	_ =	shalt  }
0x5c: {  	_ =	shalt  }
0x5d: {  	_ =	shalt  }
0x5e: {  	_ =	shalt  }
0x5f: {  	_ =	shalt  }
0x60: {  	_ =	shalt  }
0x61: {  	_ =	shalt  }
0x62: {  	_ =	shalt  }
0x63: {  	_ =	shalt  }
0x64: {  	_ =	shalt  }
0x65: {  	_ =	shalt  }
0x66: {  	_ =	shalt  }
0x67: {  	_ =	shalt  }
0x68: {  	_ =	shalt  }
0x69: {  	_ =	shalt  }
0x6a: {  	_ =	shalt  }
0x6b: {  	_ =	shalt  }
0x6c: {  	_ =	shalt  }
0x6d: {  	_ =	shalt  }
0x6e: {  	_ =	shalt  }
0x6f: {  	_ =	shalt  }
0x70: {  	_ =	shalt  }
0x71: {  	_ =	shalt  }
0x72: {  	_ =	shalt  }
0x73: {  	_ =	shalt  }
0x74: {  	_ =	shalt  }
0x75: {  	_ =	shalt  }
0x76: {  	_ =	shalt  }
0x77: {  	_ =	shalt  }
0x78: {  	_ =	shalt  }
0x79: {  	_ =	shalt  }
0x7a: {  	_ =	shalt  }
0x7b: {  	_ =	shalt  }
0x7c: {  	_ =	shalt  }
0x7d: {  	_ =	shalt  }
0x7e: {  	_ =	shalt  }
0x7f: {  	_ =	shalt  }
0x80: {  	_ =	shalt  }
0x81: {  	_ =	shalt  }
0x82: {  	_ =	shalt  }
0x83: {  	_ =	shalt  }
0x84: {  	_ =	shalt  }
0x85: {  	_ =	shalt  }
0x86: {  	_ =	shalt  }
0x87: {  	_ =	shalt  }
.Lfunc_end0:
.L_simem_size_0:
called_computation_lowered:
.L_overlay_start_0:
0x88: {  	s0 =	sld [smem:$0x3FD9]  }
0x89: {  	s1 =	sld [smem:$0x3FFE];
	_ =	sdelay $0x3  }
0x8a: {  	s0 =	sadd.s32 s1, s0  }
0x8b: {  	[smem:$0x3FBD] =	sst s0  }
0x8c: {  	_ = 	snop  }
0x8d: {  	s0 =	sld [smem:$0x3FD0];
	(tm) =	ssettm $0x1  }
0x8e: {  	s16 =	sld [smem:$0x3FFB];
	_ =	sdelay $0x3  }
0x8f: {  	_ =	strace s16  }
0x90: {  	s1 =	sld [smem:$0x3FFC];
	_ =	sdelay $0x3  }
0x91: {  	_ =	strace s1  }
0x92: {  	s1 =	sld [smem:$0x3FFD];
	_ =	sdelay $0x3  }
0x93: {  	_ =	strace s1  }
0x94: {  	_ =	strace $0x8FFFFFFF  }
0x95: {  	s17 =	sld [smem:$0x3FDB];
	_ =	sdelay $0x1  }
0x96: {  	s2 =	simm.s32 $_scs_section_size  }
0x97: {  	s3 =	simm.s32 $_size__tile_overlayer_lowered;
	s4 =	simm.s32 $_tile_overlayer_lowered  }
0x98: {  	s20 =	simm.s32 $0x1BFF;
	s19 =	sshll.u32 s4, $0x1;
	s1 =	sadd.s32 s2, s17  }
0x99: {  	s5 =	simm.s32 $0x0;
	s18 =	sshll.u32 s3, $0x1;
	s3 =	sadd.s32 s19, s1  }
0x9a: {  	[timem:s5], [sflag:s20] =	dma.local [hbm:s3], s18  }
0x9b: {  	_ =	swait.ge [sflag:s20], s18  }
0x9c: {  	s2 =	ssub.s32 $0x0, s18;
	[sflag:s20] =	ssyncset.done $0x0  }
0x9d: {  	[sflag:s20] =	ssyncadd.s32 s2;
	_ =	sdelay $0x1  }
0x9e: {  	s21 =	simm.s32 $0x1B8B  }
0x9f: {  	_ =	swait.ge [sflag:s21], $0x1  }
0xa0: {  	[sflag:s21] =	ssyncset.done $0x0  }
0xa1: {  	s23 =	simm.s32 $0x1B8E;
	s22 =	sld [smem:$0x3FFE];
	[sflag:s21] =	ssyncadd.s32 $0xFFFFFFFF  }
0xa2: {  	s24 =	simm.s32 $execute0_lowered;
	[smem:$0x3FD2] =	sst s23  }
0xa3: {  	s3 =	sshll.u32 s24, $0x1;
	_ =	strace $0x80000046;
	[dreg:$0x1] =	wrdreg $0xFFFFFFFF  }
0xa4: {  	s25 =	simm.s32 $_size_execute0_lowered;
	s1 =	sadd.s32 s1, s3;
	[dreg:$0x0] =	wrdreg $0x0  }
0xa5: {  	s3 =	sshll.u32 s25, $0x1;
	[dreg:$0x2] =	wrdreg s1  }
0xa6: {  	[dreg:$0x3] =	wrdreg s3  }
0xa7: {  	[dreg:$0x4] =	wrdreg $0xC0  }
0xa8: {  	_ =	task [dreg:s5], $0x5FFFF  }
0xa9: {  	[dreg:$0x1] =	wrdreg $0xFFFFFFFF  }
0xaa: {  	[dreg:$0x0] =	wrdreg $0x60  }
0xab: {  	[dreg:$0x2] =	wrdreg s22  }
0xac: {  	[dreg:$0x3] =	wrdreg s0  }
0xad: {  	[dreg:$0x4] =	wrdreg $0x9  }
0xae: {  	_ =	task.clear_ibuf [dreg:s5], $0x5FFFF;
	_ =	strace $0x90000046  }
0xaf: {  	s26 =	simm.s32 $0x9;
	_ =	strace $0x80000048  }
0xb0: {  	_ =	swait.ge [sflag:s26], $0x1  }
0xb1: {  	[sflag:s26] =	ssyncadd.s32 $0xFFFFFFFF  }
0xb2: {  	_ =	strace $0x90000048  }
0xb3: {  	_ =	sfence  }
0xb4: {  	s28 =	sld [smem:$0x0];
	_ =	sdelay $0x1  }
0xb5: {  	s29 =	srdreg.scid  }
0xb6: {  	s30 =	sshll.u32 s29, $0xD;
	s31 =	sshrl.u32 s29, $0x2  }
0xb7: {  	s2 =	sand.u32 $0x4000, s30;
	s1 =	sand.u32 $0x1, s29;
	s0 =	sadd.s32 s31, s28  }
0xb8: {  	s1 =	sor.u32 s2, s1;
	s0 =	sshll.u32 s0, $0x11  }
0xb9: {  	s0 =	sor.u32 s0, s1  }
0xba: {  	s0 =	sadd.s32 $0x8F2B, s0  }
0xbb: {  	[sflag:s0] =	ssyncadd.remote.s32 $0x1  }
0xbc: {  	_ =	sfence.sel $0xFFFF  }
0xbd: {  	[dreg:$0x0] =	wrdreg $0xFFFFFFFF;
	(pc) =	sbr.abs _section_cstart, $3  }
0xbe: {  	[dreg:$0x1] =	wrdreg $0xFFFFFFFF  }
0xbf: {  	_ =	task.clear_ibuf [dreg:s5], $0x2FFFF;
	_ =	strace $0x9FFFFFFF  }
0xc0: {  	(tm) =	ssettm $0x7FFFFFFF  }
0xc1: {  	_ =	shalt  }
tec
execute0_lowered:
.L_overlay_start_1:
0x0: {  	(tag) =	ssettag $0x1  }
0x1: {  	s5 =	rddreg [dreg:$0x0]  }
0x2: {  	s6 =	rddreg [dreg:$0x1]  }
0x3: {  	s0 =	rddreg [dreg:$0x2];
	_ =	strace $0x80000047;
	s7 =	stileid.u32  }
0x4: {  	s3 =	simm.s32 $0x3E;
	s1 =	sadd.s32 $0x1200, s5;
	p0 =	sne.s32 s7, $0x0  }
0x5: {  	[sflag:s3] =	ssyncpa.u1 $0x0;
	s4 =	simm.s32 @!p0 $0x1C3E;
	s2 =	simm.s32 @!p0 $0x0  }
0x6: {  	[spmem:s2], [sflag:s4] =	dma.local @!p0 [hbm:s1], $0x10  }
0x7: {  	s4 =	simm.s32 @!p0 $0x3E  }
0x8: {  	_ =	swait.ge @!p0 [sflag:s4], $0x10  }
0x9: {  	[sflag:s4] =	ssyncset.done @!p0 $0x0  }
0xa: {  	[sflag:s4] =	ssyncadd.s32 @!p0 $0xFFFFFFF0  }
0xb: {  	s9 =	simm.s32 $0x108;
	s8 =	sadd.s32 $0x1000, s5;
	[bflag:$0x0] =	sbarrier.arrive $0xFFFF  }
0xc: {  	s7 =	sshll.u32 s7, $0x5;
	[sflag:s3] =	ssyncpa.u1 $0x1;
	s3 =	simm.s32 $0x1  }
0xd: {  	s5 =	simm.s32 $0x0;
	s4 =	simm.s32 $0x2;
	[sflag:s3] =	ssyncpa.u1 $0x0  }
0xe: {  	s6 =	sadd.s32 s6, s7;
	(ifvalue) =	ssetifvalue $0x80;
	[sflag:s4] =	ssyncpa.u1 $0x0  }
0xf: {  	[tilespmem:s9], [sflag:$0x2] =	stream.linear.gather [hbm4b:s6+s5], $0x100, $0x38;
	[tilespmem:$0x408] =	vst v63  }
0x10: {  	s23 =	simm.s32 $0x308;
	s22 =	sadd.s32 s8, s7  }
0x11: {  	[tilespmem:s23], [sflag:$0x2] =	stream.linear.gather [hbm4b:s22+s5], $0x100, $0x38;
	[tilespmem:$0x408] =	vst v63  }
0x12: {  	_ =	swait.ge [sflag:s4], $0x200  }
0x13: {  	[sflag:s4] =	ssyncset.done $0x0  }
0x14: {  	[sflag:s4] =	ssyncadd.s32 $0xFFFFFE00  }
0x15: {  	v0 =	vld.msk [tilespmem:s9+$0x0 ss:$0x1], $0xffff;
	_ =	sdelay $0x4  }
0x16: {  	v0 =	vmin.u32 v0, $0x80;
	_ =	sdelay $0x3  }
0x17: {  	vm0 =	vmmov $0xffff;
	s24 =	simm.s32 $0x118  }
0x18: {  	[spmem:s5] =	stream.indirect_vreg.scatter.add.s32 [tilespmem:s23], [sflag:$0x1], $0x1, v0, vm0, $0x4038;
	[tilespmem:$0x408] =	vst v63  }
0x19: {  	v0 =	vld.msk [tilespmem:s24+$0x0 ss:$0x1], $0xffff;
	_ =	sdelay $0x4  }
0x1a: {  	v0 =	vmin.u32 v0, $0x80;
	_ =	sdelay $0x3  }
0x1b: {  	s25 =	simm.s32 $0x318;
	s26 =	simm.s32 $0x128  }
0x1c: {  	[spmem:s5] =	stream.indirect_vreg.scatter.add.s32 [tilespmem:s25], [sflag:$0x1], $0x1, v0, vm0, $0x4038;
	[tilespmem:$0x408] =	vst v63  }
0x1d: {  	v0 =	vld.msk [tilespmem:s26+$0x0 ss:$0x1], $0xffff;
	_ =	sdelay $0x4  }
0x1e: {  	v0 =	vmin.u32 v0, $0x80;
	_ =	sdelay $0x3  }
0x1f: {  	s28 =	simm.s32 $0x328;
	s29 =	simm.s32 $0x138  }
0x20: {  	[spmem:s5] =	stream.indirect_vreg.scatter.add.s32 [tilespmem:s28], [sflag:$0x1], $0x1, v0, vm0, $0x4038;
	[tilespmem:$0x408] =	vst v63  }
0x21: {  	v0 =	vld.msk [tilespmem:s29+$0x0 ss:$0x1], $0xffff;
	_ =	sdelay $0x4  }
0x22: {  	v0 =	vmin.u32 v0, $0x80;
	_ =	sdelay $0x3  }
0x23: {  	s30 =	simm.s32 $0x338;
	s31 =	simm.s32 $0x148  }
0x24: {  	[spmem:s5] =	stream.indirect_vreg.scatter.add.s32 [tilespmem:s30], [sflag:$0x1], $0x1, v0, vm0, $0x4038;
	[tilespmem:$0x408] =	vst v63  }
0x25: {  	v0 =	vld.msk [tilespmem:s31+$0x0 ss:$0x1], $0xffff;
	_ =	sdelay $0x4  }
0x26: {  	v0 =	vmin.u32 v0, $0x80;
	_ =	sdelay $0x3  }
0x27: {  	s7 =	simm.s32 $0x348;
	s8 =	simm.s32 $0x158  }
0x28: {  	[spmem:s5] =	stream.indirect_vreg.scatter.add.s32 [tilespmem:s7], [sflag:$0x1], $0x1, v0, vm0, $0x4038;
	[tilespmem:$0x408] =	vst v63  }
0x29: {  	v0 =	vld.msk [tilespmem:s8+$0x0 ss:$0x1], $0xffff;
	_ =	sdelay $0x4  }
0x2a: {  	v0 =	vmin.u32 v0, $0x80;
	_ =	sdelay $0x3  }
0x2b: {  	s10 =	simm.s32 $0x168;
	s9 =	simm.s32 $0x358  }
0x2c: {  	[spmem:s5] =	stream.indirect_vreg.scatter.add.s32 [tilespmem:s9], [sflag:$0x1], $0x1, v0, vm0, $0x4038;
	[tilespmem:$0x408] =	vst v63  }
0x2d: {  	v0 =	vld.msk [tilespmem:s10+$0x0 ss:$0x1], $0xffff;
	_ =	sdelay $0x4  }
0x2e: {  	v0 =	vmin.u32 v0, $0x80;
	_ =	sdelay $0x3  }
0x2f: {  	s11 =	simm.s32 $0x368;
	s12 =	simm.s32 $0x178  }
0x30: {  	[spmem:s5] =	stream.indirect_vreg.scatter.add.s32 [tilespmem:s11], [sflag:$0x1], $0x1, v0, vm0, $0x4038;
	[tilespmem:$0x408] =	vst v63  }
0x31: {  	v0 =	vld.msk [tilespmem:s12+$0x0 ss:$0x1], $0xffff;
	_ =	sdelay $0x4  }
0x32: {  	v0 =	vmin.u32 v0, $0x80;
	_ =	sdelay $0x3  }
0x33: {  	s13 =	simm.s32 $0x378;
	s14 =	simm.s32 $0x188  }
0x34: {  	[spmem:s5] =	stream.indirect_vreg.scatter.add.s32 [tilespmem:s13], [sflag:$0x1], $0x1, v0, vm0, $0x4038;
	[tilespmem:$0x408] =	vst v63  }
0x35: {  	v0 =	vld.msk [tilespmem:s14+$0x0 ss:$0x1], $0xffff;
	_ =	sdelay $0x4  }
0x36: {  	v0 =	vmin.u32 v0, $0x80;
	_ =	sdelay $0x3  }
0x37: {  	s15 =	simm.s32 $0x388;
	s16 =	simm.s32 $0x198  }
0x38: {  	[spmem:s5] =	stream.indirect_vreg.scatter.add.s32 [tilespmem:s15], [sflag:$0x1], $0x1, v0, vm0, $0x4038;
	[tilespmem:$0x408] =	vst v63  }
0x39: {  	v0 =	vld.msk [tilespmem:s16+$0x0 ss:$0x1], $0xffff;
	_ =	sdelay $0x4  }
0x3a: {  	v0 =	vmin.u32 v0, $0x80;
	_ =	sdelay $0x3  }
0x3b: {  	s17 =	simm.s32 $0x398;
	s18 =	simm.s32 $0x1A8  }
0x3c: {  	[spmem:s5] =	stream.indirect_vreg.scatter.add.s32 [tilespmem:s17], [sflag:$0x1], $0x1, v0, vm0, $0x4038;
	[tilespmem:$0x408] =	vst v63  }
0x3d: {  	v0 =	vld.msk [tilespmem:s18+$0x0 ss:$0x1], $0xffff;
	_ =	sdelay $0x4  }
0x3e: {  	v0 =	vmin.u32 v0, $0x80;
	_ =	sdelay $0x3  }
0x3f: {  	s19 =	simm.s32 $0x3A8;
	s20 =	simm.s32 $0x1B8  }
0x40: {  	[spmem:s5] =	stream.indirect_vreg.scatter.add.s32 [tilespmem:s19], [sflag:$0x1], $0x1, v0, vm0, $0x4038;
	[tilespmem:$0x408] =	vst v63  }
0x41: {  	v0 =	vld.msk [tilespmem:s20+$0x0 ss:$0x1], $0xffff;
	_ =	sdelay $0x4  }
0x42: {  	v0 =	vmin.u32 v0, $0x80;
	_ =	sdelay $0x3  }
0x43: {  	s21 =	simm.s32 $0x3B8;
	s22 =	simm.s32 $0x1C8  }
0x44: {  	[spmem:s5] =	stream.indirect_vreg.scatter.add.s32 [tilespmem:s21], [sflag:$0x1], $0x1, v0, vm0, $0x4038;
	[tilespmem:$0x408] =	vst v63  }
0x45: {  	v0 =	vld.msk [tilespmem:s22+$0x0 ss:$0x1], $0xffff;
	_ =	sdelay $0x4  }
0x46: {  	v0 =	vmin.u32 v0, $0x80;
	_ =	sdelay $0x3  }
0x47: {  	s23 =	simm.s32 $0x3C8;
	s24 =	simm.s32 $0x1D8  }
0x48: {  	[spmem:s5] =	stream.indirect_vreg.scatter.add.s32 [tilespmem:s23], [sflag:$0x1], $0x1, v0, vm0, $0x4038;
	[tilespmem:$0x408] =	vst v63  }
0x49: {  	v0 =	vld.msk [tilespmem:s24+$0x0 ss:$0x1], $0xffff;
	_ =	sdelay $0x4  }
0x4a: {  	v0 =	vmin.u32 v0, $0x80;
	_ =	sdelay $0x3  }
0x4b: {  	s25 =	simm.s32 $0x3D8;
	s26 =	simm.s32 $0x1E8  }
0x4c: {  	[spmem:s5] =	stream.indirect_vreg.scatter.add.s32 [tilespmem:s25], [sflag:$0x1], $0x1, v0, vm0, $0x4038;
	[tilespmem:$0x408] =	vst v63  }
0x4d: {  	v0 =	vld.msk [tilespmem:s26+$0x0 ss:$0x1], $0xffff;
	_ =	sdelay $0x4  }
0x4e: {  	v0 =	vmin.u32 v0, $0x80;
	_ =	sdelay $0x3  }
0x4f: {  	s28 =	simm.s32 $0x3E8;
	s29 =	simm.s32 $0x1F8  }
0x50: {  	[spmem:s5] =	stream.indirect_vreg.scatter.add.s32 [tilespmem:s28], [sflag:$0x1], $0x1, v0, vm0, $0x4038;
	[tilespmem:$0x408] =	vst v63  }
0x51: {  	v0 =	vld.msk [tilespmem:s29+$0x0 ss:$0x1], $0xffff;
	_ =	sdelay $0x4  }
0x52: {  	v0 =	vmin.u32 v0, $0x80;
	_ =	sdelay $0x3  }
0x53: {  	s30 =	simm.s32 $0x3F8  }
0x54: {  	[spmem:s5] =	stream.indirect_vreg.scatter.add.s32 [tilespmem:s30], [sflag:$0x1], $0x1, v0, vm0, $0x4038;
	[tilespmem:$0x408] =	vst v63  }
0x55: {  	_ =	swait.ge [sflag:s3], $0x100  }
0x56: {  	[sflag:s3] =	ssyncset.done $0x0  }
0x57: {  	[sflag:s3] =	ssyncadd.s32 $0xFFFFFF00  }
0x58: {  	_ =	sfence.sel $0x180000  }
0x59: {  	[bflag:$0x0] =	sbarrier.arrive $0xFFFF  }
0x5a: {  	[sflag:s4] =	ssyncpa.u1 $0x1  }
0x5b: {  	[sflag:s3] =	ssyncpa.u1 $0x1  }
0x5c: {  	_ =	sfence.stream.spmem  }
0x5d: {  	s31 =	simm.s32 $0x3D;
	[bflag:$0x0] =	sbarrier.arrive $0xFFFF  }
0x5e: {  	s3 =	simm.s32 @p0 $0x3D;
	[sflag:s31] =	ssyncpa.u1 $0x0  }
0x5f: {  	[sflag:s3] =	ssyncpa.u1 @p0 $0x1  }
0x60: {  	[bflag:$0x0] =	sbarrier.arrive @p0 $0xFFFF  }
0x61: {  	_ =	strace @p0 $0x90000047  }
0x62: {  	s3 =	simm.s32 @!p0 $0x1C3D;
	[bflag:$0x2] =	sbarrier.arrive @p0 $0xFFFF  }
0x63: {  	[hbm:s1], [sflag:s3] =	dma.local @!p0 [spmem:s2], $0x10  }
0x64: {  	s1 =	simm.s32 @!p0 $0x3D  }
0x65: {  	_ =	swait.ge @!p0 [sflag:s1], $0x10  }
0x66: {  	[sflag:s1] =	ssyncset.done @!p0 $0x0  }
0x67: {  	[sflag:s1] =	ssyncadd.s32 @!p0 $0xFFFFFFF0  }
0x68: {  	[sflag:s1] =	ssyncpa.u1 @!p0 $0x1  }
0x69: {  	[bflag:$0x0] =	sbarrier.arrive @!p0 $0xFFFF  }
0x6a: {  	_ =	strace @!p0 $0x90000047  }
0x6b: {  	s0 =	sadd.s32 @!p0 $0x100000, s0;
	[bflag:$0x2] =	sbarrier.arrive @!p0 $0xFFFF  }
0x6c: {  	[sflag:s0] =	ssyncadd.tile.s32 @!p0 $0x1;
	_ =	shalt  }
.Lfunc_end2:
_tile_overlayer_lowered:
.L_overlay_start_2:
0x6d: {  	(tag) =	ssettag $0x2  }
0x6e: {  	s0 =	rddreg [dreg:$0x0];
	s2 =	stileid.u32  }
0x6f: {  	s1 =	rddreg [dreg:$0x1];
	p0 =	sne.s32 s2, $0x0  }
0x70: {  	s3 =	rddreg [dreg:$0x2];
	[bflag:$0x3] =	sbarrier.arrive $0xFFFF;
	s2 =	simm.s32 @!p0 $0x1C01  }
0x71: {  	[timem:s3], [sflag:s2] =	dma.local @!p0 [hbm:s0], s1  }
0x72: {  	s0 =	simm.s32 @!p0 $0x1  }
0x73: {  	_ =	swait.ge @!p0 [sflag:s0], s1  }
0x74: {  	s1 =	ssub.s32 @!p0 $0x0, s1;
	[sflag:s0] =	ssyncset.done @!p0 $0x0  }
0x75: {  	[sflag:s0] =	ssyncadd.s32 @!p0 s1  }
0x76: {  	[bflag:$0x3] =	sbarrier.arrive $0xFFFF  }
0x77: {  	_ =	shalt  }

</sc_bundles>
